<compile_context>
chip_gen: v7x
topology: tpu7x:2x2x1
jax: 0.10.2.dev20260603
libtpu: 0.0.44.dev20260713+nightly
codegen_flags: <defaults>
</compile_context>

<pallas_src>
import functools

import jax
import jax.numpy as jnp
from jax import lax
from jax.experimental import pallas as pl
from jax.experimental.pallas import tpu as pltpu
from jax.experimental.pallas import tpu_sc as plsc

_NC, _NS = 2, 16


def _chunk_size(n, cap=128):
    best = 0
    for c in range(8, cap + 1, 8):
        if n % c == 0:
            best = c
    assert best, n
    return best


_GC = 32
_JUNK = 64
_SG = 16
_NB = 4


def _pad_edges(src, dst, n_nodes):
    e = src.shape[0]
    unit = _GC * _NB * _NS * _NC
    ep = -(-e // unit) * unit
    pad = ep - e
    fill = jnp.arange(pad, dtype=src.dtype)
    srcp = jnp.concatenate([src, fill % jnp.int32(n_nodes)])
    dstp = jnp.concatenate([dst, n_nodes + fill % _JUNK])
    return srcp, dstp


def _zero_init(z_hbm, acc, s, rows, tail):
    pltpu.sync_copy(z_hbm.at[pl.ds(s * rows, rows)], acc.at[pl.ds(s * rows, rows)])
    if tail:
        @pl.when(s == _NS - 1)
        def _():
            pltpu.sync_copy(z_hbm.at[pl.ds(_NS * rows, tail)],
                            acc.at[pl.ds(_NS * rows, tail)])


def _writeback(acc, out, s, rows, tail):
    pltpu.sync_copy(acc.at[pl.ds(s * rows, rows)], out.at[pl.ds(s * rows, rows)])
    if tail:
        @pl.when(s == _NS - 1)
        def _():
            pltpu.sync_copy(acc.at[pl.ds(_NS * rows, tail)],
                            out.at[pl.ds(_NS * rows, tail)])


def _sc_degree(dstp, n_nodes):
    ep = dstp.shape[0]
    ew = ep // (_NC * _NS)
    ng = ew // _SG
    assert ng * _SG * _NC * _NS == ep
    rows = (n_nodes // _NS) // 8 * 8
    tail = n_nodes - _NS * rows
    z = jnp.zeros((n_nodes, 128), jnp.float32)
    ones = jnp.ones((_SG, 128), jnp.float32)
    mesh = plsc.VectorSubcoreMesh(core_axis_name="c", subcore_axis_name="s")

    @functools.partial(
        pl.kernel,
        out_type=[jax.ShapeDtypeStruct((n_nodes, 128), jnp.float32)] * 2,
        mesh=mesh,
        scratch_types=[
            pltpu.VMEM((ew,), jnp.int32),
            pltpu.VMEM((_SG, 128), jnp.float32),
            pltpu.VMEM_SHARED((n_nodes + _JUNK, 128), jnp.float32),
        ],
    )
    def deg_kernel(dst_hbm, z_hbm, ones_hbm, out0, out1, dst_v, ones_v, acc):
        c = lax.axis_index("c")
        s = lax.axis_index("s")
        wid = s * _NC + c
        pltpu.sync_copy(ones_hbm, ones_v)
        pltpu.sync_copy(dst_hbm.at[pl.ds(wid * ew, ew)], dst_v)
        _zero_init(z_hbm, acc, s, rows, tail)
        plsc.subcore_barrier()

        def body(k, carry):
            idx = dst_v[pl.ds(k * _SG, _SG)]
            pltpu.sync_copy(ones_v, acc.at[idx], add=True)
            return carry

        lax.fori_loop(0, ng, body, 0)
        plsc.subcore_barrier()

        @pl.when(c == 0)
        def _():
            _writeback(acc, out0, s, rows, tail)

        @pl.when(c == 1)
        def _():
            _writeback(acc, out1, s, rows, tail)

    return deg_kernel(dstp, z, ones)


def _agg_pipeline(tab, acc, src_v, dst_v, rows_v, gsem, nchunks, nb):
    ngroups = nchunks // nb

    def issue(slot, k):
        pltpu.async_copy(tab.at[src_v.at[pl.ds(k * _GC, _GC)]],
                         rows_v[slot], gsem[slot])

    def drain(slot, k):
        pltpu.make_async_copy(tab.at[src_v.at[pl.ds(k * _GC, _GC)]],
                              rows_v[slot], gsem[slot]).wait()
        for j in range(_GC // _SG):
            idx = dst_v[pl.ds(k * _GC + j * _SG, _SG)]
            pltpu.sync_copy(rows_v[slot].at[pl.ds(j * _SG, _SG)],
                            acc.at[idx], add=True)

    for b in range(nb):
        issue(b, b)

    def group(g, carry):
        for b in range(nb):
            k = g * nb + b
            drain(b, k)
            issue(b, k + nb)
        return carry

    lax.fori_loop(0, ngroups - 1, group, 0)
    for b in range(nb):
        drain(b, (ngroups - 1) * nb + b)


def _sc_aggregate(tab_a, tab_b, srcp, dstp):
    n_nodes, dh = tab_a.shape
    ep = srcp.shape[0]
    ew = ep // _NS
    nch_s = ew // _GC
    assert nch_s * _GC * _NS == ep and nch_s % _NB == 0
    rows = (n_nodes // _NS) // 8 * 8
    tail = n_nodes - _NS * rows
    z = jnp.zeros((n_nodes, dh), jnp.float32)
    mesh = plsc.VectorSubcoreMesh(core_axis_name="c", subcore_axis_name="s")

    @functools.partial(
        pl.kernel,
        out_type=[jax.ShapeDtypeStruct((n_nodes, dh), jnp.float32)] * 2,
        mesh=mesh,
        scratch_types=[
            pltpu.VMEM((ew,), jnp.int32),
            pltpu.VMEM((ew,), jnp.int32),
            [pltpu.VMEM((_GC, dh), jnp.float32)] * _NB,
            [pltpu.SemaphoreType.DMA] * _NB,
            pltpu.VMEM_SHARED((n_nodes + _JUNK, dh), jnp.float32),
        ],
    )
    def agg_kernel(ta, tb, src_hbm, dst_hbm, z_hbm, out_a, out_b,
                   src_v, dst_v, rows_v, gsem, acc):
        c = lax.axis_index("c")
        s = lax.axis_index("s")

        def run(tab, out):
            pltpu.sync_copy(src_hbm.at[pl.ds(s * ew, ew)], src_v)
            pltpu.sync_copy(dst_hbm.at[pl.ds(s * ew, ew)], dst_v)
            _zero_init(z_hbm, acc, s, rows, tail)
            plsc.subcore_barrier()
            _agg_pipeline(tab, acc, src_v, dst_v, rows_v, gsem, nch_s, _NB)
            plsc.subcore_barrier()
            _writeback(acc, out, s, rows, tail)

        @pl.when(c == 0)
        def _():
            run(ta, out_a)

        @pl.when(c == 1)
        def _():
            run(tb, out_b)

    return agg_kernel(tab_a, tab_b, srcp, dstp, z)


def _sc_aggregate_edges(tab, srcp, dstp):
    n_nodes, dh = tab.shape
    assert dh % 128 == 0
    ep = srcp.shape[0]
    ec = ep // _NC
    ew = ec // _NS
    nch_s = ew // _GC
    assert nch_s * _GC * _NS * _NC == ep and nch_s % _NB == 0
    rows = (n_nodes // _NS) // 8 * 8
    tail = n_nodes - _NS * rows
    z = jnp.zeros((n_nodes, dh), jnp.float32)
    mesh = plsc.VectorSubcoreMesh(core_axis_name="c", subcore_axis_name="s")

    @functools.partial(
        pl.kernel,
        out_type=[jax.ShapeDtypeStruct((n_nodes, dh), jnp.float32)] * 2,
        mesh=mesh,
        scratch_types=[
            pltpu.VMEM((ew,), jnp.int32),
            pltpu.VMEM((ew,), jnp.int32),
            [pltpu.VMEM((_GC, dh), jnp.float32)] * _NB,
            [pltpu.SemaphoreType.DMA] * _NB,
            pltpu.VMEM_SHARED((n_nodes + _JUNK, dh), jnp.float32),
        ],
    )
    def agg_kernel(tab_hbm, src_hbm, dst_hbm, z_hbm, out0, out1,
                   src_v, dst_v, rows_v, gsem, acc):
        c = lax.axis_index("c")
        s = lax.axis_index("s")
        base = c * ec + s * ew
        pltpu.sync_copy(src_hbm.at[pl.ds(base, ew)], src_v)
        pltpu.sync_copy(dst_hbm.at[pl.ds(base, ew)], dst_v)
        _zero_init(z_hbm, acc, s, rows, tail)
        plsc.subcore_barrier()
        _agg_pipeline(tab_hbm, acc, src_v, dst_v, rows_v, gsem, nch_s, _NB)
        plsc.subcore_barrier()

        @pl.when(c == 0)
        def _():
            _writeback(acc, out0, s, rows, tail)

        @pl.when(c == 1)
        def _():
            _writeback(acc, out1, s, rows, tail)

    return agg_kernel(tab, srcp, dstp, z)


def _dinv_from(d0, d1):
    deg = d0[:, :1] + d1[:, :1] + 1.0
    return lax.rsqrt(deg)


def _tc_pre(x, w1, d0, d1):
    n, f = x.shape
    hid = w1.shape[1]
    bn = 1000
    grid = n // bn

    def body(x_r, w_r, d0_r, d1_r, oa_r, ob_r):
        dinv = _dinv_from(d0_r[...], d1_r[...])
        r = jnp.dot(x_r[...], w_r[...], preferred_element_type=jnp.float32)
        hs = dinv * r
        oa_r[...] = hs[:, : hid // 2]
        ob_r[...] = hs[:, hid // 2:]

    return pl.pallas_call(
        body,
        grid=(grid,),
        in_specs=[
            pl.BlockSpec((bn, f), lambda i: (i, 0)),
            pl.BlockSpec((f, hid), lambda i: (0, 0)),
            pl.BlockSpec((bn, 128), lambda i: (i, 0)),
            pl.BlockSpec((bn, 128), lambda i: (i, 0)),
        ],
        out_specs=[
            pl.BlockSpec((bn, hid // 2), lambda i: (i, 0)),
            pl.BlockSpec((bn, hid // 2), lambda i: (i, 0)),
        ],
        out_shape=[jax.ShapeDtypeStruct((n, hid // 2), jnp.float32)] * 2,
    )(x, w1, d0, d1)


def _tc_mid(a1a, a1b, hs0a, hs0b, d0, d1, b1, wc):
    n = a1a.shape[0]
    hid = 2 * a1a.shape[1]
    dl2 = wc.shape[1]
    bn = 1000
    grid = n // bn

    def body(aa_r, ab_r, ha_r, hb_r, d0_r, d1_r, b1_r, w_r, o_r):
        dinv = _dinv_from(d0_r[...], d1_r[...])
        agg = jnp.concatenate([aa_r[...], ab_r[...]], axis=1)
        hs0 = jnp.concatenate([ha_r[...], hb_r[...]], axis=1)
        h = jnp.maximum(dinv * (agg + hs0) + b1_r[...], 0.0)
        hc = jnp.dot(h, w_r[...], preferred_element_type=jnp.float32)
        o_r[...] = dinv * hc

    return pl.pallas_call(
        body,
        grid=(grid,),
        in_specs=[
            pl.BlockSpec((bn, hid // 2), lambda i: (i, 0)),
            pl.BlockSpec((bn, hid // 2), lambda i: (i, 0)),
            pl.BlockSpec((bn, hid // 2), lambda i: (i, 0)),
            pl.BlockSpec((bn, hid // 2), lambda i: (i, 0)),
            pl.BlockSpec((bn, 128), lambda i: (i, 0)),
            pl.BlockSpec((bn, 128), lambda i: (i, 0)),
            pl.BlockSpec((1, hid), lambda i: (0, 0)),
            pl.BlockSpec((hid, dl2), lambda i: (0, 0)),
        ],
        out_specs=pl.BlockSpec((bn, dl2), lambda i: (i, 0)),
        out_shape=jax.ShapeDtypeStruct((n, dl2), jnp.float32),
    )(a1a, a1b, hs0a, hs0b, d0, d1, b1, wc)


def _tc_post(p0, p1, hsc, d0, d1, bmu, blv, eps):
    n, dl2 = p0.shape
    dl = dl2 // 2
    bn = 1000
    grid = n // bn

    def body(p0_r, p1_r, h_r, d0_r, d1_r, bmu_r, blv_r, eps_r, o_r):
        dinv = _dinv_from(d0_r[...], d1_r[...])
        g = dinv * (p0_r[...] + p1_r[...] + h_r[...])
        mu = g[:, :dl] + bmu_r[...]
        logvar = g[:, dl:] + blv_r[...]
        z = mu + eps_r[...] * jnp.exp(0.5 * logvar)
        o_r[...] = jnp.concatenate([z, mu, logvar], axis=1)

    return pl.pallas_call(
        body,
        grid=(grid,),
        in_specs=[
            pl.BlockSpec((bn, dl2), lambda i: (i, 0)),
            pl.BlockSpec((bn, dl2), lambda i: (i, 0)),
            pl.BlockSpec((bn, dl2), lambda i: (i, 0)),
            pl.BlockSpec((bn, 128), lambda i: (i, 0)),
            pl.BlockSpec((bn, 128), lambda i: (i, 0)),
            pl.BlockSpec((1, dl), lambda i: (0, 0)),
            pl.BlockSpec((1, dl), lambda i: (0, 0)),
            pl.BlockSpec((bn, dl), lambda i: (i, 0)),
        ],
        out_specs=pl.BlockSpec((bn, 3 * dl), lambda i: (i, 0)),
        out_shape=jax.ShapeDtypeStruct((n, 3 * dl), jnp.float32),
    )(p0, p1, hsc, d0, d1, bmu, blv, eps)


def kernel(x, edge_index, W1, b1, Wmu, bmu, Wlv, blv, eps):
    n = x.shape[0]
    src2d, dst2d = _pad_edges(edge_index[0], edge_index[1], n)
    d0, d1 = _sc_degree(dst2d, n)
    hs0a, hs0b = _tc_pre(x, W1, d0, d1)
    a1a, a1b = _sc_aggregate(hs0a, hs0b, src2d, dst2d)
    wc = jnp.concatenate([Wmu, Wlv], axis=1)
    hsc = _tc_mid(a1a, a1b, hs0a, hs0b, d0, d1, b1.reshape(1, -1), wc)
    p0, p1 = _sc_aggregate_edges(hsc, src2d, dst2d)
    return _tc_post(p0, p1, hsc, d0, d1,
                    bmu.reshape(1, -1), blv.reshape(1, -1), eps)

# --- scband reference (transcript-rebuilt; emitter-appended) ---
"""Pipeline reference for scband-vae-84086869721570 (READ-ONLY COPY).

The authoritative reference and input builder live on the scoring server;
editing this copy changes nothing except your own understanding.
"""

import jax, jax.numpy as jnp
import numpy as np

N_NODES = 10000
N_FEAT = 256
N_HID = 256
N_LATENT = 64
N_EDGES = 160000


def gcn_conv(x, edge_index, W, b, n_nodes):
    # GCNConv with self-loops and symmetric normalization
    src = edge_index[0]
    dst = edge_index[1]
    loop = jnp.arange(n_nodes, dtype=src.dtype)
    src = jnp.concatenate([src, loop])
    dst = jnp.concatenate([dst, loop])
    deg = jnp.zeros((n_nodes,), dtype=x.dtype).at[dst].add(1.0)
    dinv = jnp.where(deg > 0, 1.0 / jnp.sqrt(deg), 0.0)
    norm = dinv[src] * dinv[dst]
    h = x @ W
    msg = h[src] * norm[:, None]
    out = jnp.zeros((n_nodes, W.shape[1]), dtype=x.dtype).at[dst].add(msg)
    return out + b


def setup_inputs(seed: int = 0) -> dict:
    key = jax.random.key(seed)
    k1, k2, k3, k4, k5, k6 = jax.random.split(key, 6)
    x = jax.random.normal(k1, (N_NODES, N_FEAT), dtype=jnp.float32)
    edge_index = jax.random.randint(k2, (2, N_EDGES), 0, N_NODES, dtype=jnp.int64 if jax.config.jax_enable_x64 else jnp.int32).astype(jnp.int32)
    s1 = 1.0 / np.sqrt(N_FEAT)
    s2 = 1.0 / np.sqrt(N_HID)
    W1 = jax.random.uniform(k3, (N_FEAT, N_HID), jnp.float32, -s1, s1)
    b1 = jnp.zeros((N_HID,), jnp.float32)
    Wmu = jax.random.uniform(k4, (N_HID, N_LATENT), jnp.float32, -s2, s2)
    bmu = jnp.zeros((N_LATENT,), jnp.float32)
    Wlv = jax.random.uniform(k5, (N_HID, N_LATENT), jnp.float32, -s2, s2)
    blv = jnp.zeros((N_LATENT,), jnp.float32)
    eps = jax.random.normal(k6, (N_NODES, N_LATENT), dtype=jnp.float32)
    return {"x": x, "edge_index": edge_index, "W1": W1, "b1": b1, "Wmu": Wmu, "bmu": bmu, "Wlv": Wlv, "blv": blv, "eps": eps}


def reference(x, edge_index, W1, b1, Wmu, bmu, Wlv, blv, eps):
    n = x.shape[0]
    h = jax.nn.relu(gcn_conv(x, edge_index, W1, b1, n))
    # dropout is identity in eval mode (deterministic reference)
    mu = gcn_conv(h, edge_index, Wmu, bmu, n)
    logvar = gcn_conv(h, edge_index, Wlv, blv, n)
    std = jnp.exp(0.5 * logvar)
    z = mu + eps * std
    out = jnp.concatenate([z, mu, logvar], axis=1)
    return out

if __name__ == "__main__":
    import jax
    _d = setup_inputs()
    print(jax.jit(kernel)(*tuple(_d.values())))

</pallas_src>

<mosaic_0001>
#map = affine_map<(d0, d1) -> (0, 0)>
#map1 = affine_map<(d0, d1) -> (0)>
module attributes {stable_mosaic.version = 14 : i64} {
  func.func @agg_kernel(%arg0: i32, %arg1: i32, %arg2: memref<10000x128xf32, #tpu.memory_space<hbm>>, %arg3: memref<10000x128xf32, #tpu.memory_space<hbm>>, %arg4: memref<163840xi32, #tpu.memory_space<hbm>>, %arg5: memref<163840xi32, #tpu.memory_space<hbm>>, %arg6: memref<10000x128xf32, #tpu.memory_space<hbm>>, %arg7: memref<10000x128xf32, #tpu.memory_space<hbm>>, %arg8: memref<10000x128xf32, #tpu.memory_space<hbm>>, %arg9: memref<10240xi32, #tpu.memory_space<vmem>>, %arg10: memref<10240xi32, #tpu.memory_space<vmem>>, %arg11: memref<32x128xf32, #tpu.memory_space<vmem>>, %arg12: memref<32x128xf32, #tpu.memory_space<vmem>>, %arg13: memref<32x128xf32, #tpu.memory_space<vmem>>, %arg14: memref<32x128xf32, #tpu.memory_space<vmem>>, %arg15: memref<!tpu.dma_semaphore, #tpu.memory_space<semaphore_mem>>, %arg16: memref<!tpu.dma_semaphore, #tpu.memory_space<semaphore_mem>>, %arg17: memref<!tpu.dma_semaphore, #tpu.memory_space<semaphore_mem>>, %arg18: memref<!tpu.dma_semaphore, #tpu.memory_space<semaphore_mem>>, %arg19: memref<10064x128xf32, #tpu.memory_space<vmem_shared>>) attributes {dimension_semantics = [#tpu.dimension_semantics<core_parallel>, #tpu.dimension_semantics<subcore_parallel>], iteration_bounds = array<i64: 2, 16>, scalar_prefetch = 0 : i64, scratch_operands = 11 : i64, tpu.core_type = #tpu.core_type<sc_vector_subcore>, window_params = [{transform_indices = #map}, {transform_indices = #map}, {transform_indices = #map1}, {transform_indices = #map1}, {transform_indices = #map}, {transform_indices = #map}, {transform_indices = #map}]} {
    %eq3A = arith.constant 0 : i32
    %eq3A_0 = arith.cmpi eq, %arg0, %eq3A : i32
    %convert_element_type3A = arith.extui %eq3A_0 : i1 to i32
    %cond3A = arith.constant 0 : i32
    %cond3A_1 = arith.cmpi ne, %convert_element_type3A, %cond3A : i32
    scf.if %cond3A_1 {
      %mul3A = arith.constant 10240 : i32
      %mul3A_7 = arith.muli %arg1, %mul3A : i32
      "tpu.region"() ({
        %run_scoped3A = tpu.sem_alloc : memref<!tpu.dma_semaphore, #tpu.memory_space<semaphore_mem>>
        %dma_start3A_95 = tpu.memref_slice %arg4[%mul3A_7] : memref<163840xi32, #tpu.memory_space<hbm>> -> memref<10240xi32, #tpu.memory_space<hbm>>
        %dma_start3A_96 = tpu.memref_slice %arg4[%mul3A_7] : memref<163840xi32, #tpu.memory_space<hbm>> -> memref<10240xi32, #tpu.memory_space<hbm>>
        tpu.enqueue_dma source(%dma_start3A_96 : memref<10240xi32, #tpu.memory_space<hbm>>) target(%arg9 : memref<10240xi32, #tpu.memory_space<vmem>>) target_semaphore(%run_scoped3A : memref<!tpu.dma_semaphore, #tpu.memory_space<semaphore_mem>>)
        %dma_wait3A_97 = tpu.memref_slice %arg4[%mul3A_7] : memref<163840xi32, #tpu.memory_space<hbm>> -> memref<10240xi32, #tpu.memory_space<hbm>>
        %dma_wait3A_98 = tpu.memref_slice %arg4[%mul3A_7] : memref<163840xi32, #tpu.memory_space<hbm>> -> memref<10240xi32, #tpu.memory_space<hbm>>
        tpu.wait_dma2 semaphore(%run_scoped3A : memref<!tpu.dma_semaphore, #tpu.memory_space<semaphore_mem>>) src(%dma_wait3A_98 : memref<10240xi32, #tpu.memory_space<hbm>>) dst(%arg9 : memref<10240xi32, #tpu.memory_space<vmem>>)
        tpu.yield
      }) : () -> ()
      %mul3A_8 = arith.constant 10240 : i32
      %mul3A_9 = arith.muli %arg1, %mul3A_8 : i32
      "tpu.region"() ({
        %run_scoped3A = tpu.sem_alloc : memref<!tpu.dma_semaphore, #tpu.memory_space<semaphore_mem>>
        %dma_start3A_95 = tpu.memref_slice %arg5[%mul3A_9] : memref<163840xi32, #tpu.memory_space<hbm>> -> memref<10240xi32, #tpu.memory_space<hbm>>
        %dma_start3A_96 = tpu.memref_slice %arg5[%mul3A_9] : memref<163840xi32, #tpu.memory_space<hbm>> -> memref<10240xi32, #tpu.memory_space<hbm>>
        tpu.enqueue_dma source(%dma_start3A_96 : memref<10240xi32, #tpu.memory_space<hbm>>) target(%arg10 : memref<10240xi32, #tpu.memory_space<vmem>>) target_semaphore(%run_scoped3A : memref<!tpu.dma_semaphore, #tpu.memory_space<semaphore_mem>>)
        %dma_wait3A_97 = tpu.memref_slice %arg5[%mul3A_9] : memref<163840xi32, #tpu.memory_space<hbm>> -> memref<10240xi32, #tpu.memory_space<hbm>>
        %dma_wait3A_98 = tpu.memref_slice %arg5[%mul3A_9] : memref<163840xi32, #tpu.memory_space<hbm>> -> memref<10240xi32, #tpu.memory_space<hbm>>
        tpu.wait_dma2 semaphore(%run_scoped3A : memref<!tpu.dma_semaphore, #tpu.memory_space<semaphore_mem>>) src(%dma_wait3A_98 : memref<10240xi32, #tpu.memory_space<hbm>>) dst(%arg10 : memref<10240xi32, #tpu.memory_space<vmem>>)
        tpu.yield
      }) : () -> ()
      %mul3A_10 = arith.constant 624 : i32
      %mul3A_11 = arith.muli %arg1, %mul3A_10 : i32
      %mul3A_12 = arith.constant 624 : i32
      %mul3A_13 = arith.muli %arg1, %mul3A_12 : i32
      "tpu.region"() ({
        %run_scoped3A = tpu.sem_alloc : memref<!tpu.dma_semaphore, #tpu.memory_space<semaphore_mem>>
        %dma_start3A_95 = arith.constant 0 : i32
        %dma_start3A_96 = tpu.memref_slice %arg19[%mul3A_13, %dma_start3A_95] : memref<10064x128xf32, #tpu.memory_space<vmem_shared>> -> memref<624x128xf32, #tpu.memory_space<vmem_shared>>
        %dma_start3A_97 = arith.constant 0 : i32
        %dma_start3A_98 = tpu.memref_slice %arg6[%mul3A_11, %dma_start3A_97] : memref<10000x128xf32, #tpu.memory_space<hbm>> -> memref<624x128xf32, #tpu.memory_space<hbm>>
        tpu.enqueue_dma source(%dma_start3A_98 : memref<624x128xf32, #tpu.memory_space<hbm>>) target(%dma_start3A_96 : memref<624x128xf32, #tpu.memory_space<vmem_shared>>) target_semaphore(%run_scoped3A : memref<!tpu.dma_semaphore, #tpu.memory_space<semaphore_mem>>)
        %dma_wait3A_99 = arith.constant 0 : i32
        %dma_wait3A_100 = tpu.memref_slice %arg19[%mul3A_13, %dma_wait3A_99] : memref<10064x128xf32, #tpu.memory_space<vmem_shared>> -> memref<624x128xf32, #tpu.memory_space<vmem_shared>>
        %dma_wait3A_101 = arith.constant 0 : i32
        %dma_wait3A_102 = tpu.memref_slice %arg6[%mul3A_11, %dma_wait3A_101] : memref<10000x128xf32, #tpu.memory_space<hbm>> -> memref<624x128xf32, #tpu.memory_space<hbm>>
        tpu.wait_dma2 semaphore(%run_scoped3A : memref<!tpu.dma_semaphore, #tpu.memory_space<semaphore_mem>>) src(%dma_wait3A_102 : memref<624x128xf32, #tpu.memory_space<hbm>>) dst(%dma_wait3A_100 : memref<624x128xf32, #tpu.memory_space<vmem_shared>>)
        tpu.yield
      }) : () -> ()
      %eq3A_14 = arith.constant 15 : i32
      %eq3A_15 = arith.cmpi eq, %arg1, %eq3A_14 : i32
      %convert_element_type3A_16 = arith.extui %eq3A_15 : i1 to i32
      %cond3A_17 = arith.constant 0 : i32
      %cond3A_18 = arith.cmpi ne, %convert_element_type3A_16, %cond3A_17 : i32
      scf.if %cond3A_18 {
        "tpu.region"() ({
          %run_scoped3A = tpu.sem_alloc : memref<!tpu.dma_semaphore, #tpu.memory_space<semaphore_mem>>
          %dma_start3A_95 = arith.constant 9984 : i32
          %dma_start3A_96 = arith.constant 0 : i32
          %dma_start3A_97 = tpu.memref_slice %arg19[%dma_start3A_95, %dma_start3A_96] : memref<10064x128xf32, #tpu.memory_space<vmem_shared>> -> memref<16x128xf32, #tpu.memory_space<vmem_shared>>
          %dma_start3A_98 = arith.constant 9984 : i32
          %dma_start3A_99 = arith.constant 0 : i32
          %dma_start3A_100 = tpu.memref_slice %arg6[%dma_start3A_98, %dma_start3A_99] : memref<10000x128xf32, #tpu.memory_space<hbm>> -> memref<16x128xf32, #tpu.memory_space<hbm>>
          tpu.enqueue_dma source(%dma_start3A_100 : memref<16x128xf32, #tpu.memory_space<hbm>>) target(%dma_start3A_97 : memref<16x128xf32, #tpu.memory_space<vmem_shared>>) target_semaphore(%run_scoped3A : memref<!tpu.dma_semaphore, #tpu.memory_space<semaphore_mem>>)
          %dma_wait3A_101 = arith.constant 9984 : i32
          %dma_wait3A_102 = arith.constant 0 : i32
          %dma_wait3A_103 = tpu.memref_slice %arg19[%dma_wait3A_101, %dma_wait3A_102] : memref<10064x128xf32, #tpu.memory_space<vmem_shared>> -> memref<16x128xf32, #tpu.memory_space<vmem_shared>>
          %dma_wait3A_104 = arith.constant 9984 : i32
          %dma_wait3A_105 = arith.constant 0 : i32
          %dma_wait3A_106 = tpu.memref_slice %arg6[%dma_wait3A_104, %dma_wait3A_105] : memref<10000x128xf32, #tpu.memory_space<hbm>> -> memref<16x128xf32, #tpu.memory_space<hbm>>
          tpu.wait_dma2 semaphore(%run_scoped3A : memref<!tpu.dma_semaphore, #tpu.memory_space<semaphore_mem>>) src(%dma_wait3A_106 : memref<16x128xf32, #tpu.memory_space<hbm>>) dst(%dma_wait3A_103 : memref<16x128xf32, #tpu.memory_space<vmem_shared>>)
          tpu.yield
        }) : () -> ()
      } else {
      }
      %barrier3A = arith.constant 0 : index
      tpu.barrier barrier_id(%barrier3A)
      %dma_start3A = arith.constant 0 : i32
      %dma_start3A_19 = tpu.memref_slice %arg9[%dma_start3A] : memref<10240xi32, #tpu.memory_space<vmem>> -> memref<32xi32, #tpu.memory_space<vmem>>
      %dma_start3A_20 = arith.constant 0 : i32
      %dma_start3A_21 = arith.constant 0 : i32
      %dma_start3A_22 = tpu.memref_slice %arg2[%dma_start3A_20, %dma_start3A_21] : memref<10000x128xf32, #tpu.memory_space<hbm>> -> memref<10000x128xf32, #tpu.memory_space<hbm>>
      tpu.enqueue_indirect_dma source(%dma_start3A_22 : memref<10000x128xf32, #tpu.memory_space<hbm>>) target(%arg11 : memref<32x128xf32, #tpu.memory_space<vmem>>) offsets(%dma_start3A_19 : memref<32xi32, #tpu.memory_space<vmem>>) semaphore(%arg15 : memref<!tpu.dma_semaphore, #tpu.memory_space<semaphore_mem>>)
      %dma_start3A_23 = arith.constant 32 : i32
      %dma_start3A_24 = tpu.memref_slice %arg9[%dma_start3A_23] : memref<10240xi32, #tpu.memory_space<vmem>> -> memref<32xi32, #tpu.memory_space<vmem>>
      %dma_start3A_25 = arith.constant 0 : i32
      %dma_start3A_26 = arith.constant 0 : i32
      %dma_start3A_27 = tpu.memref_slice %arg2[%dma_start3A_25, %dma_start3A_26] : memref<10000x128xf32, #tpu.memory_space<hbm>> -> memref<10000x128xf32, #tpu.memory_space<hbm>>
      tpu.enqueue_indirect_dma source(%dma_start3A_27 : memref<10000x128xf32, #tpu.memory_space<hbm>>) target(%arg12 : memref<32x128xf32, #tpu.memory_space<vmem>>) offsets(%dma_start3A_24 : memref<32xi32, #tpu.memory_space<vmem>>) semaphore(%arg16 : memref<!tpu.dma_semaphore, #tpu.memory_space<semaphore_mem>>)
      %dma_start3A_28 = arith.constant 64 : i32
      %dma_start3A_29 = tpu.memref_slice %arg9[%dma_start3A_28] : memref<10240xi32, #tpu.memory_space<vmem>> -> memref<32xi32, #tpu.memory_space<vmem>>
      %dma_start3A_30 = arith.constant 0 : i32
      %dma_start3A_31 = arith.constant 0 : i32
      %dma_start3A_32 = tpu.memref_slice %arg2[%dma_start3A_30, %dma_start3A_31] : memref<10000x128xf32, #tpu.memory_space<hbm>> -> memref<10000x128xf32, #tpu.memory_space<hbm>>
      tpu.enqueue_indirect_dma source(%dma_start3A_32 : memref<10000x128xf32, #tpu.memory_space<hbm>>) target(%arg13 : memref<32x128xf32, #tpu.memory_space<vmem>>) offsets(%dma_start3A_29 : memref<32xi32, #tpu.memory_space<vmem>>) semaphore(%arg17 : memref<!tpu.dma_semaphore, #tpu.memory_space<semaphore_mem>>)
      %dma_start3A_33 = arith.constant 96 : i32
      %dma_start3A_34 = tpu.memref_slice %arg9[%dma_start3A_33] : memref<10240xi32, #tpu.memory_space<vmem>> -> memref<32xi32, #tpu.memory_space<vmem>>
      %dma_start3A_35 = arith.constant 0 : i32
      %dma_start3A_36 = arith.constant 0 : i32
      %dma_start3A_37 = tpu.memref_slice %arg2[%dma_start3A_35, %dma_start3A_36] : memref<10000x128xf32, #tpu.memory_space<hbm>> -> memref<10000x128xf32, #tpu.memory_space<hbm>>
      tpu.enqueue_indirect_dma source(%dma_start3A_37 : memref<10000x128xf32, #tpu.memory_space<hbm>>) target(%arg14 : memref<32x128xf32, #tpu.memory_space<vmem>>) offsets(%dma_start3A_34 : memref<32xi32, #tpu.memory_space<vmem>>) semaphore(%arg18 : memref<!tpu.dma_semaphore, #tpu.memory_space<semaphore_mem>>)
      %scan3A = arith.constant 0 : i32
      %scan3A_38 = arith.constant 0 : i32
      %scan3A_39 = arith.constant 79 : i32
      %scan3A_40 = arith.addi %scan3A_38, %scan3A_39 : i32
      %scan3A_41 = arith.constant 1 : i32
      scf.for %scan3A_95 = %scan3A_38 to %scan3A_40 step %scan3A_41  : i32 {
        %mul3A_96 = arith.constant 4 : i32
        %mul3A_97 = arith.muli %scan3A_95, %mul3A_96 : i32
        %add3A = arith.constant 0 : i32
        %add3A_98 = arith.addi %mul3A_97, %add3A : i32
        %mul3A_99 = arith.constant 32 : i32
        %mul3A_100 = arith.muli %add3A_98, %mul3A_99 : i32
        %dma_wait3A_101 = tpu.memref_slice %arg9[%mul3A_100] : memref<10240xi32, #tpu.memory_space<vmem>> -> memref<32xi32, #tpu.memory_space<vmem>>
        %dma_wait3A_102 = arith.constant 0 : i32
        %dma_wait3A_103 = arith.constant 0 : i32
        %dma_wait3A_104 = tpu.memref_slice %arg2[%dma_wait3A_102, %dma_wait3A_103] : memref<10000x128xf32, #tpu.memory_space<hbm>> -> memref<10000x128xf32, #tpu.memory_space<hbm>>
        tpu.wait_indirect_dma semaphore(%arg15 : memref<!tpu.dma_semaphore, #tpu.memory_space<semaphore_mem>>) src(%dma_wait3A_104 : memref<10000x128xf32, #tpu.memory_space<hbm>>) dst(%arg11 : memref<32x128xf32, #tpu.memory_space<vmem>>)
        %mul3A_105 = arith.constant 32 : i32
        %mul3A_106 = arith.muli %add3A_98, %mul3A_105 : i32
        %add3A_107 = arith.constant 0 : i32
        %add3A_108 = arith.addi %mul3A_106, %add3A_107 : i32
        %get3A_109 = arith.index_cast %add3A_108 : i32 to index
        %get3A_110 = tpu.vector_load %arg10[%get3A_109] {strides = array<i32>} : memref<10240xi32, #tpu.memory_space<vmem>>, vector<16xi32>,
        %get3A_111 = vector.shape_cast %get3A_110 : vector<16xi32> to vector<16xi32>
        "tpu.region"() ({
          %run_scoped3A = tpu.sem_alloc : memref<!tpu.dma_semaphore, #tpu.memory_space<semaphore_mem>>
          %dma_start3A_223 = arith.constant 0 : i32
          %dma_start3A_224 = arith.constant 0 : i32
          %dma_start3A_225 = tpu.memref_slice %arg11[%dma_start3A_223, %dma_start3A_224] : memref<32x128xf32, #tpu.memory_space<vmem>> -> memref<16x128xf32, #tpu.memory_space<vmem>>
          %dma_start3A_226 = arith.constant 0 : i32
          %dma_start3A_227 = arith.constant 0 : i32
          %dma_start3A_228 = tpu.memref_slice %arg19[%dma_start3A_226, %dma_start3A_227] : memref<10064x128xf32, #tpu.memory_space<vmem_shared>> -> memref<10064x128xf32, #tpu.memory_space<vmem_shared>>
          tpu.enqueue_indirect_dma source(%dma_start3A_225 : memref<16x128xf32, #tpu.memory_space<vmem>>) target(%dma_start3A_228 : memref<10064x128xf32, #tpu.memory_space<vmem_shared>>) offsets(%get3A_111 : vector<16xi32>) semaphore(%run_scoped3A : memref<!tpu.dma_semaphore, #tpu.memory_space<semaphore_mem>>) {add = true}
          %dma_wait3A_229 = arith.constant 0 : i32
          %dma_wait3A_230 = arith.constant 0 : i32
          %dma_wait3A_231 = tpu.memref_slice %arg11[%dma_wait3A_229, %dma_wait3A_230] : memref<32x128xf32, #tpu.memory_space<vmem>> -> memref<16x128xf32, #tpu.memory_space<vmem>>
          %dma_wait3A_232 = arith.constant 0 : i32
          %dma_wait3A_233 = arith.constant 0 : i32
          %dma_wait3A_234 = tpu.memref_slice %arg19[%dma_wait3A_232, %dma_wait3A_233] : memref<10064x128xf32, #tpu.memory_space<vmem_shared>> -> memref<10064x128xf32, #tpu.memory_space<vmem_shared>>
          tpu.wait_indirect_dma semaphore(%run_scoped3A : memref<!tpu.dma_semaphore, #tpu.memory_space<semaphore_mem>>) src(%dma_wait3A_231 : memref<16x128xf32, #tpu.memory_space<vmem>>) dst(%dma_wait3A_234 : memref<10064x128xf32, #tpu.memory_space<vmem_shared>>)
          tpu.yield
        }) : () -> ()
        %mul3A_112 = arith.constant 32 : i32
        %mul3A_113 = arith.muli %add3A_98, %mul3A_112 : i32
        %add3A_114 = arith.constant 16 : i32
        %add3A_115 = arith.addi %mul3A_113, %add3A_114 : i32
        %get3A_116 = arith.index_cast %add3A_115 : i32 to index
        %get3A_117 = tpu.vector_load %arg10[%get3A_116] {strides = array<i32>} : memref<10240xi32, #tpu.memory_space<vmem>>, vector<16xi32>,
        %get3A_118 = vector.shape_cast %get3A_117 : vector<16xi32> to vector<16xi32>
        "tpu.region"() ({
          %run_scoped3A = tpu.sem_alloc : memref<!tpu.dma_semaphore, #tpu.memory_space<semaphore_mem>>
          %dma_start3A_223 = arith.constant 16 : i32
          %dma_start3A_224 = arith.constant 0 : i32
          %dma_start3A_225 = tpu.memref_slice %arg11[%dma_start3A_223, %dma_start3A_224] : memref<32x128xf32, #tpu.memory_space<vmem>> -> memref<16x128xf32, #tpu.memory_space<vmem>>
          %dma_start3A_226 = arith.constant 0 : i32
          %dma_start3A_227 = arith.constant 0 : i32
          %dma_start3A_228 = tpu.memref_slice %arg19[%dma_start3A_226, %dma_start3A_227] : memref<10064x128xf32, #tpu.memory_space<vmem_shared>> -> memref<10064x128xf32, #tpu.memory_space<vmem_shared>>
          tpu.enqueue_indirect_dma source(%dma_start3A_225 : memref<16x128xf32, #tpu.memory_space<vmem>>) target(%dma_start3A_228 : memref<10064x128xf32, #tpu.memory_space<vmem_shared>>) offsets(%get3A_118 : vector<16xi32>) semaphore(%run_scoped3A : memref<!tpu.dma_semaphore, #tpu.memory_space<semaphore_mem>>) {add = true}
          %dma_wait3A_229 = arith.constant 16 : i32
          %dma_wait3A_230 = arith.constant 0 : i32
          %dma_wait3A_231 = tpu.memref_slice %arg11[%dma_wait3A_229, %dma_wait3A_230] : memref<32x128xf32, #tpu.memory_space<vmem>> -> memref<16x128xf32, #tpu.memory_space<vmem>>
          %dma_wait3A_232 = arith.constant 0 : i32
          %dma_wait3A_233 = arith.constant 0 : i32
          %dma_wait3A_234 = tpu.memref_slice %arg19[%dma_wait3A_232, %dma_wait3A_233] : memref<10064x128xf32, #tpu.memory_space<vmem_shared>> -> memref<10064x128xf32, #tpu.memory_space<vmem_shared>>
          tpu.wait_indirect_dma semaphore(%run_scoped3A : memref<!tpu.dma_semaphore, #tpu.memory_space<semaphore_mem>>) src(%dma_wait3A_231 : memref<16x128xf32, #tpu.memory_space<vmem>>) dst(%dma_wait3A_234 : memref<10064x128xf32, #tpu.memory_space<vmem_shared>>)
          tpu.yield
        }) : () -> ()
        %add3A_119 = arith.constant 4 : i32
        %add3A_120 = arith.addi %add3A_98, %add3A_119 : i32
        %mul3A_121 = arith.constant 32 : i32
        %mul3A_122 = arith.muli %add3A_120, %mul3A_121 : i32
        %dma_start3A_123 = tpu.memref_slice %arg9[%mul3A_122] : memref<10240xi32, #tpu.memory_space<vmem>> -> memref<32xi32, #tpu.memory_space<vmem>>
        %dma_start3A_124 = arith.constant 0 : i32
        %dma_start3A_125 = arith.constant 0 : i32
        %dma_start3A_126 = tpu.memref_slice %arg2[%dma_start3A_124, %dma_start3A_125] : memref<10000x128xf32, #tpu.memory_space<hbm>> -> memref<10000x128xf32, #tpu.memory_space<hbm>>
        tpu.enqueue_indirect_dma source(%dma_start3A_126 : memref<10000x128xf32, #tpu.memory_space<hbm>>) target(%arg11 : memref<32x128xf32, #tpu.memory_space<vmem>>) offsets(%dma_start3A_123 : memref<32xi32, #tpu.memory_space<vmem>>) semaphore(%arg15 : memref<!tpu.dma_semaphore, #tpu.memory_space<semaphore_mem>>)
        %mul3A_127 = arith.constant 4 : i32
        %mul3A_128 = arith.muli %scan3A_95, %mul3A_127 : i32
        %add3A_129 = arith.constant 1 : i32
        %add3A_130 = arith.addi %mul3A_128, %add3A_129 : i32
        %mul3A_131 = arith.constant 32 : i32
        %mul3A_132 = arith.muli %add3A_130, %mul3A_131 : i32
        %dma_wait3A_133 = tpu.memref_slice %arg9[%mul3A_132] : memref<10240xi32, #tpu.memory_space<vmem>> -> memref<32xi32, #tpu.memory_space<vmem>>
        %dma_wait3A_134 = arith.constant 0 : i32
        %dma_wait3A_135 = arith.constant 0 : i32
        %dma_wait3A_136 = tpu.memref_slice %arg2[%dma_wait3A_134, %dma_wait3A_135] : memref<10000x128xf32, #tpu.memory_space<hbm>> -> memref<10000x128xf32, #tpu.memory_space<hbm>>
        tpu.wait_indirect_dma semaphore(%arg16 : memref<!tpu.dma_semaphore, #tpu.memory_space<semaphore_mem>>) src(%dma_wait3A_136 : memref<10000x128xf32, #tpu.memory_space<hbm>>) dst(%arg12 : memref<32x128xf32, #tpu.memory_space<vmem>>)
        %mul3A_137 = arith.constant 32 : i32
        %mul3A_138 = arith.muli %add3A_130, %mul3A_137 : i32
        %add3A_139 = arith.constant 0 : i32
        %add3A_140 = arith.addi %mul3A_138, %add3A_139 : i32
        %get3A_141 = arith.index_cast %add3A_140 : i32 to index
        %get3A_142 = tpu.vector_load %arg10[%get3A_141] {strides = array<i32>} : memref<10240xi32, #tpu.memory_space<vmem>>, vector<16xi32>,
        %get3A_143 = vector.shape_cast %get3A_142 : vector<16xi32> to vector<16xi32>
        "tpu.region"() ({
          %run_scoped3A = tpu.sem_alloc : memref<!tpu.dma_semaphore, #tpu.memory_space<semaphore_mem>>
          %dma_start3A_223 = arith.constant 0 : i32
          %dma_start3A_224 = arith.constant 0 : i32
          %dma_start3A_225 = tpu.memref_slice %arg12[%dma_start3A_223, %dma_start3A_224] : memref<32x128xf32, #tpu.memory_space<vmem>> -> memref<16x128xf32, #tpu.memory_space<vmem>>
          %dma_start3A_226 = arith.constant 0 : i32
          %dma_start3A_227 = arith.constant 0 : i32
          %dma_start3A_228 = tpu.memref_slice %arg19[%dma_start3A_226, %dma_start3A_227] : memref<10064x128xf32, #tpu.memory_space<vmem_shared>> -> memref<10064x128xf32, #tpu.memory_space<vmem_shared>>
          tpu.enqueue_indirect_dma source(%dma_start3A_225 : memref<16x128xf32, #tpu.memory_space<vmem>>) target(%dma_start3A_228 : memref<10064x128xf32, #tpu.memory_space<vmem_shared>>) offsets(%get3A_143 : vector<16xi32>) semaphore(%run_scoped3A : memref<!tpu.dma_semaphore, #tpu.memory_space<semaphore_mem>>) {add = true}
          %dma_wait3A_229 = arith.constant 0 : i32
          %dma_wait3A_230 = arith.constant 0 : i32
          %dma_wait3A_231 = tpu.memref_slice %arg12[%dma_wait3A_229, %dma_wait3A_230] : memref<32x128xf32, #tpu.memory_space<vmem>> -> memref<16x128xf32, #tpu.memory_space<vmem>>
          %dma_wait3A_232 = arith.constant 0 : i32
          %dma_wait3A_233 = arith.constant 0 : i32
          %dma_wait3A_234 = tpu.memref_slice %arg19[%dma_wait3A_232, %dma_wait3A_233] : memref<10064x128xf32, #tpu.memory_space<vmem_shared>> -> memref<10064x128xf32, #tpu.memory_space<vmem_shared>>
          tpu.wait_indirect_dma semaphore(%run_scoped3A : memref<!tpu.dma_semaphore, #tpu.memory_space<semaphore_mem>>) src(%dma_wait3A_231 : memref<16x128xf32, #tpu.memory_space<vmem>>) dst(%dma_wait3A_234 : memref<10064x128xf32, #tpu.memory_space<vmem_shared>>)
          tpu.yield
        }) : () -> ()
        %mul3A_144 = arith.constant 32 : i32
        %mul3A_145 = arith.muli %add3A_130, %mul3A_144 : i32
        %add3A_146 = arith.constant 16 : i32
        %add3A_147 = arith.addi %mul3A_145, %add3A_146 : i32
        %get3A_148 = arith.index_cast %add3A_147 : i32 to index
        %get3A_149 = tpu.vector_load %arg10[%get3A_148] {strides = array<i32>} : memref<10240xi32, #tpu.memory_space<vmem>>, vector<16xi32>,
        %get3A_150 = vector.shape_cast %get3A_149 : vector<16xi32> to vector<16xi32>
        "tpu.region"() ({
          %run_scoped3A = tpu.sem_alloc : memref<!tpu.dma_semaphore, #tpu.memory_space<semaphore_mem>>
          %dma_start3A_223 = arith.constant 16 : i32
          %dma_start3A_224 = arith.constant 0 : i32
          %dma_start3A_225 = tpu.memref_slice %arg12[%dma_start3A_223, %dma_start3A_224] : memref<32x128xf32, #tpu.memory_space<vmem>> -> memref<16x128xf32, #tpu.memory_space<vmem>>
          %dma_start3A_226 = arith.constant 0 : i32
          %dma_start3A_227 = arith.constant 0 : i32
          %dma_start3A_228 = tpu.memref_slice %arg19[%dma_start3A_226, %dma_start3A_227] : memref<10064x128xf32, #tpu.memory_space<vmem_shared>> -> memref<10064x128xf32, #tpu.memory_space<vmem_shared>>
          tpu.enqueue_indirect_dma source(%dma_start3A_225 : memref<16x128xf32, #tpu.memory_space<vmem>>) target(%dma_start3A_228 : memref<10064x128xf32, #tpu.memory_space<vmem_shared>>) offsets(%get3A_150 : vector<16xi32>) semaphore(%run_scoped3A : memref<!tpu.dma_semaphore, #tpu.memory_space<semaphore_mem>>) {add = true}
          %dma_wait3A_229 = arith.constant 16 : i32
          %dma_wait3A_230 = arith.constant 0 : i32
          %dma_wait3A_231 = tpu.memref_slice %arg12[%dma_wait3A_229, %dma_wait3A_230] : memref<32x128xf32, #tpu.memory_space<vmem>> -> memref<16x128xf32, #tpu.memory_space<vmem>>
          %dma_wait3A_232 = arith.constant 0 : i32
          %dma_wait3A_233 = arith.constant 0 : i32
          %dma_wait3A_234 = tpu.memref_slice %arg19[%dma_wait3A_232, %dma_wait3A_233] : memref<10064x128xf32, #tpu.memory_space<vmem_shared>> -> memref<10064x128xf32, #tpu.memory_space<vmem_shared>>
          tpu.wait_indirect_dma semaphore(%run_scoped3A : memref<!tpu.dma_semaphore, #tpu.memory_space<semaphore_mem>>) src(%dma_wait3A_231 : memref<16x128xf32, #tpu.memory_space<vmem>>) dst(%dma_wait3A_234 : memref<10064x128xf32, #tpu.memory_space<vmem_shared>>)
          tpu.yield
        }) : () -> ()
        %add3A_151 = arith.constant 4 : i32
        %add3A_152 = arith.addi %add3A_130, %add3A_151 : i32
        %mul3A_153 = arith.constant 32 : i32
        %mul3A_154 = arith.muli %add3A_152, %mul3A_153 : i32
        %dma_start3A_155 = tpu.memref_slice %arg9[%mul3A_154] : memref<10240xi32, #tpu.memory_space<vmem>> -> memref<32xi32, #tpu.memory_space<vmem>>
        %dma_start3A_156 = arith.constant 0 : i32
        %dma_start3A_157 = arith.constant 0 : i32
        %dma_start3A_158 = tpu.memref_slice %arg2[%dma_start3A_156, %dma_start3A_157] : memref<10000x128xf32, #tpu.memory_space<hbm>> -> memref<10000x128xf32, #tpu.memory_space<hbm>>
        tpu.enqueue_indirect_dma source(%dma_start3A_158 : memref<10000x128xf32, #tpu.memory_space<hbm>>) target(%arg12 : memref<32x128xf32, #tpu.memory_space<vmem>>) offsets(%dma_start3A_155 : memref<32xi32, #tpu.memory_space<vmem>>) semaphore(%arg16 : memref<!tpu.dma_semaphore, #tpu.memory_space<semaphore_mem>>)
        %mul3A_159 = arith.constant 4 : i32
        %mul3A_160 = arith.muli %scan3A_95, %mul3A_159 : i32
        %add3A_161 = arith.constant 2 : i32
        %add3A_162 = arith.addi %mul3A_160, %add3A_161 : i32
        %mul3A_163 = arith.constant 32 : i32
        %mul3A_164 = arith.muli %add3A_162, %mul3A_163 : i32
        %dma_wait3A_165 = tpu.memref_slice %arg9[%mul3A_164] : memref<10240xi32, #tpu.memory_space<vmem>> -> memref<32xi32, #tpu.memory_space<vmem>>
        %dma_wait3A_166 = arith.constant 0 : i32
        %dma_wait3A_167 = arith.constant 0 : i32
        %dma_wait3A_168 = tpu.memref_slice %arg2[%dma_wait3A_166, %dma_wait3A_167] : memref<10000x128xf32, #tpu.memory_space<hbm>> -> memref<10000x128xf32, #tpu.memory_space<hbm>>
        tpu.wait_indirect_dma semaphore(%arg17 : memref<!tpu.dma_semaphore, #tpu.memory_space<semaphore_mem>>) src(%dma_wait3A_168 : memref<10000x128xf32, #tpu.memory_space<hbm>>) dst(%arg13 : memref<32x128xf32, #tpu.memory_space<vmem>>)
        %mul3A_169 = arith.constant 32 : i32
        %mul3A_170 = arith.muli %add3A_162, %mul3A_169 : i32
        %add3A_171 = arith.constant 0 : i32
        %add3A_172 = arith.addi %mul3A_170, %add3A_171 : i32
        %get3A_173 = arith.index_cast %add3A_172 : i32 to index
        %get3A_174 = tpu.vector_load %arg10[%get3A_173] {strides = array<i32>} : memref<10240xi32, #tpu.memory_space<vmem>>, vector<16xi32>,
        %get3A_175 = vector.shape_cast %get3A_174 : vector<16xi32> to vector<16xi32>
        "tpu.region"() ({
          %run_scoped3A = tpu.sem_alloc : memref<!tpu.dma_semaphore, #tpu.memory_space<semaphore_mem>>
          %dma_start3A_223 = arith.constant 0 : i32
          %dma_start3A_224 = arith.constant 0 : i32
          %dma_start3A_225 = tpu.memref_slice %arg13[%dma_start3A_223, %dma_start3A_224] : memref<32x128xf32, #tpu.memory_space<vmem>> -> memref<16x128xf32, #tpu.memory_space<vmem>>
          %dma_start3A_226 = arith.constant 0 : i32
          %dma_start3A_227 = arith.constant 0 : i32
          %dma_start3A_228 = tpu.memref_slice %arg19[%dma_start3A_226, %dma_start3A_227] : memref<10064x128xf32, #tpu.memory_space<vmem_shared>> -> memref<10064x128xf32, #tpu.memory_space<vmem_shared>>
          tpu.enqueue_indirect_dma source(%dma_start3A_225 : memref<16x128xf32, #tpu.memory_space<vmem>>) target(%dma_start3A_228 : memref<10064x128xf32, #tpu.memory_space<vmem_shared>>) offsets(%get3A_175 : vector<16xi32>) semaphore(%run_scoped3A : memref<!tpu.dma_semaphore, #tpu.memory_space<semaphore_mem>>) {add = true}
          %dma_wait3A_229 = arith.constant 0 : i32
          %dma_wait3A_230 = arith.constant 0 : i32
          %dma_wait3A_231 = tpu.memref_slice %arg13[%dma_wait3A_229, %dma_wait3A_230] : memref<32x128xf32, #tpu.memory_space<vmem>> -> memref<16x128xf32, #tpu.memory_space<vmem>>
          %dma_wait3A_232 = arith.constant 0 : i32
          %dma_wait3A_233 = arith.constant 0 : i32
          %dma_wait3A_234 = tpu.memref_slice %arg19[%dma_wait3A_232, %dma_wait3A_233] : memref<10064x128xf32, #tpu.memory_space<vmem_shared>> -> memref<10064x128xf32, #tpu.memory_space<vmem_shared>>
          tpu.wait_indirect_dma semaphore(%run_scoped3A : memref<!tpu.dma_semaphore, #tpu.memory_space<semaphore_mem>>) src(%dma_wait3A_231 : memref<16x128xf32, #tpu.memory_space<vmem>>) dst(%dma_wait3A_234 : memref<10064x128xf32, #tpu.memory_space<vmem_shared>>)
          tpu.yield
        }) : () -> ()
        %mul3A_176 = arith.constant 32 : i32
        %mul3A_177 = arith.muli %add3A_162, %mul3A_176 : i32
        %add3A_178 = arith.constant 16 : i32
        %add3A_179 = arith.addi %mul3A_177, %add3A_178 : i32
        %get3A_180 = arith.index_cast %add3A_179 : i32 to index
        %get3A_181 = tpu.vector_load %arg10[%get3A_180] {strides = array<i32>} : memref<10240xi32, #tpu.memory_space<vmem>>, vector<16xi32>,
        %get3A_182 = vector.shape_cast %get3A_181 : vector<16xi32> to vector<16xi32>
        "tpu.region"() ({
          %run_scoped3A = tpu.sem_alloc : memref<!tpu.dma_semaphore, #tpu.memory_space<semaphore_mem>>
          %dma_start3A_223 = arith.constant 16 : i32
          %dma_start3A_224 = arith.constant 0 : i32
          %dma_start3A_225 = tpu.memref_slice %arg13[%dma_start3A_223, %dma_start3A_224] : memref<32x128xf32, #tpu.memory_space<vmem>> -> memref<16x128xf32, #tpu.memory_space<vmem>>
          %dma_start3A_226 = arith.constant 0 : i32
          %dma_start3A_227 = arith.constant 0 : i32
          %dma_start3A_228 = tpu.memref_slice %arg19[%dma_start3A_226, %dma_start3A_227] : memref<10064x128xf32, #tpu.memory_space<vmem_shared>> -> memref<10064x128xf32, #tpu.memory_space<vmem_shared>>
          tpu.enqueue_indirect_dma source(%dma_start3A_225 : memref<16x128xf32, #tpu.memory_space<vmem>>) target(%dma_start3A_228 : memref<10064x128xf32, #tpu.memory_space<vmem_shared>>) offsets(%get3A_182 : vector<16xi32>) semaphore(%run_scoped3A : memref<!tpu.dma_semaphore, #tpu.memory_space<semaphore_mem>>) {add = true}
          %dma_wait3A_229 = arith.constant 16 : i32
          %dma_wait3A_230 = arith.constant 0 : i32
          %dma_wait3A_231 = tpu.memref_slice %arg13[%dma_wait3A_229, %dma_wait3A_230] : memref<32x128xf32, #tpu.memory_space<vmem>> -> memref<16x128xf32, #tpu.memory_space<vmem>>
          %dma_wait3A_232 = arith.constant 0 : i32
          %dma_wait3A_233 = arith.constant 0 : i32
          %dma_wait3A_234 = tpu.memref_slice %arg19[%dma_wait3A_232, %dma_wait3A_233] : memref<10064x128xf32, #tpu.memory_space<vmem_shared>> -> memref<10064x128xf32, #tpu.memory_space<vmem_shared>>
          tpu.wait_indirect_dma semaphore(%run_scoped3A : memref<!tpu.dma_semaphore, #tpu.memory_space<semaphore_mem>>) src(%dma_wait3A_231 : memref<16x128xf32, #tpu.memory_space<vmem>>) dst(%dma_wait3A_234 : memref<10064x128xf32, #tpu.memory_space<vmem_shared>>)
          tpu.yield
        }) : () -> ()
        %add3A_183 = arith.constant 4 : i32
        %add3A_184 = arith.addi %add3A_162, %add3A_183 : i32
        %mul3A_185 = arith.constant 32 : i32
        %mul3A_186 = arith.muli %add3A_184, %mul3A_185 : i32
        %dma_start3A_187 = tpu.memref_slice %arg9[%mul3A_186] : memref<10240xi32, #tpu.memory_space<vmem>> -> memref<32xi32, #tpu.memory_space<vmem>>
        %dma_start3A_188 = arith.constant 0 : i32
        %dma_start3A_189 = arith.constant 0 : i32
        %dma_start3A_190 = tpu.memref_slice %arg2[%dma_start3A_188, %dma_start3A_189] : memref<10000x128xf32, #tpu.memory_space<hbm>> -> memref<10000x128xf32, #tpu.memory_space<hbm>>
        tpu.enqueue_indirect_dma source(%dma_start3A_190 : memref<10000x128xf32, #tpu.memory_space<hbm>>) target(%arg13 : memref<32x128xf32, #tpu.memory_space<vmem>>) offsets(%dma_start3A_187 : memref<32xi32, #tpu.memory_space<vmem>>) semaphore(%arg17 : memref<!tpu.dma_semaphore, #tpu.memory_space<semaphore_mem>>)
        %mul3A_191 = arith.constant 4 : i32
        %mul3A_192 = arith.muli %scan3A_95, %mul3A_191 : i32
        %add3A_193 = arith.constant 3 : i32
        %add3A_194 = arith.addi %mul3A_192, %add3A_193 : i32
        %mul3A_195 = arith.constant 32 : i32
        %mul3A_196 = arith.muli %add3A_194, %mul3A_195 : i32
        %dma_wait3A_197 = tpu.memref_slice %arg9[%mul3A_196] : memref<10240xi32, #tpu.memory_space<vmem>> -> memref<32xi32, #tpu.memory_space<vmem>>
        %dma_wait3A_198 = arith.constant 0 : i32
        %dma_wait3A_199 = arith.constant 0 : i32
        %dma_wait3A_200 = tpu.memref_slice %arg2[%dma_wait3A_198, %dma_wait3A_199] : memref<10000x128xf32, #tpu.memory_space<hbm>> -> memref<10000x128xf32, #tpu.memory_space<hbm>>
        tpu.wait_indirect_dma semaphore(%arg18 : memref<!tpu.dma_semaphore, #tpu.memory_space<semaphore_mem>>) src(%dma_wait3A_200 : memref<10000x128xf32, #tpu.memory_space<hbm>>) dst(%arg14 : memref<32x128xf32, #tpu.memory_space<vmem>>)
        %mul3A_201 = arith.constant 32 : i32
        %mul3A_202 = arith.muli %add3A_194, %mul3A_201 : i32
        %add3A_203 = arith.constant 0 : i32
        %add3A_204 = arith.addi %mul3A_202, %add3A_203 : i32
        %get3A_205 = arith.index_cast %add3A_204 : i32 to index
        %get3A_206 = tpu.vector_load %arg10[%get3A_205] {strides = array<i32>} : memref<10240xi32, #tpu.memory_space<vmem>>, vector<16xi32>,
        %get3A_207 = vector.shape_cast %get3A_206 : vector<16xi32> to vector<16xi32>
        "tpu.region"() ({
          %run_scoped3A = tpu.sem_alloc : memref<!tpu.dma_semaphore, #tpu.memory_space<semaphore_mem>>
          %dma_start3A_223 = arith.constant 0 : i32
          %dma_start3A_224 = arith.constant 0 : i32
          %dma_start3A_225 = tpu.memref_slice %arg14[%dma_start3A_223, %dma_start3A_224] : memref<32x128xf32, #tpu.memory_space<vmem>> -> memref<16x128xf32, #tpu.memory_space<vmem>>
          %dma_start3A_226 = arith.constant 0 : i32
          %dma_start3A_227 = arith.constant 0 : i32
          %dma_start3A_228 = tpu.memref_slice %arg19[%dma_start3A_226, %dma_start3A_227] : memref<10064x128xf32, #tpu.memory_space<vmem_shared>> -> memref<10064x128xf32, #tpu.memory_space<vmem_shared>>
          tpu.enqueue_indirect_dma source(%dma_start3A_225 : memref<16x128xf32, #tpu.memory_space<vmem>>) target(%dma_start3A_228 : memref<10064x128xf32, #tpu.memory_space<vmem_shared>>) offsets(%get3A_207 : vector<16xi32>) semaphore(%run_scoped3A : memref<!tpu.dma_semaphore, #tpu.memory_space<semaphore_mem>>) {add = true}
          %dma_wait3A_229 = arith.constant 0 : i32
          %dma_wait3A_230 = arith.constant 0 : i32
          %dma_wait3A_231 = tpu.memref_slice %arg14[%dma_wait3A_229, %dma_wait3A_230] : memref<32x128xf32, #tpu.memory_space<vmem>> -> memref<16x128xf32, #tpu.memory_space<vmem>>
          %dma_wait3A_232 = arith.constant 0 : i32
          %dma_wait3A_233 = arith.constant 0 : i32
          %dma_wait3A_234 = tpu.memref_slice %arg19[%dma_wait3A_232, %dma_wait3A_233] : memref<10064x128xf32, #tpu.memory_space<vmem_shared>> -> memref<10064x128xf32, #tpu.memory_space<vmem_shared>>
          tpu.wait_indirect_dma semaphore(%run_scoped3A : memref<!tpu.dma_semaphore, #tpu.memory_space<semaphore_mem>>) src(%dma_wait3A_231 : memref<16x128xf32, #tpu.memory_space<vmem>>) dst(%dma_wait3A_234 : memref<10064x128xf32, #tpu.memory_space<vmem_shared>>)
          tpu.yield
        }) : () -> ()
        %mul3A_208 = arith.constant 32 : i32
        %mul3A_209 = arith.muli %add3A_194, %mul3A_208 : i32
        %add3A_210 = arith.constant 16 : i32
        %add3A_211 = arith.addi %mul3A_209, %add3A_210 : i32
        %get3A_212 = arith.index_cast %add3A_211 : i32 to index
        %get3A_213 = tpu.vector_load %arg10[%get3A_212] {strides = array<i32>} : memref<10240xi32, #tpu.memory_space<vmem>>, vector<16xi32>,
        %get3A_214 = vector.shape_cast %get3A_213 : vector<16xi32> to vector<16xi32>
        "tpu.region"() ({
          %run_scoped3A = tpu.sem_alloc : memref<!tpu.dma_semaphore, #tpu.memory_space<semaphore_mem>>
          %dma_start3A_223 = arith.constant 16 : i32
          %dma_start3A_224 = arith.constant 0 : i32
          %dma_start3A_225 = tpu.memref_slice %arg14[%dma_start3A_223, %dma_start3A_224] : memref<32x128xf32, #tpu.memory_space<vmem>> -> memref<16x128xf32, #tpu.memory_space<vmem>>
          %dma_start3A_226 = arith.constant 0 : i32
          %dma_start3A_227 = arith.constant 0 : i32
          %dma_start3A_228 = tpu.memref_slice %arg19[%dma_start3A_226, %dma_start3A_227] : memref<10064x128xf32, #tpu.memory_space<vmem_shared>> -> memref<10064x128xf32, #tpu.memory_space<vmem_shared>>
          tpu.enqueue_indirect_dma source(%dma_start3A_225 : memref<16x128xf32, #tpu.memory_space<vmem>>) target(%dma_start3A_228 : memref<10064x128xf32, #tpu.memory_space<vmem_shared>>) offsets(%get3A_214 : vector<16xi32>) semaphore(%run_scoped3A : memref<!tpu.dma_semaphore, #tpu.memory_space<semaphore_mem>>) {add = true}
          %dma_wait3A_229 = arith.constant 16 : i32
          %dma_wait3A_230 = arith.constant 0 : i32
          %dma_wait3A_231 = tpu.memref_slice %arg14[%dma_wait3A_229, %dma_wait3A_230] : memref<32x128xf32, #tpu.memory_space<vmem>> -> memref<16x128xf32, #tpu.memory_space<vmem>>
          %dma_wait3A_232 = arith.constant 0 : i32
          %dma_wait3A_233 = arith.constant 0 : i32
          %dma_wait3A_234 = tpu.memref_slice %arg19[%dma_wait3A_232, %dma_wait3A_233] : memref<10064x128xf32, #tpu.memory_space<vmem_shared>> -> memref<10064x128xf32, #tpu.memory_space<vmem_shared>>
          tpu.wait_indirect_dma semaphore(%run_scoped3A : memref<!tpu.dma_semaphore, #tpu.memory_space<semaphore_mem>>) src(%dma_wait3A_231 : memref<16x128xf32, #tpu.memory_space<vmem>>) dst(%dma_wait3A_234 : memref<10064x128xf32, #tpu.memory_space<vmem_shared>>)
          tpu.yield
        }) : () -> ()
        %add3A_215 = arith.constant 4 : i32
        %add3A_216 = arith.addi %add3A_194, %add3A_215 : i32
        %mul3A_217 = arith.constant 32 : i32
        %mul3A_218 = arith.muli %add3A_216, %mul3A_217 : i32
        %dma_start3A_219 = tpu.memref_slice %arg9[%mul3A_218] : memref<10240xi32, #tpu.memory_space<vmem>> -> memref<32xi32, #tpu.memory_space<vmem>>
        %dma_start3A_220 = arith.constant 0 : i32
        %dma_start3A_221 = arith.constant 0 : i32
        %dma_start3A_222 = tpu.memref_slice %arg2[%dma_start3A_220, %dma_start3A_221] : memref<10000x128xf32, #tpu.memory_space<hbm>> -> memref<10000x128xf32, #tpu.memory_space<hbm>>
        tpu.enqueue_indirect_dma source(%dma_start3A_222 : memref<10000x128xf32, #tpu.memory_space<hbm>>) target(%arg14 : memref<32x128xf32, #tpu.memory_space<vmem>>) offsets(%dma_start3A_219 : memref<32xi32, #tpu.memory_space<vmem>>) semaphore(%arg18 : memref<!tpu.dma_semaphore, #tpu.memory_space<semaphore_mem>>)
      }
      %scan3A_42 = arith.constant 79 : i32
      %dma_wait3A = arith.constant 10112 : i32
      %dma_wait3A_43 = tpu.memref_slice %arg9[%dma_wait3A] : memref<10240xi32, #tpu.memory_space<vmem>> -> memref<32xi32, #tpu.memory_space<vmem>>
      %dma_wait3A_44 = arith.constant 0 : i32
      %dma_wait3A_45 = arith.constant 0 : i32
      %dma_wait3A_46 = tpu.memref_slice %arg2[%dma_wait3A_44, %dma_wait3A_45] : memref<10000x128xf32, #tpu.memory_space<hbm>> -> memref<10000x128xf32, #tpu.memory_space<hbm>>
      tpu.wait_indirect_dma semaphore(%arg15 : memref<!tpu.dma_semaphore, #tpu.memory_space<semaphore_mem>>) src(%dma_wait3A_46 : memref<10000x128xf32, #tpu.memory_space<hbm>>) dst(%arg11 : memref<32x128xf32, #tpu.memory_space<vmem>>)
      %get3A = arith.constant 10112 : index
      %get3A_47 = tpu.vector_load %arg10[%get3A] {strides = array<i32>} : memref<10240xi32, #tpu.memory_space<vmem>>, vector<16xi32>,
      %get3A_48 = vector.shape_cast %get3A_47 : vector<16xi32> to vector<16xi32>
      "tpu.region"() ({
        %run_scoped3A = tpu.sem_alloc : memref<!tpu.dma_semaphore, #tpu.memory_space<semaphore_mem>>
        %dma_start3A_95 = arith.constant 0 : i32
        %dma_start3A_96 = arith.constant 0 : i32
        %dma_start3A_97 = tpu.memref_slice %arg11[%dma_start3A_95, %dma_start3A_96] : memref<32x128xf32, #tpu.memory_space<vmem>> -> memref<16x128xf32, #tpu.memory_space<vmem>>
        %dma_start3A_98 = arith.constant 0 : i32
        %dma_start3A_99 = arith.constant 0 : i32
        %dma_start3A_100 = tpu.memref_slice %arg19[%dma_start3A_98, %dma_start3A_99] : memref<10064x128xf32, #tpu.memory_space<vmem_shared>> -> memref<10064x128xf32, #tpu.memory_space<vmem_shared>>
        tpu.enqueue_indirect_dma source(%dma_start3A_97 : memref<16x128xf32, #tpu.memory_space<vmem>>) target(%dma_start3A_100 : memref<10064x128xf32, #tpu.memory_space<vmem_shared>>) offsets(%get3A_48 : vector<16xi32>) semaphore(%run_scoped3A : memref<!tpu.dma_semaphore, #tpu.memory_space<semaphore_mem>>) {add = true}
        %dma_wait3A_101 = arith.constant 0 : i32
        %dma_wait3A_102 = arith.constant 0 : i32
        %dma_wait3A_103 = tpu.memref_slice %arg11[%dma_wait3A_101, %dma_wait3A_102] : memref<32x128xf32, #tpu.memory_space<vmem>> -> memref<16x128xf32, #tpu.memory_space<vmem>>
        %dma_wait3A_104 = arith.constant 0 : i32
        %dma_wait3A_105 = arith.constant 0 : i32
        %dma_wait3A_106 = tpu.memref_slice %arg19[%dma_wait3A_104, %dma_wait3A_105] : memref<10064x128xf32, #tpu.memory_space<vmem_shared>> -> memref<10064x128xf32, #tpu.memory_space<vmem_shared>>
        tpu.wait_indirect_dma semaphore(%run_scoped3A : memref<!tpu.dma_semaphore, #tpu.memory_space<semaphore_mem>>) src(%dma_wait3A_103 : memref<16x128xf32, #tpu.memory_space<vmem>>) dst(%dma_wait3A_106 : memref<10064x128xf32, #tpu.memory_space<vmem_shared>>)
        tpu.yield
      }) : () -> ()
      %get3A_49 = arith.constant 10128 : index
      %get3A_50 = tpu.vector_load %arg10[%get3A_49] {strides = array<i32>} : memref<10240xi32, #tpu.memory_space<vmem>>, vector<16xi32>,
      %get3A_51 = vector.shape_cast %get3A_50 : vector<16xi32> to vector<16xi32>
      "tpu.region"() ({
        %run_scoped3A = tpu.sem_alloc : memref<!tpu.dma_semaphore, #tpu.memory_space<semaphore_mem>>
        %dma_start3A_95 = arith.constant 16 : i32
        %dma_start3A_96 = arith.constant 0 : i32
        %dma_start3A_97 = tpu.memref_slice %arg11[%dma_start3A_95, %dma_start3A_96] : memref<32x128xf32, #tpu.memory_space<vmem>> -> memref<16x128xf32, #tpu.memory_space<vmem>>
        %dma_start3A_98 = arith.constant 0 : i32
        %dma_start3A_99 = arith.constant 0 : i32
        %dma_start3A_100 = tpu.memref_slice %arg19[%dma_start3A_98, %dma_start3A_99] : memref<10064x128xf32, #tpu.memory_space<vmem_shared>> -> memref<10064x128xf32, #tpu.memory_space<vmem_shared>>
        tpu.enqueue_indirect_dma source(%dma_start3A_97 : memref<16x128xf32, #tpu.memory_space<vmem>>) target(%dma_start3A_100 : memref<10064x128xf32, #tpu.memory_space<vmem_shared>>) offsets(%get3A_51 : vector<16xi32>) semaphore(%run_scoped3A : memref<!tpu.dma_semaphore, #tpu.memory_space<semaphore_mem>>) {add = true}
        %dma_wait3A_101 = arith.constant 16 : i32
        %dma_wait3A_102 = arith.constant 0 : i32
        %dma_wait3A_103 = tpu.memref_slice %arg11[%dma_wait3A_101, %dma_wait3A_102] : memref<32x128xf32, #tpu.memory_space<vmem>> -> memref<16x128xf32, #tpu.memory_space<vmem>>
        %dma_wait3A_104 = arith.constant 0 : i32
        %dma_wait3A_105 = arith.constant 0 : i32
        %dma_wait3A_106 = tpu.memref_slice %arg19[%dma_wait3A_104, %dma_wait3A_105] : memref<10064x128xf32, #tpu.memory_space<vmem_shared>> -> memref<10064x128xf32, #tpu.memory_space<vmem_shared>>
        tpu.wait_indirect_dma semaphore(%run_scoped3A : memref<!tpu.dma_semaphore, #tpu.memory_space<semaphore_mem>>) src(%dma_wait3A_103 : memref<16x128xf32, #tpu.memory_space<vmem>>) dst(%dma_wait3A_106 : memref<10064x128xf32, #tpu.memory_space<vmem_shared>>)
        tpu.yield
      }) : () -> ()
      %dma_wait3A_52 = arith.constant 10144 : i32
      %dma_wait3A_53 = tpu.memref_slice %arg9[%dma_wait3A_52] : memref<10240xi32, #tpu.memory_space<vmem>> -> memref<32xi32, #tpu.memory_space<vmem>>
      %dma_wait3A_54 = arith.constant 0 : i32
      %dma_wait3A_55 = arith.constant 0 : i32
      %dma_wait3A_56 = tpu.memref_slice %arg2[%dma_wait3A_54, %dma_wait3A_55] : memref<10000x128xf32, #tpu.memory_space<hbm>> -> memref<10000x128xf32, #tpu.memory_space<hbm>>
      tpu.wait_indirect_dma semaphore(%arg16 : memref<!tpu.dma_semaphore, #tpu.memory_space<semaphore_mem>>) src(%dma_wait3A_56 : memref<10000x128xf32, #tpu.memory_space<hbm>>) dst(%arg12 : memref<32x128xf32, #tpu.memory_space<vmem>>)
      %get3A_57 = arith.constant 10144 : index
      %get3A_58 = tpu.vector_load %arg10[%get3A_57] {strides = array<i32>} : memref<10240xi32, #tpu.memory_space<vmem>>, vector<16xi32>,
      %get3A_59 = vector.shape_cast %get3A_58 : vector<16xi32> to vector<16xi32>
      "tpu.region"() ({
        %run_scoped3A = tpu.sem_alloc : memref<!tpu.dma_semaphore, #tpu.memory_space<semaphore_mem>>
        %dma_start3A_95 = arith.constant 0 : i32
        %dma_start3A_96 = arith.constant 0 : i32
        %dma_start3A_97 = tpu.memref_slice %arg12[%dma_start3A_95, %dma_start3A_96] : memref<32x128xf32, #tpu.memory_space<vmem>> -> memref<16x128xf32, #tpu.memory_space<vmem>>
        %dma_start3A_98 = arith.constant 0 : i32
        %dma_start3A_99 = arith.constant 0 : i32
        %dma_start3A_100 = tpu.memref_slice %arg19[%dma_start3A_98, %dma_start3A_99] : memref<10064x128xf32, #tpu.memory_space<vmem_shared>> -> memref<10064x128xf32, #tpu.memory_space<vmem_shared>>
        tpu.enqueue_indirect_dma source(%dma_start3A_97 : memref<16x128xf32, #tpu.memory_space<vmem>>) target(%dma_start3A_100 : memref<10064x128xf32, #tpu.memory_space<vmem_shared>>) offsets(%get3A_59 : vector<16xi32>) semaphore(%run_scoped3A : memref<!tpu.dma_semaphore, #tpu.memory_space<semaphore_mem>>) {add = true}
        %dma_wait3A_101 = arith.constant 0 : i32
        %dma_wait3A_102 = arith.constant 0 : i32
        %dma_wait3A_103 = tpu.memref_slice %arg12[%dma_wait3A_101, %dma_wait3A_102] : memref<32x128xf32, #tpu.memory_space<vmem>> -> memref<16x128xf32, #tpu.memory_space<vmem>>
        %dma_wait3A_104 = arith.constant 0 : i32
        %dma_wait3A_105 = arith.constant 0 : i32
        %dma_wait3A_106 = tpu.memref_slice %arg19[%dma_wait3A_104, %dma_wait3A_105] : memref<10064x128xf32, #tpu.memory_space<vmem_shared>> -> memref<10064x128xf32, #tpu.memory_space<vmem_shared>>
        tpu.wait_indirect_dma semaphore(%run_scoped3A : memref<!tpu.dma_semaphore, #tpu.memory_space<semaphore_mem>>) src(%dma_wait3A_103 : memref<16x128xf32, #tpu.memory_space<vmem>>) dst(%dma_wait3A_106 : memref<10064x128xf32, #tpu.memory_space<vmem_shared>>)
        tpu.yield
      }) : () -> ()
      %get3A_60 = arith.constant 10160 : index
      %get3A_61 = tpu.vector_load %arg10[%get3A_60] {strides = array<i32>} : memref<10240xi32, #tpu.memory_space<vmem>>, vector<16xi32>,
      %get3A_62 = vector.shape_cast %get3A_61 : vector<16xi32> to vector<16xi32>
      "tpu.region"() ({
        %run_scoped3A = tpu.sem_alloc : memref<!tpu.dma_semaphore, #tpu.memory_space<semaphore_mem>>
        %dma_start3A_95 = arith.constant 16 : i32
        %dma_start3A_96 = arith.constant 0 : i32
        %dma_start3A_97 = tpu.memref_slice %arg12[%dma_start3A_95, %dma_start3A_96] : memref<32x128xf32, #tpu.memory_space<vmem>> -> memref<16x128xf32, #tpu.memory_space<vmem>>
        %dma_start3A_98 = arith.constant 0 : i32
        %dma_start3A_99 = arith.constant 0 : i32
        %dma_start3A_100 = tpu.memref_slice %arg19[%dma_start3A_98, %dma_start3A_99] : memref<10064x128xf32, #tpu.memory_space<vmem_shared>> -> memref<10064x128xf32, #tpu.memory_space<vmem_shared>>
        tpu.enqueue_indirect_dma source(%dma_start3A_97 : memref<16x128xf32, #tpu.memory_space<vmem>>) target(%dma_start3A_100 : memref<10064x128xf32, #tpu.memory_space<vmem_shared>>) offsets(%get3A_62 : vector<16xi32>) semaphore(%run_scoped3A : memref<!tpu.dma_semaphore, #tpu.memory_space<semaphore_mem>>) {add = true}
        %dma_wait3A_101 = arith.constant 16 : i32
        %dma_wait3A_102 = arith.constant 0 : i32
        %dma_wait3A_103 = tpu.memref_slice %arg12[%dma_wait3A_101, %dma_wait3A_102] : memref<32x128xf32, #tpu.memory_space<vmem>> -> memref<16x128xf32, #tpu.memory_space<vmem>>
        %dma_wait3A_104 = arith.constant 0 : i32
        %dma_wait3A_105 = arith.constant 0 : i32
        %dma_wait3A_106 = tpu.memref_slice %arg19[%dma_wait3A_104, %dma_wait3A_105] : memref<10064x128xf32, #tpu.memory_space<vmem_shared>> -> memref<10064x128xf32, #tpu.memory_space<vmem_shared>>
        tpu.wait_indirect_dma semaphore(%run_scoped3A : memref<!tpu.dma_semaphore, #tpu.memory_space<semaphore_mem>>) src(%dma_wait3A_103 : memref<16x128xf32, #tpu.memory_space<vmem>>) dst(%dma_wait3A_106 : memref<10064x128xf32, #tpu.memory_space<vmem_shared>>)
        tpu.yield
      }) : () -> ()
      %dma_wait3A_63 = arith.constant 10176 : i32
      %dma_wait3A_64 = tpu.memref_slice %arg9[%dma_wait3A_63] : memref<10240xi32, #tpu.memory_space<vmem>> -> memref<32xi32, #tpu.memory_space<vmem>>
      %dma_wait3A_65 = arith.constant 0 : i32
      %dma_wait3A_66 = arith.constant 0 : i32
      %dma_wait3A_67 = tpu.memref_slice %arg2[%dma_wait3A_65, %dma_wait3A_66] : memref<10000x128xf32, #tpu.memory_space<hbm>> -> memref<10000x128xf32, #tpu.memory_space<hbm>>
      tpu.wait_indirect_dma semaphore(%arg17 : memref<!tpu.dma_semaphore, #tpu.memory_space<semaphore_mem>>) src(%dma_wait3A_67 : memref<10000x128xf32, #tpu.memory_space<hbm>>) dst(%arg13 : memref<32x128xf32, #tpu.memory_space<vmem>>)
      %get3A_68 = arith.constant 10176 : index
      %get3A_69 = tpu.vector_load %arg10[%get3A_68] {strides = array<i32>} : memref<10240xi32, #tpu.memory_space<vmem>>, vector<16xi32>,
      %get3A_70 = vector.shape_cast %get3A_69 : vector<16xi32> to vector<16xi32>
      "tpu.region"() ({
        %run_scoped3A = tpu.sem_alloc : memref<!tpu.dma_semaphore, #tpu.memory_space<semaphore_mem>>
        %dma_start3A_95 = arith.constant 0 : i32
        %dma_start3A_96 = arith.constant 0 : i32
        %dma_start3A_97 = tpu.memref_slice %arg13[%dma_start3A_95, %dma_start3A_96] : memref<32x128xf32, #tpu.memory_space<vmem>> -> memref<16x128xf32, #tpu.memory_space<vmem>>
        %dma_start3A_98 = arith.constant 0 : i32
        %dma_start3A_99 = arith.constant 0 : i32
        %dma_start3A_100 = tpu.memref_slice %arg19[%dma_start3A_98, %dma_start3A_99] : memref<10064x128xf32, #tpu.memory_space<vmem_shared>> -> memref<10064x128xf32, #tpu.memory_space<vmem_shared>>
        tpu.enqueue_indirect_dma source(%dma_start3A_97 : memref<16x128xf32, #tpu.memory_space<vmem>>) target(%dma_start3A_100 : memref<10064x128xf32, #tpu.memory_space<vmem_shared>>) offsets(%get3A_70 : vector<16xi32>) semaphore(%run_scoped3A : memref<!tpu.dma_semaphore, #tpu.memory_space<semaphore_mem>>) {add = true}
        %dma_wait3A_101 = arith.constant 0 : i32
        %dma_wait3A_102 = arith.constant 0 : i32
        %dma_wait3A_103 = tpu.memref_slice %arg13[%dma_wait3A_101, %dma_wait3A_102] : memref<32x128xf32, #tpu.memory_space<vmem>> -> memref<16x128xf32, #tpu.memory_space<vmem>>
        %dma_wait3A_104 = arith.constant 0 : i32
        %dma_wait3A_105 = arith.constant 0 : i32
        %dma_wait3A_106 = tpu.memref_slice %arg19[%dma_wait3A_104, %dma_wait3A_105] : memref<10064x128xf32, #tpu.memory_space<vmem_shared>> -> memref<10064x128xf32, #tpu.memory_space<vmem_shared>>
        tpu.wait_indirect_dma semaphore(%run_scoped3A : memref<!tpu.dma_semaphore, #tpu.memory_space<semaphore_mem>>) src(%dma_wait3A_103 : memref<16x128xf32, #tpu.memory_space<vmem>>) dst(%dma_wait3A_106 : memref<10064x128xf32, #tpu.memory_space<vmem_shared>>)
        tpu.yield
      }) : () -> ()
      %get3A_71 = arith.constant 10192 : index
      %get3A_72 = tpu.vector_load %arg10[%get3A_71] {strides = array<i32>} : memref<10240xi32, #tpu.memory_space<vmem>>, vector<16xi32>,
      %get3A_73 = vector.shape_cast %get3A_72 : vector<16xi32> to vector<16xi32>
      "tpu.region"() ({
        %run_scoped3A = tpu.sem_alloc : memref<!tpu.dma_semaphore, #tpu.memory_space<semaphore_mem>>
        %dma_start3A_95 = arith.constant 16 : i32
        %dma_start3A_96 = arith.constant 0 : i32
        %dma_start3A_97 = tpu.memref_slice %arg13[%dma_start3A_95, %dma_start3A_96] : memref<32x128xf32, #tpu.memory_space<vmem>> -> memref<16x128xf32, #tpu.memory_space<vmem>>
        %dma_start3A_98 = arith.constant 0 : i32
        %dma_start3A_99 = arith.constant 0 : i32
        %dma_start3A_100 = tpu.memref_slice %arg19[%dma_start3A_98, %dma_start3A_99] : memref<10064x128xf32, #tpu.memory_space<vmem_shared>> -> memref<10064x128xf32, #tpu.memory_space<vmem_shared>>
        tpu.enqueue_indirect_dma source(%dma_start3A_97 : memref<16x128xf32, #tpu.memory_space<vmem>>) target(%dma_start3A_100 : memref<10064x128xf32, #tpu.memory_space<vmem_shared>>) offsets(%get3A_73 : vector<16xi32>) semaphore(%run_scoped3A : memref<!tpu.dma_semaphore, #tpu.memory_space<semaphore_mem>>) {add = true}
        %dma_wait3A_101 = arith.constant 16 : i32
        %dma_wait3A_102 = arith.constant 0 : i32
        %dma_wait3A_103 = tpu.memref_slice %arg13[%dma_wait3A_101, %dma_wait3A_102] : memref<32x128xf32, #tpu.memory_space<vmem>> -> memref<16x128xf32, #tpu.memory_space<vmem>>
        %dma_wait3A_104 = arith.constant 0 : i32
        %dma_wait3A_105 = arith.constant 0 : i32
        %dma_wait3A_106 = tpu.memref_slice %arg19[%dma_wait3A_104, %dma_wait3A_105] : memref<10064x128xf32, #tpu.memory_space<vmem_shared>> -> memref<10064x128xf32, #tpu.memory_space<vmem_shared>>
        tpu.wait_indirect_dma semaphore(%run_scoped3A : memref<!tpu.dma_semaphore, #tpu.memory_space<semaphore_mem>>) src(%dma_wait3A_103 : memref<16x128xf32, #tpu.memory_space<vmem>>) dst(%dma_wait3A_106 : memref<10064x128xf32, #tpu.memory_space<vmem_shared>>)
        tpu.yield
      }) : () -> ()
      %dma_wait3A_74 = arith.constant 10208 : i32
      %dma_wait3A_75 = tpu.memref_slice %arg9[%dma_wait3A_74] : memref<10240xi32, #tpu.memory_space<vmem>> -> memref<32xi32, #tpu.memory_space<vmem>>
      %dma_wait3A_76 = arith.constant 0 : i32
      %dma_wait3A_77 = arith.constant 0 : i32
      %dma_wait3A_78 = tpu.memref_slice %arg2[%dma_wait3A_76, %dma_wait3A_77] : memref<10000x128xf32, #tpu.memory_space<hbm>> -> memref<10000x128xf32, #tpu.memory_space<hbm>>
      tpu.wait_indirect_dma semaphore(%arg18 : memref<!tpu.dma_semaphore, #tpu.memory_space<semaphore_mem>>) src(%dma_wait3A_78 : memref<10000x128xf32, #tpu.memory_space<hbm>>) dst(%arg14 : memref<32x128xf32, #tpu.memory_space<vmem>>)
      %get3A_79 = arith.constant 10208 : index
      %get3A_80 = tpu.vector_load %arg10[%get3A_79] {strides = array<i32>} : memref<10240xi32, #tpu.memory_space<vmem>>, vector<16xi32>,
      %get3A_81 = vector.shape_cast %get3A_80 : vector<16xi32> to vector<16xi32>
      "tpu.region"() ({
        %run_scoped3A = tpu.sem_alloc : memref<!tpu.dma_semaphore, #tpu.memory_space<semaphore_mem>>
        %dma_start3A_95 = arith.constant 0 : i32
        %dma_start3A_96 = arith.constant 0 : i32
        %dma_start3A_97 = tpu.memref_slice %arg14[%dma_start3A_95, %dma_start3A_96] : memref<32x128xf32, #tpu.memory_space<vmem>> -> memref<16x128xf32, #tpu.memory_space<vmem>>
        %dma_start3A_98 = arith.constant 0 : i32
        %dma_start3A_99 = arith.constant 0 : i32
        %dma_start3A_100 = tpu.memref_slice %arg19[%dma_start3A_98, %dma_start3A_99] : memref<10064x128xf32, #tpu.memory_space<vmem_shared>> -> memref<10064x128xf32, #tpu.memory_space<vmem_shared>>
        tpu.enqueue_indirect_dma source(%dma_start3A_97 : memref<16x128xf32, #tpu.memory_space<vmem>>) target(%dma_start3A_100 : memref<10064x128xf32, #tpu.memory_space<vmem_shared>>) offsets(%get3A_81 : vector<16xi32>) semaphore(%run_scoped3A : memref<!tpu.dma_semaphore, #tpu.memory_space<semaphore_mem>>) {add = true}
        %dma_wait3A_101 = arith.constant 0 : i32
        %dma_wait3A_102 = arith.constant 0 : i32
        %dma_wait3A_103 = tpu.memref_slice %arg14[%dma_wait3A_101, %dma_wait3A_102] : memref<32x128xf32, #tpu.memory_space<vmem>> -> memref<16x128xf32, #tpu.memory_space<vmem>>
        %dma_wait3A_104 = arith.constant 0 : i32
        %dma_wait3A_105 = arith.constant 0 : i32
        %dma_wait3A_106 = tpu.memref_slice %arg19[%dma_wait3A_104, %dma_wait3A_105] : memref<10064x128xf32, #tpu.memory_space<vmem_shared>> -> memref<10064x128xf32, #tpu.memory_space<vmem_shared>>
        tpu.wait_indirect_dma semaphore(%run_scoped3A : memref<!tpu.dma_semaphore, #tpu.memory_space<semaphore_mem>>) src(%dma_wait3A_103 : memref<16x128xf32, #tpu.memory_space<vmem>>) dst(%dma_wait3A_106 : memref<10064x128xf32, #tpu.memory_space<vmem_shared>>)
        tpu.yield
      }) : () -> ()
      %get3A_82 = arith.constant 10224 : index
      %get3A_83 = tpu.vector_load %arg10[%get3A_82] {strides = array<i32>} : memref<10240xi32, #tpu.memory_space<vmem>>, vector<16xi32>,
      %get3A_84 = vector.shape_cast %get3A_83 : vector<16xi32> to vector<16xi32>
      "tpu.region"() ({
        %run_scoped3A = tpu.sem_alloc : memref<!tpu.dma_semaphore, #tpu.memory_space<semaphore_mem>>
        %dma_start3A_95 = arith.constant 16 : i32
        %dma_start3A_96 = arith.constant 0 : i32
        %dma_start3A_97 = tpu.memref_slice %arg14[%dma_start3A_95, %dma_start3A_96] : memref<32x128xf32, #tpu.memory_space<vmem>> -> memref<16x128xf32, #tpu.memory_space<vmem>>
        %dma_start3A_98 = arith.constant 0 : i32
        %dma_start3A_99 = arith.constant 0 : i32
        %dma_start3A_100 = tpu.memref_slice %arg19[%dma_start3A_98, %dma_start3A_99] : memref<10064x128xf32, #tpu.memory_space<vmem_shared>> -> memref<10064x128xf32, #tpu.memory_space<vmem_shared>>
        tpu.enqueue_indirect_dma source(%dma_start3A_97 : memref<16x128xf32, #tpu.memory_space<vmem>>) target(%dma_start3A_100 : memref<10064x128xf32, #tpu.memory_space<vmem_shared>>) offsets(%get3A_84 : vector<16xi32>) semaphore(%run_scoped3A : memref<!tpu.dma_semaphore, #tpu.memory_space<semaphore_mem>>) {add = true}
        %dma_wait3A_101 = arith.constant 16 : i32
        %dma_wait3A_102 = arith.constant 0 : i32
        %dma_wait3A_103 = tpu.memref_slice %arg14[%dma_wait3A_101, %dma_wait3A_102] : memref<32x128xf32, #tpu.memory_space<vmem>> -> memref<16x128xf32, #tpu.memory_space<vmem>>
        %dma_wait3A_104 = arith.constant 0 : i32
        %dma_wait3A_105 = arith.constant 0 : i32
        %dma_wait3A_106 = tpu.memref_slice %arg19[%dma_wait3A_104, %dma_wait3A_105] : memref<10064x128xf32, #tpu.memory_space<vmem_shared>> -> memref<10064x128xf32, #tpu.memory_space<vmem_shared>>
        tpu.wait_indirect_dma semaphore(%run_scoped3A : memref<!tpu.dma_semaphore, #tpu.memory_space<semaphore_mem>>) src(%dma_wait3A_103 : memref<16x128xf32, #tpu.memory_space<vmem>>) dst(%dma_wait3A_106 : memref<10064x128xf32, #tpu.memory_space<vmem_shared>>)
        tpu.yield
      }) : () -> ()
      %barrier3A_85 = arith.constant 0 : index
      tpu.barrier barrier_id(%barrier3A_85)
      %mul3A_86 = arith.constant 624 : i32
      %mul3A_87 = arith.muli %arg1, %mul3A_86 : i32
      %mul3A_88 = arith.constant 624 : i32
      %mul3A_89 = arith.muli %arg1, %mul3A_88 : i32
      "tpu.region"() ({
        %run_scoped3A = tpu.sem_alloc : memref<!tpu.dma_semaphore, #tpu.memory_space<semaphore_mem>>
        %dma_start3A_95 = arith.constant 0 : i32
        %dma_start3A_96 = tpu.memref_slice %arg7[%mul3A_89, %dma_start3A_95] : memref<10000x128xf32, #tpu.memory_space<hbm>> -> memref<624x128xf32, #tpu.memory_space<hbm>>
        %dma_start3A_97 = arith.constant 0 : i32
        %dma_start3A_98 = tpu.memref_slice %arg19[%mul3A_87, %dma_start3A_97] : memref<10064x128xf32, #tpu.memory_space<vmem_shared>> -> memref<624x128xf32, #tpu.memory_space<vmem_shared>>
        tpu.enqueue_dma source(%dma_start3A_98 : memref<624x128xf32, #tpu.memory_space<vmem_shared>>) target(%dma_start3A_96 : memref<624x128xf32, #tpu.memory_space<hbm>>) target_semaphore(%run_scoped3A : memref<!tpu.dma_semaphore, #tpu.memory_space<semaphore_mem>>)
        %dma_wait3A_99 = arith.constant 0 : i32
        %dma_wait3A_100 = tpu.memref_slice %arg7[%mul3A_89, %dma_wait3A_99] : memref<10000x128xf32, #tpu.memory_space<hbm>> -> memref<624x128xf32, #tpu.memory_space<hbm>>
        %dma_wait3A_101 = arith.constant 0 : i32
        %dma_wait3A_102 = tpu.memref_slice %arg19[%mul3A_87, %dma_wait3A_101] : memref<10064x128xf32, #tpu.memory_space<vmem_shared>> -> memref<624x128xf32, #tpu.memory_space<vmem_shared>>
        tpu.wait_dma2 semaphore(%run_scoped3A : memref<!tpu.dma_semaphore, #tpu.memory_space<semaphore_mem>>) src(%dma_wait3A_102 : memref<624x128xf32, #tpu.memory_space<vmem_shared>>) dst(%dma_wait3A_100 : memref<624x128xf32, #tpu.memory_space<hbm>>)
        tpu.yield
      }) : () -> ()
      %eq3A_90 = arith.constant 15 : i32
      %eq3A_91 = arith.cmpi eq, %arg1, %eq3A_90 : i32
      %convert_element_type3A_92 = arith.extui %eq3A_91 : i1 to i32
      %cond3A_93 = arith.constant 0 : i32
      %cond3A_94 = arith.cmpi ne, %convert_element_type3A_92, %cond3A_93 : i32
      scf.if %cond3A_94 {
        "tpu.region"() ({
          %run_scoped3A = tpu.sem_alloc : memref<!tpu.dma_semaphore, #tpu.memory_space<semaphore_mem>>
          %dma_start3A_95 = arith.constant 9984 : i32
          %dma_start3A_96 = arith.constant 0 : i32
          %dma_start3A_97 = tpu.memref_slice %arg7[%dma_start3A_95, %dma_start3A_96] : memref<10000x128xf32, #tpu.memory_space<hbm>> -> memref<16x128xf32, #tpu.memory_space<hbm>>
          %dma_start3A_98 = arith.constant 9984 : i32
          %dma_start3A_99 = arith.constant 0 : i32
          %dma_start3A_100 = tpu.memref_slice %arg19[%dma_start3A_98, %dma_start3A_99] : memref<10064x128xf32, #tpu.memory_space<vmem_shared>> -> memref<16x128xf32, #tpu.memory_space<vmem_shared>>
          tpu.enqueue_dma source(%dma_start3A_100 : memref<16x128xf32, #tpu.memory_space<vmem_shared>>) target(%dma_start3A_97 : memref<16x128xf32, #tpu.memory_space<hbm>>) target_semaphore(%run_scoped3A : memref<!tpu.dma_semaphore, #tpu.memory_space<semaphore_mem>>)
          %dma_wait3A_101 = arith.constant 9984 : i32
          %dma_wait3A_102 = arith.constant 0 : i32
          %dma_wait3A_103 = tpu.memref_slice %arg7[%dma_wait3A_101, %dma_wait3A_102] : memref<10000x128xf32, #tpu.memory_space<hbm>> -> memref<16x128xf32, #tpu.memory_space<hbm>>
          %dma_wait3A_104 = arith.constant 9984 : i32
          %dma_wait3A_105 = arith.constant 0 : i32
          %dma_wait3A_106 = tpu.memref_slice %arg19[%dma_wait3A_104, %dma_wait3A_105] : memref<10064x128xf32, #tpu.memory_space<vmem_shared>> -> memref<16x128xf32, #tpu.memory_space<vmem_shared>>
          tpu.wait_dma2 semaphore(%run_scoped3A : memref<!tpu.dma_semaphore, #tpu.memory_space<semaphore_mem>>) src(%dma_wait3A_106 : memref<16x128xf32, #tpu.memory_space<vmem_shared>>) dst(%dma_wait3A_103 : memref<16x128xf32, #tpu.memory_space<hbm>>)
          tpu.yield
        }) : () -> ()
      } else {
      }
    } else {
    }
    %eq3A_2 = arith.constant 1 : i32
    %eq3A_3 = arith.cmpi eq, %arg0, %eq3A_2 : i32
    %convert_element_type3A_4 = arith.extui %eq3A_3 : i1 to i32
    %cond3A_5 = arith.constant 0 : i32
    %cond3A_6 = arith.cmpi ne, %convert_element_type3A_4, %cond3A_5 : i32
    scf.if %cond3A_6 {
      %mul3A = arith.constant 10240 : i32
      %mul3A_7 = arith.muli %arg1, %mul3A : i32
      "tpu.region"() ({
        %run_scoped3A = tpu.sem_alloc : memref<!tpu.dma_semaphore, #tpu.memory_space<semaphore_mem>>
        %dma_start3A_95 = tpu.memref_slice %arg4[%mul3A_7] : memref<163840xi32, #tpu.memory_space<hbm>> -> memref<10240xi32, #tpu.memory_space<hbm>>
        %dma_start3A_96 = tpu.memref_slice %arg4[%mul3A_7] : memref<163840xi32, #tpu.memory_space<hbm>> -> memref<10240xi32, #tpu.memory_space<hbm>>
        tpu.enqueue_dma source(%dma_start3A_96 : memref<10240xi32, #tpu.memory_space<hbm>>) target(%arg9 : memref<10240xi32, #tpu.memory_space<vmem>>) target_semaphore(%run_scoped3A : memref<!tpu.dma_semaphore, #tpu.memory_space<semaphore_mem>>)
        %dma_wait3A_97 = tpu.memref_slice %arg4[%mul3A_7] : memref<163840xi32, #tpu.memory_space<hbm>> -> memref<10240xi32, #tpu.memory_space<hbm>>
        %dma_wait3A_98 = tpu.memref_slice %arg4[%mul3A_7] : memref<163840xi32, #tpu.memory_space<hbm>> -> memref<10240xi32, #tpu.memory_space<hbm>>
        tpu.wait_dma2 semaphore(%run_scoped3A : memref<!tpu.dma_semaphore, #tpu.memory_space<semaphore_mem>>) src(%dma_wait3A_98 : memref<10240xi32, #tpu.memory_space<hbm>>) dst(%arg9 : memref<10240xi32, #tpu.memory_space<vmem>>)
        tpu.yield
      }) : () -> ()
      %mul3A_8 = arith.constant 10240 : i32
      %mul3A_9 = arith.muli %arg1, %mul3A_8 : i32
      "tpu.region"() ({
        %run_scoped3A = tpu.sem_alloc : memref<!tpu.dma_semaphore, #tpu.memory_space<semaphore_mem>>
        %dma_start3A_95 = tpu.memref_slice %arg5[%mul3A_9] : memref<163840xi32, #tpu.memory_space<hbm>> -> memref<10240xi32, #tpu.memory_space<hbm>>
        %dma_start3A_96 = tpu.memref_slice %arg5[%mul3A_9] : memref<163840xi32, #tpu.memory_space<hbm>> -> memref<10240xi32, #tpu.memory_space<hbm>>
        tpu.enqueue_dma source(%dma_start3A_96 : memref<10240xi32, #tpu.memory_space<hbm>>) target(%arg10 : memref<10240xi32, #tpu.memory_space<vmem>>) target_semaphore(%run_scoped3A : memref<!tpu.dma_semaphore, #tpu.memory_space<semaphore_mem>>)
        %dma_wait3A_97 = tpu.memref_slice %arg5[%mul3A_9] : memref<163840xi32, #tpu.memory_space<hbm>> -> memref<10240xi32, #tpu.memory_space<hbm>>
        %dma_wait3A_98 = tpu.memref_slice %arg5[%mul3A_9] : memref<163840xi32, #tpu.memory_space<hbm>> -> memref<10240xi32, #tpu.memory_space<hbm>>
        tpu.wait_dma2 semaphore(%run_scoped3A : memref<!tpu.dma_semaphore, #tpu.memory_space<semaphore_mem>>) src(%dma_wait3A_98 : memref<10240xi32, #tpu.memory_space<hbm>>) dst(%arg10 : memref<10240xi32, #tpu.memory_space<vmem>>)
        tpu.yield
      }) : () -> ()
      %mul3A_10 = arith.constant 624 : i32
      %mul3A_11 = arith.muli %arg1, %mul3A_10 : i32
      %mul3A_12 = arith.constant 624 : i32
      %mul3A_13 = arith.muli %arg1, %mul3A_12 : i32
      "tpu.region"() ({
        %run_scoped3A = tpu.sem_alloc : memref<!tpu.dma_semaphore, #tpu.memory_space<semaphore_mem>>
        %dma_start3A_95 = arith.constant 0 : i32
        %dma_start3A_96 = tpu.memref_slice %arg19[%mul3A_13, %dma_start3A_95] : memref<10064x128xf32, #tpu.memory_space<vmem_shared>> -> memref<624x128xf32, #tpu.memory_space<vmem_shared>>
        %dma_start3A_97 = arith.constant 0 : i32
        %dma_start3A_98 = tpu.memref_slice %arg6[%mul3A_11, %dma_start3A_97] : memref<10000x128xf32, #tpu.memory_space<hbm>> -> memref<624x128xf32, #tpu.memory_space<hbm>>
        tpu.enqueue_dma source(%dma_start3A_98 : memref<624x128xf32, #tpu.memory_space<hbm>>) target(%dma_start3A_96 : memref<624x128xf32, #tpu.memory_space<vmem_shared>>) target_semaphore(%run_scoped3A : memref<!tpu.dma_semaphore, #tpu.memory_space<semaphore_mem>>)
        %dma_wait3A_99 = arith.constant 0 : i32
        %dma_wait3A_100 = tpu.memref_slice %arg19[%mul3A_13, %dma_wait3A_99] : memref<10064x128xf32, #tpu.memory_space<vmem_shared>> -> memref<624x128xf32, #tpu.memory_space<vmem_shared>>
        %dma_wait3A_101 = arith.constant 0 : i32
        %dma_wait3A_102 = tpu.memref_slice %arg6[%mul3A_11, %dma_wait3A_101] : memref<10000x128xf32, #tpu.memory_space<hbm>> -> memref<624x128xf32, #tpu.memory_space<hbm>>
        tpu.wait_dma2 semaphore(%run_scoped3A : memref<!tpu.dma_semaphore, #tpu.memory_space<semaphore_mem>>) src(%dma_wait3A_102 : memref<624x128xf32, #tpu.memory_space<hbm>>) dst(%dma_wait3A_100 : memref<624x128xf32, #tpu.memory_space<vmem_shared>>)
        tpu.yield
      }) : () -> ()
      %eq3A_14 = arith.constant 15 : i32
      %eq3A_15 = arith.cmpi eq, %arg1, %eq3A_14 : i32
      %convert_element_type3A_16 = arith.extui %eq3A_15 : i1 to i32
      %cond3A_17 = arith.constant 0 : i32
      %cond3A_18 = arith.cmpi ne, %convert_element_type3A_16, %cond3A_17 : i32
      scf.if %cond3A_18 {
        "tpu.region"() ({
          %run_scoped3A = tpu.sem_alloc : memref<!tpu.dma_semaphore, #tpu.memory_space<semaphore_mem>>
          %dma_start3A_95 = arith.constant 9984 : i32
          %dma_start3A_96 = arith.constant 0 : i32
          %dma_start3A_97 = tpu.memref_slice %arg19[%dma_start3A_95, %dma_start3A_96] : memref<10064x128xf32, #tpu.memory_space<vmem_shared>> -> memref<16x128xf32, #tpu.memory_space<vmem_shared>>
          %dma_start3A_98 = arith.constant 9984 : i32
          %dma_start3A_99 = arith.constant 0 : i32
          %dma_start3A_100 = tpu.memref_slice %arg6[%dma_start3A_98, %dma_start3A_99] : memref<10000x128xf32, #tpu.memory_space<hbm>> -> memref<16x128xf32, #tpu.memory_space<hbm>>
          tpu.enqueue_dma source(%dma_start3A_100 : memref<16x128xf32, #tpu.memory_space<hbm>>) target(%dma_start3A_97 : memref<16x128xf32, #tpu.memory_space<vmem_shared>>) target_semaphore(%run_scoped3A : memref<!tpu.dma_semaphore, #tpu.memory_space<semaphore_mem>>)
          %dma_wait3A_101 = arith.constant 9984 : i32
          %dma_wait3A_102 = arith.constant 0 : i32
          %dma_wait3A_103 = tpu.memref_slice %arg19[%dma_wait3A_101, %dma_wait3A_102] : memref<10064x128xf32, #tpu.memory_space<vmem_shared>> -> memref<16x128xf32, #tpu.memory_space<vmem_shared>>
          %dma_wait3A_104 = arith.constant 9984 : i32
          %dma_wait3A_105 = arith.constant 0 : i32
          %dma_wait3A_106 = tpu.memref_slice %arg6[%dma_wait3A_104, %dma_wait3A_105] : memref<10000x128xf32, #tpu.memory_space<hbm>> -> memref<16x128xf32, #tpu.memory_space<hbm>>
          tpu.wait_dma2 semaphore(%run_scoped3A : memref<!tpu.dma_semaphore, #tpu.memory_space<semaphore_mem>>) src(%dma_wait3A_106 : memref<16x128xf32, #tpu.memory_space<hbm>>) dst(%dma_wait3A_103 : memref<16x128xf32, #tpu.memory_space<vmem_shared>>)
          tpu.yield
        }) : () -> ()
      } else {
      }
      %barrier3A = arith.constant 0 : index
      tpu.barrier barrier_id(%barrier3A)
      %dma_start3A = arith.constant 0 : i32
      %dma_start3A_19 = tpu.memref_slice %arg9[%dma_start3A] : memref<10240xi32, #tpu.memory_space<vmem>> -> memref<32xi32, #tpu.memory_space<vmem>>
      %dma_start3A_20 = arith.constant 0 : i32
      %dma_start3A_21 = arith.constant 0 : i32
      %dma_start3A_22 = tpu.memref_slice %arg3[%dma_start3A_20, %dma_start3A_21] : memref<10000x128xf32, #tpu.memory_space<hbm>> -> memref<10000x128xf32, #tpu.memory_space<hbm>>
      tpu.enqueue_indirect_dma source(%dma_start3A_22 : memref<10000x128xf32, #tpu.memory_space<hbm>>) target(%arg11 : memref<32x128xf32, #tpu.memory_space<vmem>>) offsets(%dma_start3A_19 : memref<32xi32, #tpu.memory_space<vmem>>) semaphore(%arg15 : memref<!tpu.dma_semaphore, #tpu.memory_space<semaphore_mem>>)
      %dma_start3A_23 = arith.constant 32 : i32
      %dma_start3A_24 = tpu.memref_slice %arg9[%dma_start3A_23] : memref<10240xi32, #tpu.memory_space<vmem>> -> memref<32xi32, #tpu.memory_space<vmem>>
      %dma_start3A_25 = arith.constant 0 : i32
      %dma_start3A_26 = arith.constant 0 : i32
      %dma_start3A_27 = tpu.memref_slice %arg3[%dma_start3A_25, %dma_start3A_26] : memref<10000x128xf32, #tpu.memory_space<hbm>> -> memref<10000x128xf32, #tpu.memory_space<hbm>>
      tpu.enqueue_indirect_dma source(%dma_start3A_27 : memref<10000x128xf32, #tpu.memory_space<hbm>>) target(%arg12 : memref<32x128xf32, #tpu.memory_space<vmem>>) offsets(%dma_start3A_24 : memref<32xi32, #tpu.memory_space<vmem>>) semaphore(%arg16 : memref<!tpu.dma_semaphore, #tpu.memory_space<semaphore_mem>>)
      %dma_start3A_28 = arith.constant 64 : i32
      %dma_start3A_29 = tpu.memref_slice %arg9[%dma_start3A_28] : memref<10240xi32, #tpu.memory_space<vmem>> -> memref<32xi32, #tpu.memory_space<vmem>>
      %dma_start3A_30 = arith.constant 0 : i32
      %dma_start3A_31 = arith.constant 0 : i32
      %dma_start3A_32 = tpu.memref_slice %arg3[%dma_start3A_30, %dma_start3A_31] : memref<10000x128xf32, #tpu.memory_space<hbm>> -> memref<10000x128xf32, #tpu.memory_space<hbm>>
      tpu.enqueue_indirect_dma source(%dma_start3A_32 : memref<10000x128xf32, #tpu.memory_space<hbm>>) target(%arg13 : memref<32x128xf32, #tpu.memory_space<vmem>>) offsets(%dma_start3A_29 : memref<32xi32, #tpu.memory_space<vmem>>) semaphore(%arg17 : memref<!tpu.dma_semaphore, #tpu.memory_space<semaphore_mem>>)
      %dma_start3A_33 = arith.constant 96 : i32
      %dma_start3A_34 = tpu.memref_slice %arg9[%dma_start3A_33] : memref<10240xi32, #tpu.memory_space<vmem>> -> memref<32xi32, #tpu.memory_space<vmem>>
      %dma_start3A_35 = arith.constant 0 : i32
      %dma_start3A_36 = arith.constant 0 : i32
      %dma_start3A_37 = tpu.memref_slice %arg3[%dma_start3A_35, %dma_start3A_36] : memref<10000x128xf32, #tpu.memory_space<hbm>> -> memref<10000x128xf32, #tpu.memory_space<hbm>>
      tpu.enqueue_indirect_dma source(%dma_start3A_37 : memref<10000x128xf32, #tpu.memory_space<hbm>>) target(%arg14 : memref<32x128xf32, #tpu.memory_space<vmem>>) offsets(%dma_start3A_34 : memref<32xi32, #tpu.memory_space<vmem>>) semaphore(%arg18 : memref<!tpu.dma_semaphore, #tpu.memory_space<semaphore_mem>>)
      %scan3A = arith.constant 0 : i32
      %scan3A_38 = arith.constant 0 : i32
      %scan3A_39 = arith.constant 79 : i32
      %scan3A_40 = arith.addi %scan3A_38, %scan3A_39 : i32
      %scan3A_41 = arith.constant 1 : i32
      scf.for %scan3A_95 = %scan3A_38 to %scan3A_40 step %scan3A_41  : i32 {
        %mul3A_96 = arith.constant 4 : i32
        %mul3A_97 = arith.muli %scan3A_95, %mul3A_96 : i32
        %add3A = arith.constant 0 : i32
        %add3A_98 = arith.addi %mul3A_97, %add3A : i32
        %mul3A_99 = arith.constant 32 : i32
        %mul3A_100 = arith.muli %add3A_98, %mul3A_99 : i32
        %dma_wait3A_101 = tpu.memref_slice %arg9[%mul3A_100] : memref<10240xi32, #tpu.memory_space<vmem>> -> memref<32xi32, #tpu.memory_space<vmem>>
        %dma_wait3A_102 = arith.constant 0 : i32
        %dma_wait3A_103 = arith.constant 0 : i32
        %dma_wait3A_104 = tpu.memref_slice %arg3[%dma_wait3A_102, %dma_wait3A_103] : memref<10000x128xf32, #tpu.memory_space<hbm>> -> memref<10000x128xf32, #tpu.memory_space<hbm>>
        tpu.wait_indirect_dma semaphore(%arg15 : memref<!tpu.dma_semaphore, #tpu.memory_space<semaphore_mem>>) src(%dma_wait3A_104 : memref<10000x128xf32, #tpu.memory_space<hbm>>) dst(%arg11 : memref<32x128xf32, #tpu.memory_space<vmem>>)
        %mul3A_105 = arith.constant 32 : i32
        %mul3A_106 = arith.muli %add3A_98, %mul3A_105 : i32
        %add3A_107 = arith.constant 0 : i32
        %add3A_108 = arith.addi %mul3A_106, %add3A_107 : i32
        %get3A_109 = arith.index_cast %add3A_108 : i32 to index
        %get3A_110 = tpu.vector_load %arg10[%get3A_109] {strides = array<i32>} : memref<10240xi32, #tpu.memory_space<vmem>>, vector<16xi32>,
        %get3A_111 = vector.shape_cast %get3A_110 : vector<16xi32> to vector<16xi32>
        "tpu.region"() ({
          %run_scoped3A = tpu.sem_alloc : memref<!tpu.dma_semaphore, #tpu.memory_space<semaphore_mem>>
          %dma_start3A_223 = arith.constant 0 : i32
          %dma_start3A_224 = arith.constant 0 : i32
          %dma_start3A_225 = tpu.memref_slice %arg11[%dma_start3A_223, %dma_start3A_224] : memref<32x128xf32, #tpu.memory_space<vmem>> -> memref<16x128xf32, #tpu.memory_space<vmem>>
          %dma_start3A_226 = arith.constant 0 : i32
          %dma_start3A_227 = arith.constant 0 : i32
          %dma_start3A_228 = tpu.memref_slice %arg19[%dma_start3A_226, %dma_start3A_227] : memref<10064x128xf32, #tpu.memory_space<vmem_shared>> -> memref<10064x128xf32, #tpu.memory_space<vmem_shared>>
          tpu.enqueue_indirect_dma source(%dma_start3A_225 : memref<16x128xf32, #tpu.memory_space<vmem>>) target(%dma_start3A_228 : memref<10064x128xf32, #tpu.memory_space<vmem_shared>>) offsets(%get3A_111 : vector<16xi32>) semaphore(%run_scoped3A : memref<!tpu.dma_semaphore, #tpu.memory_space<semaphore_mem>>) {add = true}
          %dma_wait3A_229 = arith.constant 0 : i32
          %dma_wait3A_230 = arith.constant 0 : i32
          %dma_wait3A_231 = tpu.memref_slice %arg11[%dma_wait3A_229, %dma_wait3A_230] : memref<32x128xf32, #tpu.memory_space<vmem>> -> memref<16x128xf32, #tpu.memory_space<vmem>>
          %dma_wait3A_232 = arith.constant 0 : i32
          %dma_wait3A_233 = arith.constant 0 : i32
          %dma_wait3A_234 = tpu.memref_slice %arg19[%dma_wait3A_232, %dma_wait3A_233] : memref<10064x128xf32, #tpu.memory_space<vmem_shared>> -> memref<10064x128xf32, #tpu.memory_space<vmem_shared>>
          tpu.wait_indirect_dma semaphore(%run_scoped3A : memref<!tpu.dma_semaphore, #tpu.memory_space<semaphore_mem>>) src(%dma_wait3A_231 : memref<16x128xf32, #tpu.memory_space<vmem>>) dst(%dma_wait3A_234 : memref<10064x128xf32, #tpu.memory_space<vmem_shared>>)
          tpu.yield
        }) : () -> ()
        %mul3A_112 = arith.constant 32 : i32
        %mul3A_113 = arith.muli %add3A_98, %mul3A_112 : i32
        %add3A_114 = arith.constant 16 : i32
        %add3A_115 = arith.addi %mul3A_113, %add3A_114 : i32
        %get3A_116 = arith.index_cast %add3A_115 : i32 to index
        %get3A_117 = tpu.vector_load %arg10[%get3A_116] {strides = array<i32>} : memref<10240xi32, #tpu.memory_space<vmem>>, vector<16xi32>,
        %get3A_118 = vector.shape_cast %get3A_117 : vector<16xi32> to vector<16xi32>
        "tpu.region"() ({
          %run_scoped3A = tpu.sem_alloc : memref<!tpu.dma_semaphore, #tpu.memory_space<semaphore_mem>>
          %dma_start3A_223 = arith.constant 16 : i32
          %dma_start3A_224 = arith.constant 0 : i32
          %dma_start3A_225 = tpu.memref_slice %arg11[%dma_start3A_223, %dma_start3A_224] : memref<32x128xf32, #tpu.memory_space<vmem>> -> memref<16x128xf32, #tpu.memory_space<vmem>>
          %dma_start3A_226 = arith.constant 0 : i32
          %dma_start3A_227 = arith.constant 0 : i32
          %dma_start3A_228 = tpu.memref_slice %arg19[%dma_start3A_226, %dma_start3A_227] : memref<10064x128xf32, #tpu.memory_space<vmem_shared>> -> memref<10064x128xf32, #tpu.memory_space<vmem_shared>>
          tpu.enqueue_indirect_dma source(%dma_start3A_225 : memref<16x128xf32, #tpu.memory_space<vmem>>) target(%dma_start3A_228 : memref<10064x128xf32, #tpu.memory_space<vmem_shared>>) offsets(%get3A_118 : vector<16xi32>) semaphore(%run_scoped3A : memref<!tpu.dma_semaphore, #tpu.memory_space<semaphore_mem>>) {add = true}
          %dma_wait3A_229 = arith.constant 16 : i32
          %dma_wait3A_230 = arith.constant 0 : i32
          %dma_wait3A_231 = tpu.memref_slice %arg11[%dma_wait3A_229, %dma_wait3A_230] : memref<32x128xf32, #tpu.memory_space<vmem>> -> memref<16x128xf32, #tpu.memory_space<vmem>>
          %dma_wait3A_232 = arith.constant 0 : i32
          %dma_wait3A_233 = arith.constant 0 : i32
          %dma_wait3A_234 = tpu.memref_slice %arg19[%dma_wait3A_232, %dma_wait3A_233] : memref<10064x128xf32, #tpu.memory_space<vmem_shared>> -> memref<10064x128xf32, #tpu.memory_space<vmem_shared>>
          tpu.wait_indirect_dma semaphore(%run_scoped3A : memref<!tpu.dma_semaphore, #tpu.memory_space<semaphore_mem>>) src(%dma_wait3A_231 : memref<16x128xf32, #tpu.memory_space<vmem>>) dst(%dma_wait3A_234 : memref<10064x128xf32, #tpu.memory_space<vmem_shared>>)
          tpu.yield
        }) : () -> ()
        %add3A_119 = arith.constant 4 : i32
        %add3A_120 = arith.addi %add3A_98, %add3A_119 : i32
        %mul3A_121 = arith.constant 32 : i32
        %mul3A_122 = arith.muli %add3A_120, %mul3A_121 : i32
        %dma_start3A_123 = tpu.memref_slice %arg9[%mul3A_122] : memref<10240xi32, #tpu.memory_space<vmem>> -> memref<32xi32, #tpu.memory_space<vmem>>
        %dma_start3A_124 = arith.constant 0 : i32
        %dma_start3A_125 = arith.constant 0 : i32
        %dma_start3A_126 = tpu.memref_slice %arg3[%dma_start3A_124, %dma_start3A_125] : memref<10000x128xf32, #tpu.memory_space<hbm>> -> memref<10000x128xf32, #tpu.memory_space<hbm>>
        tpu.enqueue_indirect_dma source(%dma_start3A_126 : memref<10000x128xf32, #tpu.memory_space<hbm>>) target(%arg11 : memref<32x128xf32, #tpu.memory_space<vmem>>) offsets(%dma_start3A_123 : memref<32xi32, #tpu.memory_space<vmem>>) semaphore(%arg15 : memref<!tpu.dma_semaphore, #tpu.memory_space<semaphore_mem>>)
        %mul3A_127 = arith.constant 4 : i32
        %mul3A_128 = arith.muli %scan3A_95, %mul3A_127 : i32
        %add3A_129 = arith.constant 1 : i32
        %add3A_130 = arith.addi %mul3A_128, %add3A_129 : i32
        %mul3A_131 = arith.constant 32 : i32
        %mul3A_132 = arith.muli %add3A_130, %mul3A_131 : i32
        %dma_wait3A_133 = tpu.memref_slice %arg9[%mul3A_132] : memref<10240xi32, #tpu.memory_space<vmem>> -> memref<32xi32, #tpu.memory_space<vmem>>
        %dma_wait3A_134 = arith.constant 0 : i32
        %dma_wait3A_135 = arith.constant 0 : i32
        %dma_wait3A_136 = tpu.memref_slice %arg3[%dma_wait3A_134, %dma_wait3A_135] : memref<10000x128xf32, #tpu.memory_space<hbm>> -> memref<10000x128xf32, #tpu.memory_space<hbm>>
        tpu.wait_indirect_dma semaphore(%arg16 : memref<!tpu.dma_semaphore, #tpu.memory_space<semaphore_mem>>) src(%dma_wait3A_136 : memref<10000x128xf32, #tpu.memory_space<hbm>>) dst(%arg12 : memref<32x128xf32, #tpu.memory_space<vmem>>)
        %mul3A_137 = arith.constant 32 : i32
        %mul3A_138 = arith.muli %add3A_130, %mul3A_137 : i32
        %add3A_139 = arith.constant 0 : i32
        %add3A_140 = arith.addi %mul3A_138, %add3A_139 : i32
        %get3A_141 = arith.index_cast %add3A_140 : i32 to index
        %get3A_142 = tpu.vector_load %arg10[%get3A_141] {strides = array<i32>} : memref<10240xi32, #tpu.memory_space<vmem>>, vector<16xi32>,
        %get3A_143 = vector.shape_cast %get3A_142 : vector<16xi32> to vector<16xi32>
        "tpu.region"() ({
          %run_scoped3A = tpu.sem_alloc : memref<!tpu.dma_semaphore, #tpu.memory_space<semaphore_mem>>
          %dma_start3A_223 = arith.constant 0 : i32
          %dma_start3A_224 = arith.constant 0 : i32
          %dma_start3A_225 = tpu.memref_slice %arg12[%dma_start3A_223, %dma_start3A_224] : memref<32x128xf32, #tpu.memory_space<vmem>> -> memref<16x128xf32, #tpu.memory_space<vmem>>
          %dma_start3A_226 = arith.constant 0 : i32
          %dma_start3A_227 = arith.constant 0 : i32
          %dma_start3A_228 = tpu.memref_slice %arg19[%dma_start3A_226, %dma_start3A_227] : memref<10064x128xf32, #tpu.memory_space<vmem_shared>> -> memref<10064x128xf32, #tpu.memory_space<vmem_shared>>
          tpu.enqueue_indirect_dma source(%dma_start3A_225 : memref<16x128xf32, #tpu.memory_space<vmem>>) target(%dma_start3A_228 : memref<10064x128xf32, #tpu.memory_space<vmem_shared>>) offsets(%get3A_143 : vector<16xi32>) semaphore(%run_scoped3A : memref<!tpu.dma_semaphore, #tpu.memory_space<semaphore_mem>>) {add = true}
          %dma_wait3A_229 = arith.constant 0 : i32
          %dma_wait3A_230 = arith.constant 0 : i32
          %dma_wait3A_231 = tpu.memref_slice %arg12[%dma_wait3A_229, %dma_wait3A_230] : memref<32x128xf32, #tpu.memory_space<vmem>> -> memref<16x128xf32, #tpu.memory_space<vmem>>
          %dma_wait3A_232 = arith.constant 0 : i32
          %dma_wait3A_233 = arith.constant 0 : i32
          %dma_wait3A_234 = tpu.memref_slice %arg19[%dma_wait3A_232, %dma_wait3A_233] : memref<10064x128xf32, #tpu.memory_space<vmem_shared>> -> memref<10064x128xf32, #tpu.memory_space<vmem_shared>>
          tpu.wait_indirect_dma semaphore(%run_scoped3A : memref<!tpu.dma_semaphore, #tpu.memory_space<semaphore_mem>>) src(%dma_wait3A_231 : memref<16x128xf32, #tpu.memory_space<vmem>>) dst(%dma_wait3A_234 : memref<10064x128xf32, #tpu.memory_space<vmem_shared>>)
          tpu.yield
        }) : () -> ()
        %mul3A_144 = arith.constant 32 : i32
        %mul3A_145 = arith.muli %add3A_130, %mul3A_144 : i32
        %add3A_146 = arith.constant 16 : i32
        %add3A_147 = arith.addi %mul3A_145, %add3A_146 : i32
        %get3A_148 = arith.index_cast %add3A_147 : i32 to index
        %get3A_149 = tpu.vector_load %arg10[%get3A_148] {strides = array<i32>} : memref<10240xi32, #tpu.memory_space<vmem>>, vector<16xi32>,
        %get3A_150 = vector.shape_cast %get3A_149 : vector<16xi32> to vector<16xi32>
        "tpu.region"() ({
          %run_scoped3A = tpu.sem_alloc : memref<!tpu.dma_semaphore, #tpu.memory_space<semaphore_mem>>
          %dma_start3A_223 = arith.constant 16 : i32
          %dma_start3A_224 = arith.constant 0 : i32
          %dma_start3A_225 = tpu.memref_slice %arg12[%dma_start3A_223, %dma_start3A_224] : memref<32x128xf32, #tpu.memory_space<vmem>> -> memref<16x128xf32, #tpu.memory_space<vmem>>
          %dma_start3A_226 = arith.constant 0 : i32
          %dma_start3A_227 = arith.constant 0 : i32
          %dma_start3A_228 = tpu.memref_slice %arg19[%dma_start3A_226, %dma_start3A_227] : memref<10064x128xf32, #tpu.memory_space<vmem_shared>> -> memref<10064x128xf32, #tpu.memory_space<vmem_shared>>
          tpu.enqueue_indirect_dma source(%dma_start3A_225 : memref<16x128xf32, #tpu.memory_space<vmem>>) target(%dma_start3A_228 : memref<10064x128xf32, #tpu.memory_space<vmem_shared>>) offsets(%get3A_150 : vector<16xi32>) semaphore(%run_scoped3A : memref<!tpu.dma_semaphore, #tpu.memory_space<semaphore_mem>>) {add = true}
          %dma_wait3A_229 = arith.constant 16 : i32
          %dma_wait3A_230 = arith.constant 0 : i32
          %dma_wait3A_231 = tpu.memref_slice %arg12[%dma_wait3A_229, %dma_wait3A_230] : memref<32x128xf32, #tpu.memory_space<vmem>> -> memref<16x128xf32, #tpu.memory_space<vmem>>
          %dma_wait3A_232 = arith.constant 0 : i32
          %dma_wait3A_233 = arith.constant 0 : i32
          %dma_wait3A_234 = tpu.memref_slice %arg19[%dma_wait3A_232, %dma_wait3A_233] : memref<10064x128xf32, #tpu.memory_space<vmem_shared>> -> memref<10064x128xf32, #tpu.memory_space<vmem_shared>>
          tpu.wait_indirect_dma semaphore(%run_scoped3A : memref<!tpu.dma_semaphore, #tpu.memory_space<semaphore_mem>>) src(%dma_wait3A_231 : memref<16x128xf32, #tpu.memory_space<vmem>>) dst(%dma_wait3A_234 : memref<10064x128xf32, #tpu.memory_space<vmem_shared>>)
          tpu.yield
        }) : () -> ()
        %add3A_151 = arith.constant 4 : i32
        %add3A_152 = arith.addi %add3A_130, %add3A_151 : i32
        %mul3A_153 = arith.constant 32 : i32
        %mul3A_154 = arith.muli %add3A_152, %mul3A_153 : i32
        %dma_start3A_155 = tpu.memref_slice %arg9[%mul3A_154] : memref<10240xi32, #tpu.memory_space<vmem>> -> memref<32xi32, #tpu.memory_space<vmem>>
        %dma_start3A_156 = arith.constant 0 : i32
        %dma_start3A_157 = arith.constant 0 : i32
        %dma_start3A_158 = tpu.memref_slice %arg3[%dma_start3A_156, %dma_start3A_157] : memref<10000x128xf32, #tpu.memory_space<hbm>> -> memref<10000x128xf32, #tpu.memory_space<hbm>>
        tpu.enqueue_indirect_dma source(%dma_start3A_158 : memref<10000x128xf32, #tpu.memory_space<hbm>>) target(%arg12 : memref<32x128xf32, #tpu.memory_space<vmem>>) offsets(%dma_start3A_155 : memref<32xi32, #tpu.memory_space<vmem>>) semaphore(%arg16 : memref<!tpu.dma_semaphore, #tpu.memory_space<semaphore_mem>>)
        %mul3A_159 = arith.constant 4 : i32
        %mul3A_160 = arith.muli %scan3A_95, %mul3A_159 : i32
        %add3A_161 = arith.constant 2 : i32
        %add3A_162 = arith.addi %mul3A_160, %add3A_161 : i32
        %mul3A_163 = arith.constant 32 : i32
        %mul3A_164 = arith.muli %add3A_162, %mul3A_163 : i32
        %dma_wait3A_165 = tpu.memref_slice %arg9[%mul3A_164] : memref<10240xi32, #tpu.memory_space<vmem>> -> memref<32xi32, #tpu.memory_space<vmem>>
        %dma_wait3A_166 = arith.constant 0 : i32
        %dma_wait3A_167 = arith.constant 0 : i32
        %dma_wait3A_168 = tpu.memref_slice %arg3[%dma_wait3A_166, %dma_wait3A_167] : memref<10000x128xf32, #tpu.memory_space<hbm>> -> memref<10000x128xf32, #tpu.memory_space<hbm>>
        tpu.wait_indirect_dma semaphore(%arg17 : memref<!tpu.dma_semaphore, #tpu.memory_space<semaphore_mem>>) src(%dma_wait3A_168 : memref<10000x128xf32, #tpu.memory_space<hbm>>) dst(%arg13 : memref<32x128xf32, #tpu.memory_space<vmem>>)
        %mul3A_169 = arith.constant 32 : i32
        %mul3A_170 = arith.muli %add3A_162, %mul3A_169 : i32
        %add3A_171 = arith.constant 0 : i32
        %add3A_172 = arith.addi %mul3A_170, %add3A_171 : i32
        %get3A_173 = arith.index_cast %add3A_172 : i32 to index
        %get3A_174 = tpu.vector_load %arg10[%get3A_173] {strides = array<i32>} : memref<10240xi32, #tpu.memory_space<vmem>>, vector<16xi32>,
        %get3A_175 = vector.shape_cast %get3A_174 : vector<16xi32> to vector<16xi32>
        "tpu.region"() ({
          %run_scoped3A = tpu.sem_alloc : memref<!tpu.dma_semaphore, #tpu.memory_space<semaphore_mem>>
          %dma_start3A_223 = arith.constant 0 : i32
          %dma_start3A_224 = arith.constant 0 : i32
          %dma_start3A_225 = tpu.memref_slice %arg13[%dma_start3A_223, %dma_start3A_224] : memref<32x128xf32, #tpu.memory_space<vmem>> -> memref<16x128xf32, #tpu.memory_space<vmem>>
          %dma_start3A_226 = arith.constant 0 : i32
          %dma_start3A_227 = arith.constant 0 : i32
          %dma_start3A_228 = tpu.memref_slice %arg19[%dma_start3A_226, %dma_start3A_227] : memref<10064x128xf32, #tpu.memory_space<vmem_shared>> -> memref<10064x128xf32, #tpu.memory_space<vmem_shared>>
          tpu.enqueue_indirect_dma source(%dma_start3A_225 : memref<16x128xf32, #tpu.memory_space<vmem>>) target(%dma_start3A_228 : memref<10064x128xf32, #tpu.memory_space<vmem_shared>>) offsets(%get3A_175 : vector<16xi32>) semaphore(%run_scoped3A : memref<!tpu.dma_semaphore, #tpu.memory_space<semaphore_mem>>) {add = true}
          %dma_wait3A_229 = arith.constant 0 : i32
          %dma_wait3A_230 = arith.constant 0 : i32
          %dma_wait3A_231 = tpu.memref_slice %arg13[%dma_wait3A_229, %dma_wait3A_230] : memref<32x128xf32, #tpu.memory_space<vmem>> -> memref<16x128xf32, #tpu.memory_space<vmem>>
          %dma_wait3A_232 = arith.constant 0 : i32
          %dma_wait3A_233 = arith.constant 0 : i32
          %dma_wait3A_234 = tpu.memref_slice %arg19[%dma_wait3A_232, %dma_wait3A_233] : memref<10064x128xf32, #tpu.memory_space<vmem_shared>> -> memref<10064x128xf32, #tpu.memory_space<vmem_shared>>
          tpu.wait_indirect_dma semaphore(%run_scoped3A : memref<!tpu.dma_semaphore, #tpu.memory_space<semaphore_mem>>) src(%dma_wait3A_231 : memref<16x128xf32, #tpu.memory_space<vmem>>) dst(%dma_wait3A_234 : memref<10064x128xf32, #tpu.memory_space<vmem_shared>>)
          tpu.yield
        }) : () -> ()
        %mul3A_176 = arith.constant 32 : i32
        %mul3A_177 = arith.muli %add3A_162, %mul3A_176 : i32
        %add3A_178 = arith.constant 16 : i32
        %add3A_179 = arith.addi %mul3A_177, %add3A_178 : i32
        %get3A_180 = arith.index_cast %add3A_179 : i32 to index
        %get3A_181 = tpu.vector_load %arg10[%get3A_180] {strides = array<i32>} : memref<10240xi32, #tpu.memory_space<vmem>>, vector<16xi32>,
        %get3A_182 = vector.shape_cast %get3A_181 : vector<16xi32> to vector<16xi32>
        "tpu.region"() ({
          %run_scoped3A = tpu.sem_alloc : memref<!tpu.dma_semaphore, #tpu.memory_space<semaphore_mem>>
          %dma_start3A_223 = arith.constant 16 : i32
          %dma_start3A_224 = arith.constant 0 : i32
          %dma_start3A_225 = tpu.memref_slice %arg13[%dma_start3A_223, %dma_start3A_224] : memref<32x128xf32, #tpu.memory_space<vmem>> -> memref<16x128xf32, #tpu.memory_space<vmem>>
          %dma_start3A_226 = arith.constant 0 : i32
          %dma_start3A_227 = arith.constant 0 : i32
          %dma_start3A_228 = tpu.memref_slice %arg19[%dma_start3A_226, %dma_start3A_227] : memref<10064x128xf32, #tpu.memory_space<vmem_shared>> -> memref<10064x128xf32, #tpu.memory_space<vmem_shared>>
          tpu.enqueue_indirect_dma source(%dma_start3A_225 : memref<16x128xf32, #tpu.memory_space<vmem>>) target(%dma_start3A_228 : memref<10064x128xf32, #tpu.memory_space<vmem_shared>>) offsets(%get3A_182 : vector<16xi32>) semaphore(%run_scoped3A : memref<!tpu.dma_semaphore, #tpu.memory_space<semaphore_mem>>) {add = true}
          %dma_wait3A_229 = arith.constant 16 : i32
          %dma_wait3A_230 = arith.constant 0 : i32
          %dma_wait3A_231 = tpu.memref_slice %arg13[%dma_wait3A_229, %dma_wait3A_230] : memref<32x128xf32, #tpu.memory_space<vmem>> -> memref<16x128xf32, #tpu.memory_space<vmem>>
          %dma_wait3A_232 = arith.constant 0 : i32
          %dma_wait3A_233 = arith.constant 0 : i32
          %dma_wait3A_234 = tpu.memref_slice %arg19[%dma_wait3A_232, %dma_wait3A_233] : memref<10064x128xf32, #tpu.memory_space<vmem_shared>> -> memref<10064x128xf32, #tpu.memory_space<vmem_shared>>
          tpu.wait_indirect_dma semaphore(%run_scoped3A : memref<!tpu.dma_semaphore, #tpu.memory_space<semaphore_mem>>) src(%dma_wait3A_231 : memref<16x128xf32, #tpu.memory_space<vmem>>) dst(%dma_wait3A_234 : memref<10064x128xf32, #tpu.memory_space<vmem_shared>>)
          tpu.yield
        }) : () -> ()
        %add3A_183 = arith.constant 4 : i32
        %add3A_184 = arith.addi %add3A_162, %add3A_183 : i32
        %mul3A_185 = arith.constant 32 : i32
        %mul3A_186 = arith.muli %add3A_184, %mul3A_185 : i32
        %dma_start3A_187 = tpu.memref_slice %arg9[%mul3A_186] : memref<10240xi32, #tpu.memory_space<vmem>> -> memref<32xi32, #tpu.memory_space<vmem>>
        %dma_start3A_188 = arith.constant 0 : i32
        %dma_start3A_189 = arith.constant 0 : i32
        %dma_start3A_190 = tpu.memref_slice %arg3[%dma_start3A_188, %dma_start3A_189] : memref<10000x128xf32, #tpu.memory_space<hbm>> -> memref<10000x128xf32, #tpu.memory_space<hbm>>
        tpu.enqueue_indirect_dma source(%dma_start3A_190 : memref<10000x128xf32, #tpu.memory_space<hbm>>) target(%arg13 : memref<32x128xf32, #tpu.memory_space<vmem>>) offsets(%dma_start3A_187 : memref<32xi32, #tpu.memory_space<vmem>>) semaphore(%arg17 : memref<!tpu.dma_semaphore, #tpu.memory_space<semaphore_mem>>)
        %mul3A_191 = arith.constant 4 : i32
        %mul3A_192 = arith.muli %scan3A_95, %mul3A_191 : i32
        %add3A_193 = arith.constant 3 : i32
        %add3A_194 = arith.addi %mul3A_192, %add3A_193 : i32
        %mul3A_195 = arith.constant 32 : i32
        %mul3A_196 = arith.muli %add3A_194, %mul3A_195 : i32
        %dma_wait3A_197 = tpu.memref_slice %arg9[%mul3A_196] : memref<10240xi32, #tpu.memory_space<vmem>> -> memref<32xi32, #tpu.memory_space<vmem>>
        %dma_wait3A_198 = arith.constant 0 : i32
        %dma_wait3A_199 = arith.constant 0 : i32
        %dma_wait3A_200 = tpu.memref_slice %arg3[%dma_wait3A_198, %dma_wait3A_199] : memref<10000x128xf32, #tpu.memory_space<hbm>> -> memref<10000x128xf32, #tpu.memory_space<hbm>>
        tpu.wait_indirect_dma semaphore(%arg18 : memref<!tpu.dma_semaphore, #tpu.memory_space<semaphore_mem>>) src(%dma_wait3A_200 : memref<10000x128xf32, #tpu.memory_space<hbm>>) dst(%arg14 : memref<32x128xf32, #tpu.memory_space<vmem>>)
        %mul3A_201 = arith.constant 32 : i32
        %mul3A_202 = arith.muli %add3A_194, %mul3A_201 : i32
        %add3A_203 = arith.constant 0 : i32
        %add3A_204 = arith.addi %mul3A_202, %add3A_203 : i32
        %get3A_205 = arith.index_cast %add3A_204 : i32 to index
        %get3A_206 = tpu.vector_load %arg10[%get3A_205] {strides = array<i32>} : memref<10240xi32, #tpu.memory_space<vmem>>, vector<16xi32>,
        %get3A_207 = vector.shape_cast %get3A_206 : vector<16xi32> to vector<16xi32>
        "tpu.region"() ({
          %run_scoped3A = tpu.sem_alloc : memref<!tpu.dma_semaphore, #tpu.memory_space<semaphore_mem>>
          %dma_start3A_223 = arith.constant 0 : i32
          %dma_start3A_224 = arith.constant 0 : i32
          %dma_start3A_225 = tpu.memref_slice %arg14[%dma_start3A_223, %dma_start3A_224] : memref<32x128xf32, #tpu.memory_space<vmem>> -> memref<16x128xf32, #tpu.memory_space<vmem>>
          %dma_start3A_226 = arith.constant 0 : i32
          %dma_start3A_227 = arith.constant 0 : i32
          %dma_start3A_228 = tpu.memref_slice %arg19[%dma_start3A_226, %dma_start3A_227] : memref<10064x128xf32, #tpu.memory_space<vmem_shared>> -> memref<10064x128xf32, #tpu.memory_space<vmem_shared>>
          tpu.enqueue_indirect_dma source(%dma_start3A_225 : memref<16x128xf32, #tpu.memory_space<vmem>>) target(%dma_start3A_228 : memref<10064x128xf32, #tpu.memory_space<vmem_shared>>) offsets(%get3A_207 : vector<16xi32>) semaphore(%run_scoped3A : memref<!tpu.dma_semaphore, #tpu.memory_space<semaphore_mem>>) {add = true}
          %dma_wait3A_229 = arith.constant 0 : i32
          %dma_wait3A_230 = arith.constant 0 : i32
          %dma_wait3A_231 = tpu.memref_slice %arg14[%dma_wait3A_229, %dma_wait3A_230] : memref<32x128xf32, #tpu.memory_space<vmem>> -> memref<16x128xf32, #tpu.memory_space<vmem>>
          %dma_wait3A_232 = arith.constant 0 : i32
          %dma_wait3A_233 = arith.constant 0 : i32
          %dma_wait3A_234 = tpu.memref_slice %arg19[%dma_wait3A_232, %dma_wait3A_233] : memref<10064x128xf32, #tpu.memory_space<vmem_shared>> -> memref<10064x128xf32, #tpu.memory_space<vmem_shared>>
          tpu.wait_indirect_dma semaphore(%run_scoped3A : memref<!tpu.dma_semaphore, #tpu.memory_space<semaphore_mem>>) src(%dma_wait3A_231 : memref<16x128xf32, #tpu.memory_space<vmem>>) dst(%dma_wait3A_234 : memref<10064x128xf32, #tpu.memory_space<vmem_shared>>)
          tpu.yield
        }) : () -> ()
        %mul3A_208 = arith.constant 32 : i32
        %mul3A_209 = arith.muli %add3A_194, %mul3A_208 : i32
        %add3A_210 = arith.constant 16 : i32
        %add3A_211 = arith.addi %mul3A_209, %add3A_210 : i32
        %get3A_212 = arith.index_cast %add3A_211 : i32 to index
        %get3A_213 = tpu.vector_load %arg10[%get3A_212] {strides = array<i32>} : memref<10240xi32, #tpu.memory_space<vmem>>, vector<16xi32>,
        %get3A_214 = vector.shape_cast %get3A_213 : vector<16xi32> to vector<16xi32>
        "tpu.region"() ({
          %run_scoped3A = tpu.sem_alloc : memref<!tpu.dma_semaphore, #tpu.memory_space<semaphore_mem>>
          %dma_start3A_223 = arith.constant 16 : i32
          %dma_start3A_224 = arith.constant 0 : i32
          %dma_start3A_225 = tpu.memref_slice %arg14[%dma_start3A_223, %dma_start3A_224] : memref<32x128xf32, #tpu.memory_space<vmem>> -> memref<16x128xf32, #tpu.memory_space<vmem>>
          %dma_start3A_226 = arith.constant 0 : i32
          %dma_start3A_227 = arith.constant 0 : i32
          %dma_start3A_228 = tpu.memref_slice %arg19[%dma_start3A_226, %dma_start3A_227] : memref<10064x128xf32, #tpu.memory_space<vmem_shared>> -> memref<10064x128xf32, #tpu.memory_space<vmem_shared>>
          tpu.enqueue_indirect_dma source(%dma_start3A_225 : memref<16x128xf32, #tpu.memory_space<vmem>>) target(%dma_start3A_228 : memref<10064x128xf32, #tpu.memory_space<vmem_shared>>) offsets(%get3A_214 : vector<16xi32>) semaphore(%run_scoped3A : memref<!tpu.dma_semaphore, #tpu.memory_space<semaphore_mem>>) {add = true}
          %dma_wait3A_229 = arith.constant 16 : i32
          %dma_wait3A_230 = arith.constant 0 : i32
          %dma_wait3A_231 = tpu.memref_slice %arg14[%dma_wait3A_229, %dma_wait3A_230] : memref<32x128xf32, #tpu.memory_space<vmem>> -> memref<16x128xf32, #tpu.memory_space<vmem>>
          %dma_wait3A_232 = arith.constant 0 : i32
          %dma_wait3A_233 = arith.constant 0 : i32
          %dma_wait3A_234 = tpu.memref_slice %arg19[%dma_wait3A_232, %dma_wait3A_233] : memref<10064x128xf32, #tpu.memory_space<vmem_shared>> -> memref<10064x128xf32, #tpu.memory_space<vmem_shared>>
          tpu.wait_indirect_dma semaphore(%run_scoped3A : memref<!tpu.dma_semaphore, #tpu.memory_space<semaphore_mem>>) src(%dma_wait3A_231 : memref<16x128xf32, #tpu.memory_space<vmem>>) dst(%dma_wait3A_234 : memref<10064x128xf32, #tpu.memory_space<vmem_shared>>)
          tpu.yield
        }) : () -> ()
        %add3A_215 = arith.constant 4 : i32
        %add3A_216 = arith.addi %add3A_194, %add3A_215 : i32
        %mul3A_217 = arith.constant 32 : i32
        %mul3A_218 = arith.muli %add3A_216, %mul3A_217 : i32
        %dma_start3A_219 = tpu.memref_slice %arg9[%mul3A_218] : memref<10240xi32, #tpu.memory_space<vmem>> -> memref<32xi32, #tpu.memory_space<vmem>>
        %dma_start3A_220 = arith.constant 0 : i32
        %dma_start3A_221 = arith.constant 0 : i32
        %dma_start3A_222 = tpu.memref_slice %arg3[%dma_start3A_220, %dma_start3A_221] : memref<10000x128xf32, #tpu.memory_space<hbm>> -> memref<10000x128xf32, #tpu.memory_space<hbm>>
        tpu.enqueue_indirect_dma source(%dma_start3A_222 : memref<10000x128xf32, #tpu.memory_space<hbm>>) target(%arg14 : memref<32x128xf32, #tpu.memory_space<vmem>>) offsets(%dma_start3A_219 : memref<32xi32, #tpu.memory_space<vmem>>) semaphore(%arg18 : memref<!tpu.dma_semaphore, #tpu.memory_space<semaphore_mem>>)
      }
      %scan3A_42 = arith.constant 79 : i32
      %dma_wait3A = arith.constant 10112 : i32
      %dma_wait3A_43 = tpu.memref_slice %arg9[%dma_wait3A] : memref<10240xi32, #tpu.memory_space<vmem>> -> memref<32xi32, #tpu.memory_space<vmem>>
      %dma_wait3A_44 = arith.constant 0 : i32
      %dma_wait3A_45 = arith.constant 0 : i32
      %dma_wait3A_46 = tpu.memref_slice %arg3[%dma_wait3A_44, %dma_wait3A_45] : memref<10000x128xf32, #tpu.memory_space<hbm>> -> memref<10000x128xf32, #tpu.memory_space<hbm>>
      tpu.wait_indirect_dma semaphore(%arg15 : memref<!tpu.dma_semaphore, #tpu.memory_space<semaphore_mem>>) src(%dma_wait3A_46 : memref<10000x128xf32, #tpu.memory_space<hbm>>) dst(%arg11 : memref<32x128xf32, #tpu.memory_space<vmem>>)
      %get3A = arith.constant 10112 : index
      %get3A_47 = tpu.vector_load %arg10[%get3A] {strides = array<i32>} : memref<10240xi32, #tpu.memory_space<vmem>>, vector<16xi32>,
      %get3A_48 = vector.shape_cast %get3A_47 : vector<16xi32> to vector<16xi32>
      "tpu.region"() ({
        %run_scoped3A = tpu.sem_alloc : memref<!tpu.dma_semaphore, #tpu.memory_space<semaphore_mem>>
        %dma_start3A_95 = arith.constant 0 : i32
        %dma_start3A_96 = arith.constant 0 : i32
        %dma_start3A_97 = tpu.memref_slice %arg11[%dma_start3A_95, %dma_start3A_96] : memref<32x128xf32, #tpu.memory_space<vmem>> -> memref<16x128xf32, #tpu.memory_space<vmem>>
        %dma_start3A_98 = arith.constant 0 : i32
        %dma_start3A_99 = arith.constant 0 : i32
        %dma_start3A_100 = tpu.memref_slice %arg19[%dma_start3A_98, %dma_start3A_99] : memref<10064x128xf32, #tpu.memory_space<vmem_shared>> -> memref<10064x128xf32, #tpu.memory_space<vmem_shared>>
        tpu.enqueue_indirect_dma source(%dma_start3A_97 : memref<16x128xf32, #tpu.memory_space<vmem>>) target(%dma_start3A_100 : memref<10064x128xf32, #tpu.memory_space<vmem_shared>>) offsets(%get3A_48 : vector<16xi32>) semaphore(%run_scoped3A : memref<!tpu.dma_semaphore, #tpu.memory_space<semaphore_mem>>) {add = true}
        %dma_wait3A_101 = arith.constant 0 : i32
        %dma_wait3A_102 = arith.constant 0 : i32
        %dma_wait3A_103 = tpu.memref_slice %arg11[%dma_wait3A_101, %dma_wait3A_102] : memref<32x128xf32, #tpu.memory_space<vmem>> -> memref<16x128xf32, #tpu.memory_space<vmem>>
        %dma_wait3A_104 = arith.constant 0 : i32
        %dma_wait3A_105 = arith.constant 0 : i32
        %dma_wait3A_106 = tpu.memref_slice %arg19[%dma_wait3A_104, %dma_wait3A_105] : memref<10064x128xf32, #tpu.memory_space<vmem_shared>> -> memref<10064x128xf32, #tpu.memory_space<vmem_shared>>
        tpu.wait_indirect_dma semaphore(%run_scoped3A : memref<!tpu.dma_semaphore, #tpu.memory_space<semaphore_mem>>) src(%dma_wait3A_103 : memref<16x128xf32, #tpu.memory_space<vmem>>) dst(%dma_wait3A_106 : memref<10064x128xf32, #tpu.memory_space<vmem_shared>>)
        tpu.yield
      }) : () -> ()
      %get3A_49 = arith.constant 10128 : index
      %get3A_50 = tpu.vector_load %arg10[%get3A_49] {strides = array<i32>} : memref<10240xi32, #tpu.memory_space<vmem>>, vector<16xi32>,
      %get3A_51 = vector.shape_cast %get3A_50 : vector<16xi32> to vector<16xi32>
      "tpu.region"() ({
        %run_scoped3A = tpu.sem_alloc : memref<!tpu.dma_semaphore, #tpu.memory_space<semaphore_mem>>
        %dma_start3A_95 = arith.constant 16 : i32
        %dma_start3A_96 = arith.constant 0 : i32
        %dma_start3A_97 = tpu.memref_slice %arg11[%dma_start3A_95, %dma_start3A_96] : memref<32x128xf32, #tpu.memory_space<vmem>> -> memref<16x128xf32, #tpu.memory_space<vmem>>
        %dma_start3A_98 = arith.constant 0 : i32
        %dma_start3A_99 = arith.constant 0 : i32
        %dma_start3A_100 = tpu.memref_slice %arg19[%dma_start3A_98, %dma_start3A_99] : memref<10064x128xf32, #tpu.memory_space<vmem_shared>> -> memref<10064x128xf32, #tpu.memory_space<vmem_shared>>
        tpu.enqueue_indirect_dma source(%dma_start3A_97 : memref<16x128xf32, #tpu.memory_space<vmem>>) target(%dma_start3A_100 : memref<10064x128xf32, #tpu.memory_space<vmem_shared>>) offsets(%get3A_51 : vector<16xi32>) semaphore(%run_scoped3A : memref<!tpu.dma_semaphore, #tpu.memory_space<semaphore_mem>>) {add = true}
        %dma_wait3A_101 = arith.constant 16 : i32
        %dma_wait3A_102 = arith.constant 0 : i32
        %dma_wait3A_103 = tpu.memref_slice %arg11[%dma_wait3A_101, %dma_wait3A_102] : memref<32x128xf32, #tpu.memory_space<vmem>> -> memref<16x128xf32, #tpu.memory_space<vmem>>
        %dma_wait3A_104 = arith.constant 0 : i32
        %dma_wait3A_105 = arith.constant 0 : i32
        %dma_wait3A_106 = tpu.memref_slice %arg19[%dma_wait3A_104, %dma_wait3A_105] : memref<10064x128xf32, #tpu.memory_space<vmem_shared>> -> memref<10064x128xf32, #tpu.memory_space<vmem_shared>>
        tpu.wait_indirect_dma semaphore(%run_scoped3A : memref<!tpu.dma_semaphore, #tpu.memory_space<semaphore_mem>>) src(%dma_wait3A_103 : memref<16x128xf32, #tpu.memory_space<vmem>>) dst(%dma_wait3A_106 : memref<10064x128xf32, #tpu.memory_space<vmem_shared>>)
        tpu.yield
      }) : () -> ()
      %dma_wait3A_52 = arith.constant 10144 : i32
      %dma_wait3A_53 = tpu.memref_slice %arg9[%dma_wait3A_52] : memref<10240xi32, #tpu.memory_space<vmem>> -> memref<32xi32, #tpu.memory_space<vmem>>
      %dma_wait3A_54 = arith.constant 0 : i32
      %dma_wait3A_55 = arith.constant 0 : i32
      %dma_wait3A_56 = tpu.memref_slice %arg3[%dma_wait3A_54, %dma_wait3A_55] : memref<10000x128xf32, #tpu.memory_space<hbm>> -> memref<10000x128xf32, #tpu.memory_space<hbm>>
      tpu.wait_indirect_dma semaphore(%arg16 : memref<!tpu.dma_semaphore, #tpu.memory_space<semaphore_mem>>) src(%dma_wait3A_56 : memref<10000x128xf32, #tpu.memory_space<hbm>>) dst(%arg12 : memref<32x128xf32, #tpu.memory_space<vmem>>)
      %get3A_57 = arith.constant 10144 : index
      %get3A_58 = tpu.vector_load %arg10[%get3A_57] {strides = array<i32>} : memref<10240xi32, #tpu.memory_space<vmem>>, vector<16xi32>,
      %get3A_59 = vector.shape_cast %get3A_58 : vector<16xi32> to vector<16xi32>
      "tpu.region"() ({
        %run_scoped3A = tpu.sem_alloc : memref<!tpu.dma_semaphore, #tpu.memory_space<semaphore_mem>>
        %dma_start3A_95 = arith.constant 0 : i32
        %dma_start3A_96 = arith.constant 0 : i32
        %dma_start3A_97 = tpu.memref_slice %arg12[%dma_start3A_95, %dma_start3A_96] : memref<32x128xf32, #tpu.memory_space<vmem>> -> memref<16x128xf32, #tpu.memory_space<vmem>>
        %dma_start3A_98 = arith.constant 0 : i32
        %dma_start3A_99 = arith.constant 0 : i32
        %dma_start3A_100 = tpu.memref_slice %arg19[%dma_start3A_98, %dma_start3A_99] : memref<10064x128xf32, #tpu.memory_space<vmem_shared>> -> memref<10064x128xf32, #tpu.memory_space<vmem_shared>>
        tpu.enqueue_indirect_dma source(%dma_start3A_97 : memref<16x128xf32, #tpu.memory_space<vmem>>) target(%dma_start3A_100 : memref<10064x128xf32, #tpu.memory_space<vmem_shared>>) offsets(%get3A_59 : vector<16xi32>) semaphore(%run_scoped3A : memref<!tpu.dma_semaphore, #tpu.memory_space<semaphore_mem>>) {add = true}
        %dma_wait3A_101 = arith.constant 0 : i32
        %dma_wait3A_102 = arith.constant 0 : i32
        %dma_wait3A_103 = tpu.memref_slice %arg12[%dma_wait3A_101, %dma_wait3A_102] : memref<32x128xf32, #tpu.memory_space<vmem>> -> memref<16x128xf32, #tpu.memory_space<vmem>>
        %dma_wait3A_104 = arith.constant 0 : i32
        %dma_wait3A_105 = arith.constant 0 : i32
        %dma_wait3A_106 = tpu.memref_slice %arg19[%dma_wait3A_104, %dma_wait3A_105] : memref<10064x128xf32, #tpu.memory_space<vmem_shared>> -> memref<10064x128xf32, #tpu.memory_space<vmem_shared>>
        tpu.wait_indirect_dma semaphore(%run_scoped3A : memref<!tpu.dma_semaphore, #tpu.memory_space<semaphore_mem>>) src(%dma_wait3A_103 : memref<16x128xf32, #tpu.memory_space<vmem>>) dst(%dma_wait3A_106 : memref<10064x128xf32, #tpu.memory_space<vmem_shared>>)
        tpu.yield
      }) : () -> ()
      %get3A_60 = arith.constant 10160 : index
      %get3A_61 = tpu.vector_load %arg10[%get3A_60] {strides = array<i32>} : memref<10240xi32, #tpu.memory_space<vmem>>, vector<16xi32>,
      %get3A_62 = vector.shape_cast %get3A_61 : vector<16xi32> to vector<16xi32>
      "tpu.region"() ({
        %run_scoped3A = tpu.sem_alloc : memref<!tpu.dma_semaphore, #tpu.memory_space<semaphore_mem>>
        %dma_start3A_95 = arith.constant 16 : i32
        %dma_start3A_96 = arith.constant 0 : i32
        %dma_start3A_97 = tpu.memref_slice %arg12[%dma_start3A_95, %dma_start3A_96] : memref<32x128xf32, #tpu.memory_space<vmem>> -> memref<16x128xf32, #tpu.memory_space<vmem>>
        %dma_start3A_98 = arith.constant 0 : i32
        %dma_start3A_99 = arith.constant 0 : i32
        %dma_start3A_100 = tpu.memref_slice %arg19[%dma_start3A_98, %dma_start3A_99] : memref<10064x128xf32, #tpu.memory_space<vmem_shared>> -> memref<10064x128xf32, #tpu.memory_space<vmem_shared>>
        tpu.enqueue_indirect_dma source(%dma_start3A_97 : memref<16x128xf32, #tpu.memory_space<vmem>>) target(%dma_start3A_100 : memref<10064x128xf32, #tpu.memory_space<vmem_shared>>) offsets(%get3A_62 : vector<16xi32>) semaphore(%run_scoped3A : memref<!tpu.dma_semaphore, #tpu.memory_space<semaphore_mem>>) {add = true}
        %dma_wait3A_101 = arith.constant 16 : i32
        %dma_wait3A_102 = arith.constant 0 : i32
        %dma_wait3A_103 = tpu.memref_slice %arg12[%dma_wait3A_101, %dma_wait3A_102] : memref<32x128xf32, #tpu.memory_space<vmem>> -> memref<16x128xf32, #tpu.memory_space<vmem>>
        %dma_wait3A_104 = arith.constant 0 : i32
        %dma_wait3A_105 = arith.constant 0 : i32
        %dma_wait3A_106 = tpu.memref_slice %arg19[%dma_wait3A_104, %dma_wait3A_105] : memref<10064x128xf32, #tpu.memory_space<vmem_shared>> -> memref<10064x128xf32, #tpu.memory_space<vmem_shared>>
        tpu.wait_indirect_dma semaphore(%run_scoped3A : memref<!tpu.dma_semaphore, #tpu.memory_space<semaphore_mem>>) src(%dma_wait3A_103 : memref<16x128xf32, #tpu.memory_space<vmem>>) dst(%dma_wait3A_106 : memref<10064x128xf32, #tpu.memory_space<vmem_shared>>)
        tpu.yield
      }) : () -> ()
      %dma_wait3A_63 = arith.constant 10176 : i32
      %dma_wait3A_64 = tpu.memref_slice %arg9[%dma_wait3A_63] : memref<10240xi32, #tpu.memory_space<vmem>> -> memref<32xi32, #tpu.memory_space<vmem>>
      %dma_wait3A_65 = arith.constant 0 : i32
      %dma_wait3A_66 = arith.constant 0 : i32
      %dma_wait3A_67 = tpu.memref_slice %arg3[%dma_wait3A_65, %dma_wait3A_66] : memref<10000x128xf32, #tpu.memory_space<hbm>> -> memref<10000x128xf32, #tpu.memory_space<hbm>>
      tpu.wait_indirect_dma semaphore(%arg17 : memref<!tpu.dma_semaphore, #tpu.memory_space<semaphore_mem>>) src(%dma_wait3A_67 : memref<10000x128xf32, #tpu.memory_space<hbm>>) dst(%arg13 : memref<32x128xf32, #tpu.memory_space<vmem>>)
      %get3A_68 = arith.constant 10176 : index
      %get3A_69 = tpu.vector_load %arg10[%get3A_68] {strides = array<i32>} : memref<10240xi32, #tpu.memory_space<vmem>>, vector<16xi32>,
      %get3A_70 = vector.shape_cast %get3A_69 : vector<16xi32> to vector<16xi32>
      "tpu.region"() ({
        %run_scoped3A = tpu.sem_alloc : memref<!tpu.dma_semaphore, #tpu.memory_space<semaphore_mem>>
        %dma_start3A_95 = arith.constant 0 : i32
        %dma_start3A_96 = arith.constant 0 : i32
        %dma_start3A_97 = tpu.memref_slice %arg13[%dma_start3A_95, %dma_start3A_96] : memref<32x128xf32, #tpu.memory_space<vmem>> -> memref<16x128xf32, #tpu.memory_space<vmem>>
        %dma_start3A_98 = arith.constant 0 : i32
        %dma_start3A_99 = arith.constant 0 : i32
        %dma_start3A_100 = tpu.memref_slice %arg19[%dma_start3A_98, %dma_start3A_99] : memref<10064x128xf32, #tpu.memory_space<vmem_shared>> -> memref<10064x128xf32, #tpu.memory_space<vmem_shared>>
        tpu.enqueue_indirect_dma source(%dma_start3A_97 : memref<16x128xf32, #tpu.memory_space<vmem>>) target(%dma_start3A_100 : memref<10064x128xf32, #tpu.memory_space<vmem_shared>>) offsets(%get3A_70 : vector<16xi32>) semaphore(%run_scoped3A : memref<!tpu.dma_semaphore, #tpu.memory_space<semaphore_mem>>) {add = true}
        %dma_wait3A_101 = arith.constant 0 : i32
        %dma_wait3A_102 = arith.constant 0 : i32
        %dma_wait3A_103 = tpu.memref_slice %arg13[%dma_wait3A_101, %dma_wait3A_102] : memref<32x128xf32, #tpu.memory_space<vmem>> -> memref<16x128xf32, #tpu.memory_space<vmem>>
        %dma_wait3A_104 = arith.constant 0 : i32
        %dma_wait3A_105 = arith.constant 0 : i32
        %dma_wait3A_106 = tpu.memref_slice %arg19[%dma_wait3A_104, %dma_wait3A_105] : memref<10064x128xf32, #tpu.memory_space<vmem_shared>> -> memref<10064x128xf32, #tpu.memory_space<vmem_shared>>
        tpu.wait_indirect_dma semaphore(%run_scoped3A : memref<!tpu.dma_semaphore, #tpu.memory_space<semaphore_mem>>) src(%dma_wait3A_103 : memref<16x128xf32, #tpu.memory_space<vmem>>) dst(%dma_wait3A_106 : memref<10064x128xf32, #tpu.memory_space<vmem_shared>>)
        tpu.yield
      }) : () -> ()
      %get3A_71 = arith.constant 10192 : index
      %get3A_72 = tpu.vector_load %arg10[%get3A_71] {strides = array<i32>} : memref<10240xi32, #tpu.memory_space<vmem>>, vector<16xi32>,
      %get3A_73 = vector.shape_cast %get3A_72 : vector<16xi32> to vector<16xi32>
      "tpu.region"() ({
        %run_scoped3A = tpu.sem_alloc : memref<!tpu.dma_semaphore, #tpu.memory_space<semaphore_mem>>
        %dma_start3A_95 = arith.constant 16 : i32
        %dma_start3A_96 = arith.constant 0 : i32
        %dma_start3A_97 = tpu.memref_slice %arg13[%dma_start3A_95, %dma_start3A_96] : memref<32x128xf32, #tpu.memory_space<vmem>> -> memref<16x128xf32, #tpu.memory_space<vmem>>
        %dma_start3A_98 = arith.constant 0 : i32
        %dma_start3A_99 = arith.constant 0 : i32
        %dma_start3A_100 = tpu.memref_slice %arg19[%dma_start3A_98, %dma_start3A_99] : memref<10064x128xf32, #tpu.memory_space<vmem_shared>> -> memref<10064x128xf32, #tpu.memory_space<vmem_shared>>
        tpu.enqueue_indirect_dma source(%dma_start3A_97 : memref<16x128xf32, #tpu.memory_space<vmem>>) target(%dma_start3A_100 : memref<10064x128xf32, #tpu.memory_space<vmem_shared>>) offsets(%get3A_73 : vector<16xi32>) semaphore(%run_scoped3A : memref<!tpu.dma_semaphore, #tpu.memory_space<semaphore_mem>>) {add = true}
        %dma_wait3A_101 = arith.constant 16 : i32
        %dma_wait3A_102 = arith.constant 0 : i32
        %dma_wait3A_103 = tpu.memref_slice %arg13[%dma_wait3A_101, %dma_wait3A_102] : memref<32x128xf32, #tpu.memory_space<vmem>> -> memref<16x128xf32, #tpu.memory_space<vmem>>
        %dma_wait3A_104 = arith.constant 0 : i32
        %dma_wait3A_105 = arith.constant 0 : i32
        %dma_wait3A_106 = tpu.memref_slice %arg19[%dma_wait3A_104, %dma_wait3A_105] : memref<10064x128xf32, #tpu.memory_space<vmem_shared>> -> memref<10064x128xf32, #tpu.memory_space<vmem_shared>>
        tpu.wait_indirect_dma semaphore(%run_scoped3A : memref<!tpu.dma_semaphore, #tpu.memory_space<semaphore_mem>>) src(%dma_wait3A_103 : memref<16x128xf32, #tpu.memory_space<vmem>>) dst(%dma_wait3A_106 : memref<10064x128xf32, #tpu.memory_space<vmem_shared>>)
        tpu.yield
      }) : () -> ()
      %dma_wait3A_74 = arith.constant 10208 : i32
      %dma_wait3A_75 = tpu.memref_slice %arg9[%dma_wait3A_74] : memref<10240xi32, #tpu.memory_space<vmem>> -> memref<32xi32, #tpu.memory_space<vmem>>
      %dma_wait3A_76 = arith.constant 0 : i32
      %dma_wait3A_77 = arith.constant 0 : i32
      %dma_wait3A_78 = tpu.memref_slice %arg3[%dma_wait3A_76, %dma_wait3A_77] : memref<10000x128xf32, #tpu.memory_space<hbm>> -> memref<10000x128xf32, #tpu.memory_space<hbm>>
      tpu.wait_indirect_dma semaphore(%arg18 : memref<!tpu.dma_semaphore, #tpu.memory_space<semaphore_mem>>) src(%dma_wait3A_78 : memref<10000x128xf32, #tpu.memory_space<hbm>>) dst(%arg14 : memref<32x128xf32, #tpu.memory_space<vmem>>)
      %get3A_79 = arith.constant 10208 : index
      %get3A_80 = tpu.vector_load %arg10[%get3A_79] {strides = array<i32>} : memref<10240xi32, #tpu.memory_space<vmem>>, vector<16xi32>,
      %get3A_81 = vector.shape_cast %get3A_80 : vector<16xi32> to vector<16xi32>
      "tpu.region"() ({
        %run_scoped3A = tpu.sem_alloc : memref<!tpu.dma_semaphore, #tpu.memory_space<semaphore_mem>>
        %dma_start3A_95 = arith.constant 0 : i32
        %dma_start3A_96 = arith.constant 0 : i32
        %dma_start3A_97 = tpu.memref_slice %arg14[%dma_start3A_95, %dma_start3A_96] : memref<32x128xf32, #tpu.memory_space<vmem>> -> memref<16x128xf32, #tpu.memory_space<vmem>>
        %dma_start3A_98 = arith.constant 0 : i32
        %dma_start3A_99 = arith.constant 0 : i32
        %dma_start3A_100 = tpu.memref_slice %arg19[%dma_start3A_98, %dma_start3A_99] : memref<10064x128xf32, #tpu.memory_space<vmem_shared>> -> memref<10064x128xf32, #tpu.memory_space<vmem_shared>>
        tpu.enqueue_indirect_dma source(%dma_start3A_97 : memref<16x128xf32, #tpu.memory_space<vmem>>) target(%dma_start3A_100 : memref<10064x128xf32, #tpu.memory_space<vmem_shared>>) offsets(%get3A_81 : vector<16xi32>) semaphore(%run_scoped3A : memref<!tpu.dma_semaphore, #tpu.memory_space<semaphore_mem>>) {add = true}
        %dma_wait3A_101 = arith.constant 0 : i32
        %dma_wait3A_102 = arith.constant 0 : i32
        %dma_wait3A_103 = tpu.memref_slice %arg14[%dma_wait3A_101, %dma_wait3A_102] : memref<32x128xf32, #tpu.memory_space<vmem>> -> memref<16x128xf32, #tpu.memory_space<vmem>>
        %dma_wait3A_104 = arith.constant 0 : i32
        %dma_wait3A_105 = arith.constant 0 : i32
        %dma_wait3A_106 = tpu.memref_slice %arg19[%dma_wait3A_104, %dma_wait3A_105] : memref<10064x128xf32, #tpu.memory_space<vmem_shared>> -> memref<10064x128xf32, #tpu.memory_space<vmem_shared>>
        tpu.wait_indirect_dma semaphore(%run_scoped3A : memref<!tpu.dma_semaphore, #tpu.memory_space<semaphore_mem>>) src(%dma_wait3A_103 : memref<16x128xf32, #tpu.memory_space<vmem>>) dst(%dma_wait3A_106 : memref<10064x128xf32, #tpu.memory_space<vmem_shared>>)
        tpu.yield
      }) : () -> ()
      %get3A_82 = arith.constant 10224 : index
      %get3A_83 = tpu.vector_load %arg10[%get3A_82] {strides = array<i32>} : memref<10240xi32, #tpu.memory_space<vmem>>, vector<16xi32>,
      %get3A_84 = vector.shape_cast %get3A_83 : vector<16xi32> to vector<16xi32>
      "tpu.region"() ({
        %run_scoped3A = tpu.sem_alloc : memref<!tpu.dma_semaphore, #tpu.memory_space<semaphore_mem>>
        %dma_start3A_95 = arith.constant 16 : i32
        %dma_start3A_96 = arith.constant 0 : i32
        %dma_start3A_97 = tpu.memref_slice %arg14[%dma_start3A_95, %dma_start3A_96] : memref<32x128xf32, #tpu.memory_space<vmem>> -> memref<16x128xf32, #tpu.memory_space<vmem>>
        %dma_start3A_98 = arith.constant 0 : i32
        %dma_start3A_99 = arith.constant 0 : i32
        %dma_start3A_100 = tpu.memref_slice %arg19[%dma_start3A_98, %dma_start3A_99] : memref<10064x128xf32, #tpu.memory_space<vmem_shared>> -> memref<10064x128xf32, #tpu.memory_space<vmem_shared>>
        tpu.enqueue_indirect_dma source(%dma_start3A_97 : memref<16x128xf32, #tpu.memory_space<vmem>>) target(%dma_start3A_100 : memref<10064x128xf32, #tpu.memory_space<vmem_shared>>) offsets(%get3A_84 : vector<16xi32>) semaphore(%run_scoped3A : memref<!tpu.dma_semaphore, #tpu.memory_space<semaphore_mem>>) {add = true}
        %dma_wait3A_101 = arith.constant 16 : i32
        %dma_wait3A_102 = arith.constant 0 : i32
        %dma_wait3A_103 = tpu.memref_slice %arg14[%dma_wait3A_101, %dma_wait3A_102] : memref<32x128xf32, #tpu.memory_space<vmem>> -> memref<16x128xf32, #tpu.memory_space<vmem>>
        %dma_wait3A_104 = arith.constant 0 : i32
        %dma_wait3A_105 = arith.constant 0 : i32
        %dma_wait3A_106 = tpu.memref_slice %arg19[%dma_wait3A_104, %dma_wait3A_105] : memref<10064x128xf32, #tpu.memory_space<vmem_shared>> -> memref<10064x128xf32, #tpu.memory_space<vmem_shared>>
        tpu.wait_indirect_dma semaphore(%run_scoped3A : memref<!tpu.dma_semaphore, #tpu.memory_space<semaphore_mem>>) src(%dma_wait3A_103 : memref<16x128xf32, #tpu.memory_space<vmem>>) dst(%dma_wait3A_106 : memref<10064x128xf32, #tpu.memory_space<vmem_shared>>)
        tpu.yield
      }) : () -> ()
      %barrier3A_85 = arith.constant 0 : index
      tpu.barrier barrier_id(%barrier3A_85)
      %mul3A_86 = arith.constant 624 : i32
      %mul3A_87 = arith.muli %arg1, %mul3A_86 : i32
      %mul3A_88 = arith.constant 624 : i32
      %mul3A_89 = arith.muli %arg1, %mul3A_88 : i32
      "tpu.region"() ({
        %run_scoped3A = tpu.sem_alloc : memref<!tpu.dma_semaphore, #tpu.memory_space<semaphore_mem>>
        %dma_start3A_95 = arith.constant 0 : i32
        %dma_start3A_96 = tpu.memref_slice %arg8[%mul3A_89, %dma_start3A_95] : memref<10000x128xf32, #tpu.memory_space<hbm>> -> memref<624x128xf32, #tpu.memory_space<hbm>>
        %dma_start3A_97 = arith.constant 0 : i32
        %dma_start3A_98 = tpu.memref_slice %arg19[%mul3A_87, %dma_start3A_97] : memref<10064x128xf32, #tpu.memory_space<vmem_shared>> -> memref<624x128xf32, #tpu.memory_space<vmem_shared>>
        tpu.enqueue_dma source(%dma_start3A_98 : memref<624x128xf32, #tpu.memory_space<vmem_shared>>) target(%dma_start3A_96 : memref<624x128xf32, #tpu.memory_space<hbm>>) target_semaphore(%run_scoped3A : memref<!tpu.dma_semaphore, #tpu.memory_space<semaphore_mem>>)
        %dma_wait3A_99 = arith.constant 0 : i32
        %dma_wait3A_100 = tpu.memref_slice %arg8[%mul3A_89, %dma_wait3A_99] : memref<10000x128xf32, #tpu.memory_space<hbm>> -> memref<624x128xf32, #tpu.memory_space<hbm>>
        %dma_wait3A_101 = arith.constant 0 : i32
        %dma_wait3A_102 = tpu.memref_slice %arg19[%mul3A_87, %dma_wait3A_101] : memref<10064x128xf32, #tpu.memory_space<vmem_shared>> -> memref<624x128xf32, #tpu.memory_space<vmem_shared>>
        tpu.wait_dma2 semaphore(%run_scoped3A : memref<!tpu.dma_semaphore, #tpu.memory_space<semaphore_mem>>) src(%dma_wait3A_102 : memref<624x128xf32, #tpu.memory_space<vmem_shared>>) dst(%dma_wait3A_100 : memref<624x128xf32, #tpu.memory_space<hbm>>)
        tpu.yield
      }) : () -> ()
      %eq3A_90 = arith.constant 15 : i32
      %eq3A_91 = arith.cmpi eq, %arg1, %eq3A_90 : i32
      %convert_element_type3A_92 = arith.extui %eq3A_91 : i1 to i32
      %cond3A_93 = arith.constant 0 : i32
      %cond3A_94 = arith.cmpi ne, %convert_element_type3A_92, %cond3A_93 : i32
      scf.if %cond3A_94 {
        "tpu.region"() ({
          %run_scoped3A = tpu.sem_alloc : memref<!tpu.dma_semaphore, #tpu.memory_space<semaphore_mem>>
          %dma_start3A_95 = arith.constant 9984 : i32
          %dma_start3A_96 = arith.constant 0 : i32
          %dma_start3A_97 = tpu.memref_slice %arg8[%dma_start3A_95, %dma_start3A_96] : memref<10000x128xf32, #tpu.memory_space<hbm>> -> memref<16x128xf32, #tpu.memory_space<hbm>>
          %dma_start3A_98 = arith.constant 9984 : i32
          %dma_start3A_99 = arith.constant 0 : i32
          %dma_start3A_100 = tpu.memref_slice %arg19[%dma_start3A_98, %dma_start3A_99] : memref<10064x128xf32, #tpu.memory_space<vmem_shared>> -> memref<16x128xf32, #tpu.memory_space<vmem_shared>>
          tpu.enqueue_dma source(%dma_start3A_100 : memref<16x128xf32, #tpu.memory_space<vmem_shared>>) target(%dma_start3A_97 : memref<16x128xf32, #tpu.memory_space<hbm>>) target_semaphore(%run_scoped3A : memref<!tpu.dma_semaphore, #tpu.memory_space<semaphore_mem>>)
          %dma_wait3A_101 = arith.constant 9984 : i32
          %dma_wait3A_102 = arith.constant 0 : i32
          %dma_wait3A_103 = tpu.memref_slice %arg8[%dma_wait3A_101, %dma_wait3A_102] : memref<10000x128xf32, #tpu.memory_space<hbm>> -> memref<16x128xf32, #tpu.memory_space<hbm>>
          %dma_wait3A_104 = arith.constant 9984 : i32
          %dma_wait3A_105 = arith.constant 0 : i32
          %dma_wait3A_106 = tpu.memref_slice %arg19[%dma_wait3A_104, %dma_wait3A_105] : memref<10064x128xf32, #tpu.memory_space<vmem_shared>> -> memref<16x128xf32, #tpu.memory_space<vmem_shared>>
          tpu.wait_dma2 semaphore(%run_scoped3A : memref<!tpu.dma_semaphore, #tpu.memory_space<semaphore_mem>>) src(%dma_wait3A_106 : memref<16x128xf32, #tpu.memory_space<vmem_shared>>) dst(%dma_wait3A_103 : memref<16x128xf32, #tpu.memory_space<hbm>>)
          tpu.yield
        }) : () -> ()
      } else {
      }
    } else {
    }
    return
  }
}

#map = affine_map<(d0, d1) -> (0)>
#map1 = affine_map<(d0, d1) -> (0, 0)>
module attributes {stable_mosaic.version = 14 : i64} {
  func.func @deg_kernel(%arg0: i32, %arg1: i32, %arg2: memref<163840xi32, #tpu.memory_space<hbm>>, %arg3: memref<10000x128xf32, #tpu.memory_space<hbm>>, %arg4: memref<16x128xf32, #tpu.memory_space<hbm>>, %arg5: memref<10000x128xf32, #tpu.memory_space<hbm>>, %arg6: memref<10000x128xf32, #tpu.memory_space<hbm>>, %arg7: memref<5120xi32, #tpu.memory_space<vmem>>, %arg8: memref<16x128xf32, #tpu.memory_space<vmem>>, %arg9: memref<10064x128xf32, #tpu.memory_space<vmem_shared>>) attributes {dimension_semantics = [#tpu.dimension_semantics<core_parallel>, #tpu.dimension_semantics<subcore_parallel>], iteration_bounds = array<i64: 2, 16>, scalar_prefetch = 0 : i64, scratch_operands = 3 : i64, tpu.core_type = #tpu.core_type<sc_vector_subcore>, window_params = [{transform_indices = #map}, {transform_indices = #map1}, {transform_indices = #map1}, {transform_indices = #map1}, {transform_indices = #map1}]} {
    %mul3A = arith.constant 2 : i32
    %mul3A_0 = arith.muli %arg1, %mul3A : i32
    %add3A = arith.addi %mul3A_0, %arg0 : i32
    "tpu.region"() ({
      %run_scoped3A = tpu.sem_alloc : memref<!tpu.dma_semaphore, #tpu.memory_space<semaphore_mem>>
      tpu.enqueue_dma source(%arg4 : memref<16x128xf32, #tpu.memory_space<hbm>>) target(%arg8 : memref<16x128xf32, #tpu.memory_space<vmem>>) target_semaphore(%run_scoped3A : memref<!tpu.dma_semaphore, #tpu.memory_space<semaphore_mem>>)
      tpu.wait_dma2 semaphore(%run_scoped3A : memref<!tpu.dma_semaphore, #tpu.memory_space<semaphore_mem>>) src(%arg4 : memref<16x128xf32, #tpu.memory_space<hbm>>) dst(%arg8 : memref<16x128xf32, #tpu.memory_space<vmem>>)
      tpu.yield
    }) : () -> ()
    %mul3A_1 = arith.constant 5120 : i32
    %mul3A_2 = arith.muli %add3A, %mul3A_1 : i32
    "tpu.region"() ({
      %run_scoped3A = tpu.sem_alloc : memref<!tpu.dma_semaphore, #tpu.memory_space<semaphore_mem>>
      %dma_start3A = tpu.memref_slice %arg2[%mul3A_2] : memref<163840xi32, #tpu.memory_space<hbm>> -> memref<5120xi32, #tpu.memory_space<hbm>>
      %dma_start3A_25 = tpu.memref_slice %arg2[%mul3A_2] : memref<163840xi32, #tpu.memory_space<hbm>> -> memref<5120xi32, #tpu.memory_space<hbm>>
      tpu.enqueue_dma source(%dma_start3A_25 : memref<5120xi32, #tpu.memory_space<hbm>>) target(%arg7 : memref<5120xi32, #tpu.memory_space<vmem>>) target_semaphore(%run_scoped3A : memref<!tpu.dma_semaphore, #tpu.memory_space<semaphore_mem>>)
      %dma_wait3A = tpu.memref_slice %arg2[%mul3A_2] : memref<163840xi32, #tpu.memory_space<hbm>> -> memref<5120xi32, #tpu.memory_space<hbm>>
      %dma_wait3A_26 = tpu.memref_slice %arg2[%mul3A_2] : memref<163840xi32, #tpu.memory_space<hbm>> -> memref<5120xi32, #tpu.memory_space<hbm>>
      tpu.wait_dma2 semaphore(%run_scoped3A : memref<!tpu.dma_semaphore, #tpu.memory_space<semaphore_mem>>) src(%dma_wait3A_26 : memref<5120xi32, #tpu.memory_space<hbm>>) dst(%arg7 : memref<5120xi32, #tpu.memory_space<vmem>>)
      tpu.yield
    }) : () -> ()
    %mul3A_3 = arith.constant 624 : i32
    %mul3A_4 = arith.muli %arg1, %mul3A_3 : i32
    %mul3A_5 = arith.constant 624 : i32
    %mul3A_6 = arith.muli %arg1, %mul3A_5 : i32
    "tpu.region"() ({
      %run_scoped3A = tpu.sem_alloc : memref<!tpu.dma_semaphore, #tpu.memory_space<semaphore_mem>>
      %dma_start3A = arith.constant 0 : i32
      %dma_start3A_25 = tpu.memref_slice %arg9[%mul3A_6, %dma_start3A] : memref<10064x128xf32, #tpu.memory_space<vmem_shared>> -> memref<624x128xf32, #tpu.memory_space<vmem_shared>>
      %dma_start3A_26 = arith.constant 0 : i32
      %dma_start3A_27 = tpu.memref_slice %arg3[%mul3A_4, %dma_start3A_26] : memref<10000x128xf32, #tpu.memory_space<hbm>> -> memref<624x128xf32, #tpu.memory_space<hbm>>
      tpu.enqueue_dma source(%dma_start3A_27 : memref<624x128xf32, #tpu.memory_space<hbm>>) target(%dma_start3A_25 : memref<624x128xf32, #tpu.memory_space<vmem_shared>>) target_semaphore(%run_scoped3A : memref<!tpu.dma_semaphore, #tpu.memory_space<semaphore_mem>>)
      %dma_wait3A = arith.constant 0 : i32
      %dma_wait3A_28 = tpu.memref_slice %arg9[%mul3A_6, %dma_wait3A] : memref<10064x128xf32, #tpu.memory_space<vmem_shared>> -> memref<624x128xf32, #tpu.memory_space<vmem_shared>>
      %dma_wait3A_29 = arith.constant 0 : i32
      %dma_wait3A_30 = tpu.memref_slice %arg3[%mul3A_4, %dma_wait3A_29] : memref<10000x128xf32, #tpu.memory_space<hbm>> -> memref<624x128xf32, #tpu.memory_space<hbm>>
      tpu.wait_dma2 semaphore(%run_scoped3A : memref<!tpu.dma_semaphore, #tpu.memory_space<semaphore_mem>>) src(%dma_wait3A_30 : memref<624x128xf32, #tpu.memory_space<hbm>>) dst(%dma_wait3A_28 : memref<624x128xf32, #tpu.memory_space<vmem_shared>>)
      tpu.yield
    }) : () -> ()
    %eq3A = arith.constant 15 : i32
    %eq3A_7 = arith.cmpi eq, %arg1, %eq3A : i32
    %convert_element_type3A = arith.extui %eq3A_7 : i1 to i32
    %cond3A = arith.constant 0 : i32
    %cond3A_8 = arith.cmpi ne, %convert_element_type3A, %cond3A : i32
    scf.if %cond3A_8 {
      "tpu.region"() ({
        %run_scoped3A = tpu.sem_alloc : memref<!tpu.dma_semaphore, #tpu.memory_space<semaphore_mem>>
        %dma_start3A = arith.constant 9984 : i32
        %dma_start3A_25 = arith.constant 0 : i32
        %dma_start3A_26 = tpu.memref_slice %arg9[%dma_start3A, %dma_start3A_25] : memref<10064x128xf32, #tpu.memory_space<vmem_shared>> -> memref<16x128xf32, #tpu.memory_space<vmem_shared>>
        %dma_start3A_27 = arith.constant 9984 : i32
        %dma_start3A_28 = arith.constant 0 : i32
        %dma_start3A_29 = tpu.memref_slice %arg3[%dma_start3A_27, %dma_start3A_28] : memref<10000x128xf32, #tpu.memory_space<hbm>> -> memref<16x128xf32, #tpu.memory_space<hbm>>
        tpu.enqueue_dma source(%dma_start3A_29 : memref<16x128xf32, #tpu.memory_space<hbm>>) target(%dma_start3A_26 : memref<16x128xf32, #tpu.memory_space<vmem_shared>>) target_semaphore(%run_scoped3A : memref<!tpu.dma_semaphore, #tpu.memory_space<semaphore_mem>>)
        %dma_wait3A = arith.constant 9984 : i32
        %dma_wait3A_30 = arith.constant 0 : i32
        %dma_wait3A_31 = tpu.memref_slice %arg9[%dma_wait3A, %dma_wait3A_30] : memref<10064x128xf32, #tpu.memory_space<vmem_shared>> -> memref<16x128xf32, #tpu.memory_space<vmem_shared>>
        %dma_wait3A_32 = arith.constant 9984 : i32
        %dma_wait3A_33 = arith.constant 0 : i32
        %dma_wait3A_34 = tpu.memref_slice %arg3[%dma_wait3A_32, %dma_wait3A_33] : memref<10000x128xf32, #tpu.memory_space<hbm>> -> memref<16x128xf32, #tpu.memory_space<hbm>>
        tpu.wait_dma2 semaphore(%run_scoped3A : memref<!tpu.dma_semaphore, #tpu.memory_space<semaphore_mem>>) src(%dma_wait3A_34 : memref<16x128xf32, #tpu.memory_space<hbm>>) dst(%dma_wait3A_31 : memref<16x128xf32, #tpu.memory_space<vmem_shared>>)
        tpu.yield
      }) : () -> ()
    } else {
    }
    %barrier3A = arith.constant 0 : index
    tpu.barrier barrier_id(%barrier3A)
    %scan3A = arith.constant 0 : i32
    %scan3A_9 = arith.constant 0 : i32
    %scan3A_10 = arith.constant 320 : i32
    %scan3A_11 = arith.addi %scan3A_9, %scan3A_10 : i32
    %scan3A_12 = arith.constant 1 : i32
    scf.for %scan3A_25 = %scan3A_9 to %scan3A_11 step %scan3A_12  : i32 {
      %mul3A_26 = arith.constant 16 : i32
      %mul3A_27 = arith.muli %scan3A_25, %mul3A_26 : i32
      %get3A = arith.index_cast %mul3A_27 : i32 to index
      %get3A_28 = tpu.vector_load %arg7[%get3A] {strides = array<i32>} : memref<5120xi32, #tpu.memory_space<vmem>>, vector<16xi32>,
      %get3A_29 = vector.shape_cast %get3A_28 : vector<16xi32> to vector<16xi32>
      "tpu.region"() ({
        %run_scoped3A = tpu.sem_alloc : memref<!tpu.dma_semaphore, #tpu.memory_space<semaphore_mem>>
        %dma_start3A = arith.constant 0 : i32
        %dma_start3A_30 = arith.constant 0 : i32
        %dma_start3A_31 = tpu.memref_slice %arg9[%dma_start3A, %dma_start3A_30] : memref<10064x128xf32, #tpu.memory_space<vmem_shared>> -> memref<10064x128xf32, #tpu.memory_space<vmem_shared>>
        tpu.enqueue_indirect_dma source(%arg8 : memref<16x128xf32, #tpu.memory_space<vmem>>) target(%dma_start3A_31 : memref<10064x128xf32, #tpu.memory_space<vmem_shared>>) offsets(%get3A_29 : vector<16xi32>) semaphore(%run_scoped3A : memref<!tpu.dma_semaphore, #tpu.memory_space<semaphore_mem>>) {add = true}
        %dma_wait3A = arith.constant 0 : i32
        %dma_wait3A_32 = arith.constant 0 : i32
        %dma_wait3A_33 = tpu.memref_slice %arg9[%dma_wait3A, %dma_wait3A_32] : memref<10064x128xf32, #tpu.memory_space<vmem_shared>> -> memref<10064x128xf32, #tpu.memory_space<vmem_shared>>
        tpu.wait_indirect_dma semaphore(%run_scoped3A : memref<!tpu.dma_semaphore, #tpu.memory_space<semaphore_mem>>) src(%arg8 : memref<16x128xf32, #tpu.memory_space<vmem>>) dst(%dma_wait3A_33 : memref<10064x128xf32, #tpu.memory_space<vmem_shared>>)
        tpu.yield
      }) : () -> ()
    }
    %scan3A_13 = arith.constant 320 : i32
    %barrier3A_14 = arith.constant 0 : index
    tpu.barrier barrier_id(%barrier3A_14)
    %eq3A_15 = arith.constant 0 : i32
    %eq3A_16 = arith.cmpi eq, %arg0, %eq3A_15 : i32
    %convert_element_type3A_17 = arith.extui %eq3A_16 : i1 to i32
    %cond3A_18 = arith.constant 0 : i32
    %cond3A_19 = arith.cmpi ne, %convert_element_type3A_17, %cond3A_18 : i32
    scf.if %cond3A_19 {
      %mul3A_25 = arith.constant 624 : i32
      %mul3A_26 = arith.muli %arg1, %mul3A_25 : i32
      %mul3A_27 = arith.constant 624 : i32
      %mul3A_28 = arith.muli %arg1, %mul3A_27 : i32
      "tpu.region"() ({
        %run_scoped3A = tpu.sem_alloc : memref<!tpu.dma_semaphore, #tpu.memory_space<semaphore_mem>>
        %dma_start3A = arith.constant 0 : i32
        %dma_start3A_34 = tpu.memref_slice %arg5[%mul3A_28, %dma_start3A] : memref<10000x128xf32, #tpu.memory_space<hbm>> -> memref<624x128xf32, #tpu.memory_space<hbm>>
        %dma_start3A_35 = arith.constant 0 : i32
        %dma_start3A_36 = tpu.memref_slice %arg9[%mul3A_26, %dma_start3A_35] : memref<10064x128xf32, #tpu.memory_space<vmem_shared>> -> memref<624x128xf32, #tpu.memory_space<vmem_shared>>
        tpu.enqueue_dma source(%dma_start3A_36 : memref<624x128xf32, #tpu.memory_space<vmem_shared>>) target(%dma_start3A_34 : memref<624x128xf32, #tpu.memory_space<hbm>>) target_semaphore(%run_scoped3A : memref<!tpu.dma_semaphore, #tpu.memory_space<semaphore_mem>>)
        %dma_wait3A = arith.constant 0 : i32
        %dma_wait3A_37 = tpu.memref_slice %arg5[%mul3A_28, %dma_wait3A] : memref<10000x128xf32, #tpu.memory_space<hbm>> -> memref<624x128xf32, #tpu.memory_space<hbm>>
        %dma_wait3A_38 = arith.constant 0 : i32
        %dma_wait3A_39 = tpu.memref_slice %arg9[%mul3A_26, %dma_wait3A_38] : memref<10064x128xf32, #tpu.memory_space<vmem_shared>> -> memref<624x128xf32, #tpu.memory_space<vmem_shared>>
        tpu.wait_dma2 semaphore(%run_scoped3A : memref<!tpu.dma_semaphore, #tpu.memory_space<semaphore_mem>>) src(%dma_wait3A_39 : memref<624x128xf32, #tpu.memory_space<vmem_shared>>) dst(%dma_wait3A_37 : memref<624x128xf32, #tpu.memory_space<hbm>>)
        tpu.yield
      }) : () -> ()
      %eq3A_29 = arith.constant 15 : i32
      %eq3A_30 = arith.cmpi eq, %arg1, %eq3A_29 : i32
      %convert_element_type3A_31 = arith.extui %eq3A_30 : i1 to i32
      %cond3A_32 = arith.constant 0 : i32
      %cond3A_33 = arith.cmpi ne, %convert_element_type3A_31, %cond3A_32 : i32
      scf.if %cond3A_33 {
        "tpu.region"() ({
          %run_scoped3A = tpu.sem_alloc : memref<!tpu.dma_semaphore, #tpu.memory_space<semaphore_mem>>
          %dma_start3A = arith.constant 9984 : i32
          %dma_start3A_34 = arith.constant 0 : i32
          %dma_start3A_35 = tpu.memref_slice %arg5[%dma_start3A, %dma_start3A_34] : memref<10000x128xf32, #tpu.memory_space<hbm>> -> memref<16x128xf32, #tpu.memory_space<hbm>>
          %dma_start3A_36 = arith.constant 9984 : i32
          %dma_start3A_37 = arith.constant 0 : i32
          %dma_start3A_38 = tpu.memref_slice %arg9[%dma_start3A_36, %dma_start3A_37] : memref<10064x128xf32, #tpu.memory_space<vmem_shared>> -> memref<16x128xf32, #tpu.memory_space<vmem_shared>>
          tpu.enqueue_dma source(%dma_start3A_38 : memref<16x128xf32, #tpu.memory_space<vmem_shared>>) target(%dma_start3A_35 : memref<16x128xf32, #tpu.memory_space<hbm>>) target_semaphore(%run_scoped3A : memref<!tpu.dma_semaphore, #tpu.memory_space<semaphore_mem>>)
          %dma_wait3A = arith.constant 9984 : i32
          %dma_wait3A_39 = arith.constant 0 : i32
          %dma_wait3A_40 = tpu.memref_slice %arg5[%dma_wait3A, %dma_wait3A_39] : memref<10000x128xf32, #tpu.memory_space<hbm>> -> memref<16x128xf32, #tpu.memory_space<hbm>>
          %dma_wait3A_41 = arith.constant 9984 : i32
          %dma_wait3A_42 = arith.constant 0 : i32
          %dma_wait3A_43 = tpu.memref_slice %arg9[%dma_wait3A_41, %dma_wait3A_42] : memref<10064x128xf32, #tpu.memory_space<vmem_shared>> -> memref<16x128xf32, #tpu.memory_space<vmem_shared>>
          tpu.wait_dma2 semaphore(%run_scoped3A : memref<!tpu.dma_semaphore, #tpu.memory_space<semaphore_mem>>) src(%dma_wait3A_43 : memref<16x128xf32, #tpu.memory_space<vmem_shared>>) dst(%dma_wait3A_40 : memref<16x128xf32, #tpu.memory_space<hbm>>)
          tpu.yield
        }) : () -> ()
      } else {
      }
    } else {
    }
    %eq3A_20 = arith.constant 1 : i32
    %eq3A_21 = arith.cmpi eq, %arg0, %eq3A_20 : i32
    %convert_element_type3A_22 = arith.extui %eq3A_21 : i1 to i32
    %cond3A_23 = arith.constant 0 : i32
    %cond3A_24 = arith.cmpi ne, %convert_element_type3A_22, %cond3A_23 : i32
    scf.if %cond3A_24 {
      %mul3A_25 = arith.constant 624 : i32
      %mul3A_26 = arith.muli %arg1, %mul3A_25 : i32
      %mul3A_27 = arith.constant 624 : i32
      %mul3A_28 = arith.muli %arg1, %mul3A_27 : i32
      "tpu.region"() ({
        %run_scoped3A = tpu.sem_alloc : memref<!tpu.dma_semaphore, #tpu.memory_space<semaphore_mem>>
        %dma_start3A = arith.constant 0 : i32
        %dma_start3A_34 = tpu.memref_slice %arg6[%mul3A_28, %dma_start3A] : memref<10000x128xf32, #tpu.memory_space<hbm>> -> memref<624x128xf32, #tpu.memory_space<hbm>>
        %dma_start3A_35 = arith.constant 0 : i32
        %dma_start3A_36 = tpu.memref_slice %arg9[%mul3A_26, %dma_start3A_35] : memref<10064x128xf32, #tpu.memory_space<vmem_shared>> -> memref<624x128xf32, #tpu.memory_space<vmem_shared>>
        tpu.enqueue_dma source(%dma_start3A_36 : memref<624x128xf32, #tpu.memory_space<vmem_shared>>) target(%dma_start3A_34 : memref<624x128xf32, #tpu.memory_space<hbm>>) target_semaphore(%run_scoped3A : memref<!tpu.dma_semaphore, #tpu.memory_space<semaphore_mem>>)
        %dma_wait3A = arith.constant 0 : i32
        %dma_wait3A_37 = tpu.memref_slice %arg6[%mul3A_28, %dma_wait3A] : memref<10000x128xf32, #tpu.memory_space<hbm>> -> memref<624x128xf32, #tpu.memory_space<hbm>>
        %dma_wait3A_38 = arith.constant 0 : i32
        %dma_wait3A_39 = tpu.memref_slice %arg9[%mul3A_26, %dma_wait3A_38] : memref<10064x128xf32, #tpu.memory_space<vmem_shared>> -> memref<624x128xf32, #tpu.memory_space<vmem_shared>>
        tpu.wait_dma2 semaphore(%run_scoped3A : memref<!tpu.dma_semaphore, #tpu.memory_space<semaphore_mem>>) src(%dma_wait3A_39 : memref<624x128xf32, #tpu.memory_space<vmem_shared>>) dst(%dma_wait3A_37 : memref<624x128xf32, #tpu.memory_space<hbm>>)
        tpu.yield
      }) : () -> ()
      %eq3A_29 = arith.constant 15 : i32
      %eq3A_30 = arith.cmpi eq, %arg1, %eq3A_29 : i32
      %convert_element_type3A_31 = arith.extui %eq3A_30 : i1 to i32
      %cond3A_32 = arith.constant 0 : i32
      %cond3A_33 = arith.cmpi ne, %convert_element_type3A_31, %cond3A_32 : i32
      scf.if %cond3A_33 {
        "tpu.region"() ({
          %run_scoped3A = tpu.sem_alloc : memref<!tpu.dma_semaphore, #tpu.memory_space<semaphore_mem>>
          %dma_start3A = arith.constant 9984 : i32
          %dma_start3A_34 = arith.constant 0 : i32
          %dma_start3A_35 = tpu.memref_slice %arg6[%dma_start3A, %dma_start3A_34] : memref<10000x128xf32, #tpu.memory_space<hbm>> -> memref<16x128xf32, #tpu.memory_space<hbm>>
          %dma_start3A_36 = arith.constant 9984 : i32
          %dma_start3A_37 = arith.constant 0 : i32
          %dma_start3A_38 = tpu.memref_slice %arg9[%dma_start3A_36, %dma_start3A_37] : memref<10064x128xf32, #tpu.memory_space<vmem_shared>> -> memref<16x128xf32, #tpu.memory_space<vmem_shared>>
          tpu.enqueue_dma source(%dma_start3A_38 : memref<16x128xf32, #tpu.memory_space<vmem_shared>>) target(%dma_start3A_35 : memref<16x128xf32, #tpu.memory_space<hbm>>) target_semaphore(%run_scoped3A : memref<!tpu.dma_semaphore, #tpu.memory_space<semaphore_mem>>)
          %dma_wait3A = arith.constant 9984 : i32
          %dma_wait3A_39 = arith.constant 0 : i32
          %dma_wait3A_40 = tpu.memref_slice %arg6[%dma_wait3A, %dma_wait3A_39] : memref<10000x128xf32, #tpu.memory_space<hbm>> -> memref<16x128xf32, #tpu.memory_space<hbm>>
          %dma_wait3A_41 = arith.constant 9984 : i32
          %dma_wait3A_42 = arith.constant 0 : i32
          %dma_wait3A_43 = tpu.memref_slice %arg9[%dma_wait3A_41, %dma_wait3A_42] : memref<10064x128xf32, #tpu.memory_space<vmem_shared>> -> memref<16x128xf32, #tpu.memory_space<vmem_shared>>
          tpu.wait_dma2 semaphore(%run_scoped3A : memref<!tpu.dma_semaphore, #tpu.memory_space<semaphore_mem>>) src(%dma_wait3A_43 : memref<16x128xf32, #tpu.memory_space<vmem_shared>>) dst(%dma_wait3A_40 : memref<16x128xf32, #tpu.memory_space<hbm>>)
          tpu.yield
        }) : () -> ()
      } else {
      }
    } else {
    }
    return
  }
}

#map = affine_map<(d0, d1) -> (0, 0)>
#map1 = affine_map<(d0, d1) -> (0)>
module attributes {stable_mosaic.version = 14 : i64} {
  func.func @agg_kernel(%arg0: i32, %arg1: i32, %arg2: memref<10000x128xf32, #tpu.memory_space<hbm>>, %arg3: memref<163840xi32, #tpu.memory_space<hbm>>, %arg4: memref<163840xi32, #tpu.memory_space<hbm>>, %arg5: memref<10000x128xf32, #tpu.memory_space<hbm>>, %arg6: memref<10000x128xf32, #tpu.memory_space<hbm>>, %arg7: memref<10000x128xf32, #tpu.memory_space<hbm>>, %arg8: memref<5120xi32, #tpu.memory_space<vmem>>, %arg9: memref<5120xi32, #tpu.memory_space<vmem>>, %arg10: memref<32x128xf32, #tpu.memory_space<vmem>>, %arg11: memref<32x128xf32, #tpu.memory_space<vmem>>, %arg12: memref<32x128xf32, #tpu.memory_space<vmem>>, %arg13: memref<32x128xf32, #tpu.memory_space<vmem>>, %arg14: memref<!tpu.dma_semaphore, #tpu.memory_space<semaphore_mem>>, %arg15: memref<!tpu.dma_semaphore, #tpu.memory_space<semaphore_mem>>, %arg16: memref<!tpu.dma_semaphore, #tpu.memory_space<semaphore_mem>>, %arg17: memref<!tpu.dma_semaphore, #tpu.memory_space<semaphore_mem>>, %arg18: memref<10064x128xf32, #tpu.memory_space<vmem_shared>>) attributes {dimension_semantics = [#tpu.dimension_semantics<core_parallel>, #tpu.dimension_semantics<subcore_parallel>], iteration_bounds = array<i64: 2, 16>, scalar_prefetch = 0 : i64, scratch_operands = 11 : i64, tpu.core_type = #tpu.core_type<sc_vector_subcore>, window_params = [{transform_indices = #map}, {transform_indices = #map1}, {transform_indices = #map1}, {transform_indices = #map}, {transform_indices = #map}, {transform_indices = #map}]} {
    %mul3A = arith.constant 81920 : i32
    %mul3A_0 = arith.muli %arg0, %mul3A : i32
    %mul3A_1 = arith.constant 5120 : i32
    %mul3A_2 = arith.muli %arg1, %mul3A_1 : i32
    %add3A = arith.addi %mul3A_0, %mul3A_2 : i32
    "tpu.region"() ({
      %run_scoped3A = tpu.sem_alloc : memref<!tpu.dma_semaphore, #tpu.memory_space<semaphore_mem>>
      %dma_start3A_86 = tpu.memref_slice %arg3[%add3A] : memref<163840xi32, #tpu.memory_space<hbm>> -> memref<5120xi32, #tpu.memory_space<hbm>>
      %dma_start3A_87 = tpu.memref_slice %arg3[%add3A] : memref<163840xi32, #tpu.memory_space<hbm>> -> memref<5120xi32, #tpu.memory_space<hbm>>
      tpu.enqueue_dma source(%dma_start3A_87 : memref<5120xi32, #tpu.memory_space<hbm>>) target(%arg8 : memref<5120xi32, #tpu.memory_space<vmem>>) target_semaphore(%run_scoped3A : memref<!tpu.dma_semaphore, #tpu.memory_space<semaphore_mem>>)
      %dma_wait3A_88 = tpu.memref_slice %arg3[%add3A] : memref<163840xi32, #tpu.memory_space<hbm>> -> memref<5120xi32, #tpu.memory_space<hbm>>
      %dma_wait3A_89 = tpu.memref_slice %arg3[%add3A] : memref<163840xi32, #tpu.memory_space<hbm>> -> memref<5120xi32, #tpu.memory_space<hbm>>
      tpu.wait_dma2 semaphore(%run_scoped3A : memref<!tpu.dma_semaphore, #tpu.memory_space<semaphore_mem>>) src(%dma_wait3A_89 : memref<5120xi32, #tpu.memory_space<hbm>>) dst(%arg8 : memref<5120xi32, #tpu.memory_space<vmem>>)
      tpu.yield
    }) : () -> ()
    "tpu.region"() ({
      %run_scoped3A = tpu.sem_alloc : memref<!tpu.dma_semaphore, #tpu.memory_space<semaphore_mem>>
      %dma_start3A_86 = tpu.memref_slice %arg4[%add3A] : memref<163840xi32, #tpu.memory_space<hbm>> -> memref<5120xi32, #tpu.memory_space<hbm>>
      %dma_start3A_87 = tpu.memref_slice %arg4[%add3A] : memref<163840xi32, #tpu.memory_space<hbm>> -> memref<5120xi32, #tpu.memory_space<hbm>>
      tpu.enqueue_dma source(%dma_start3A_87 : memref<5120xi32, #tpu.memory_space<hbm>>) target(%arg9 : memref<5120xi32, #tpu.memory_space<vmem>>) target_semaphore(%run_scoped3A : memref<!tpu.dma_semaphore, #tpu.memory_space<semaphore_mem>>)
      %dma_wait3A_88 = tpu.memref_slice %arg4[%add3A] : memref<163840xi32, #tpu.memory_space<hbm>> -> memref<5120xi32, #tpu.memory_space<hbm>>
      %dma_wait3A_89 = tpu.memref_slice %arg4[%add3A] : memref<163840xi32, #tpu.memory_space<hbm>> -> memref<5120xi32, #tpu.memory_space<hbm>>
      tpu.wait_dma2 semaphore(%run_scoped3A : memref<!tpu.dma_semaphore, #tpu.memory_space<semaphore_mem>>) src(%dma_wait3A_89 : memref<5120xi32, #tpu.memory_space<hbm>>) dst(%arg9 : memref<5120xi32, #tpu.memory_space<vmem>>)
      tpu.yield
    }) : () -> ()
    %mul3A_3 = arith.constant 624 : i32
    %mul3A_4 = arith.muli %arg1, %mul3A_3 : i32
    %mul3A_5 = arith.constant 624 : i32
    %mul3A_6 = arith.muli %arg1, %mul3A_5 : i32
    "tpu.region"() ({
      %run_scoped3A = tpu.sem_alloc : memref<!tpu.dma_semaphore, #tpu.memory_space<semaphore_mem>>
      %dma_start3A_86 = arith.constant 0 : i32
      %dma_start3A_87 = tpu.memref_slice %arg18[%mul3A_6, %dma_start3A_86] : memref<10064x128xf32, #tpu.memory_space<vmem_shared>> -> memref<624x128xf32, #tpu.memory_space<vmem_shared>>
      %dma_start3A_88 = arith.constant 0 : i32
      %dma_start3A_89 = tpu.memref_slice %arg5[%mul3A_4, %dma_start3A_88] : memref<10000x128xf32, #tpu.memory_space<hbm>> -> memref<624x128xf32, #tpu.memory_space<hbm>>
      tpu.enqueue_dma source(%dma_start3A_89 : memref<624x128xf32, #tpu.memory_space<hbm>>) target(%dma_start3A_87 : memref<624x128xf32, #tpu.memory_space<vmem_shared>>) target_semaphore(%run_scoped3A : memref<!tpu.dma_semaphore, #tpu.memory_space<semaphore_mem>>)
      %dma_wait3A_90 = arith.constant 0 : i32
      %dma_wait3A_91 = tpu.memref_slice %arg18[%mul3A_6, %dma_wait3A_90] : memref<10064x128xf32, #tpu.memory_space<vmem_shared>> -> memref<624x128xf32, #tpu.memory_space<vmem_shared>>
      %dma_wait3A_92 = arith.constant 0 : i32
      %dma_wait3A_93 = tpu.memref_slice %arg5[%mul3A_4, %dma_wait3A_92] : memref<10000x128xf32, #tpu.memory_space<hbm>> -> memref<624x128xf32, #tpu.memory_space<hbm>>
      tpu.wait_dma2 semaphore(%run_scoped3A : memref<!tpu.dma_semaphore, #tpu.memory_space<semaphore_mem>>) src(%dma_wait3A_93 : memref<624x128xf32, #tpu.memory_space<hbm>>) dst(%dma_wait3A_91 : memref<624x128xf32, #tpu.memory_space<vmem_shared>>)
      tpu.yield
    }) : () -> ()
    %eq3A = arith.constant 15 : i32
    %eq3A_7 = arith.cmpi eq, %arg1, %eq3A : i32
    %convert_element_type3A = arith.extui %eq3A_7 : i1 to i32
    %cond3A = arith.constant 0 : i32
    %cond3A_8 = arith.cmpi ne, %convert_element_type3A, %cond3A : i32
    scf.if %cond3A_8 {
      "tpu.region"() ({
        %run_scoped3A = tpu.sem_alloc : memref<!tpu.dma_semaphore, #tpu.memory_space<semaphore_mem>>
        %dma_start3A_86 = arith.constant 9984 : i32
        %dma_start3A_87 = arith.constant 0 : i32
        %dma_start3A_88 = tpu.memref_slice %arg18[%dma_start3A_86, %dma_start3A_87] : memref<10064x128xf32, #tpu.memory_space<vmem_shared>> -> memref<16x128xf32, #tpu.memory_space<vmem_shared>>
        %dma_start3A_89 = arith.constant 9984 : i32
        %dma_start3A_90 = arith.constant 0 : i32
        %dma_start3A_91 = tpu.memref_slice %arg5[%dma_start3A_89, %dma_start3A_90] : memref<10000x128xf32, #tpu.memory_space<hbm>> -> memref<16x128xf32, #tpu.memory_space<hbm>>
        tpu.enqueue_dma source(%dma_start3A_91 : memref<16x128xf32, #tpu.memory_space<hbm>>) target(%dma_start3A_88 : memref<16x128xf32, #tpu.memory_space<vmem_shared>>) target_semaphore(%run_scoped3A : memref<!tpu.dma_semaphore, #tpu.memory_space<semaphore_mem>>)
        %dma_wait3A_92 = arith.constant 9984 : i32
        %dma_wait3A_93 = arith.constant 0 : i32
        %dma_wait3A_94 = tpu.memref_slice %arg18[%dma_wait3A_92, %dma_wait3A_93] : memref<10064x128xf32, #tpu.memory_space<vmem_shared>> -> memref<16x128xf32, #tpu.memory_space<vmem_shared>>
        %dma_wait3A_95 = arith.constant 9984 : i32
        %dma_wait3A_96 = arith.constant 0 : i32
        %dma_wait3A_97 = tpu.memref_slice %arg5[%dma_wait3A_95, %dma_wait3A_96] : memref<10000x128xf32, #tpu.memory_space<hbm>> -> memref<16x128xf32, #tpu.memory_space<hbm>>
        tpu.wait_dma2 semaphore(%run_scoped3A : memref<!tpu.dma_semaphore, #tpu.memory_space<semaphore_mem>>) src(%dma_wait3A_97 : memref<16x128xf32, #tpu.memory_space<hbm>>) dst(%dma_wait3A_94 : memref<16x128xf32, #tpu.memory_space<vmem_shared>>)
        tpu.yield
      }) : () -> ()
    } else {
    }
    %barrier3A = arith.constant 0 : index
    tpu.barrier barrier_id(%barrier3A)
    %dma_start3A = arith.constant 0 : i32
    %dma_start3A_9 = tpu.memref_slice %arg8[%dma_start3A] : memref<5120xi32, #tpu.memory_space<vmem>> -> memref<32xi32, #tpu.memory_space<vmem>>
    %dma_start3A_10 = arith.constant 0 : i32
    %dma_start3A_11 = arith.constant 0 : i32
    %dma_start3A_12 = tpu.memref_slice %arg2[%dma_start3A_10, %dma_start3A_11] : memref<10000x128xf32, #tpu.memory_space<hbm>> -> memref<10000x128xf32, #tpu.memory_space<hbm>>
    tpu.enqueue_indirect_dma source(%dma_start3A_12 : memref<10000x128xf32, #tpu.memory_space<hbm>>) target(%arg10 : memref<32x128xf32, #tpu.memory_space<vmem>>) offsets(%dma_start3A_9 : memref<32xi32, #tpu.memory_space<vmem>>) semaphore(%arg14 : memref<!tpu.dma_semaphore, #tpu.memory_space<semaphore_mem>>)
    %dma_start3A_13 = arith.constant 32 : i32
    %dma_start3A_14 = tpu.memref_slice %arg8[%dma_start3A_13] : memref<5120xi32, #tpu.memory_space<vmem>> -> memref<32xi32, #tpu.memory_space<vmem>>
    %dma_start3A_15 = arith.constant 0 : i32
    %dma_start3A_16 = arith.constant 0 : i32
    %dma_start3A_17 = tpu.memref_slice %arg2[%dma_start3A_15, %dma_start3A_16] : memref<10000x128xf32, #tpu.memory_space<hbm>> -> memref<10000x128xf32, #tpu.memory_space<hbm>>
    tpu.enqueue_indirect_dma source(%dma_start3A_17 : memref<10000x128xf32, #tpu.memory_space<hbm>>) target(%arg11 : memref<32x128xf32, #tpu.memory_space<vmem>>) offsets(%dma_start3A_14 : memref<32xi32, #tpu.memory_space<vmem>>) semaphore(%arg15 : memref<!tpu.dma_semaphore, #tpu.memory_space<semaphore_mem>>)
    %dma_start3A_18 = arith.constant 64 : i32
    %dma_start3A_19 = tpu.memref_slice %arg8[%dma_start3A_18] : memref<5120xi32, #tpu.memory_space<vmem>> -> memref<32xi32, #tpu.memory_space<vmem>>
    %dma_start3A_20 = arith.constant 0 : i32
    %dma_start3A_21 = arith.constant 0 : i32
    %dma_start3A_22 = tpu.memref_slice %arg2[%dma_start3A_20, %dma_start3A_21] : memref<10000x128xf32, #tpu.memory_space<hbm>> -> memref<10000x128xf32, #tpu.memory_space<hbm>>
    tpu.enqueue_indirect_dma source(%dma_start3A_22 : memref<10000x128xf32, #tpu.memory_space<hbm>>) target(%arg12 : memref<32x128xf32, #tpu.memory_space<vmem>>) offsets(%dma_start3A_19 : memref<32xi32, #tpu.memory_space<vmem>>) semaphore(%arg16 : memref<!tpu.dma_semaphore, #tpu.memory_space<semaphore_mem>>)
    %dma_start3A_23 = arith.constant 96 : i32
    %dma_start3A_24 = tpu.memref_slice %arg8[%dma_start3A_23] : memref<5120xi32, #tpu.memory_space<vmem>> -> memref<32xi32, #tpu.memory_space<vmem>>
    %dma_start3A_25 = arith.constant 0 : i32
    %dma_start3A_26 = arith.constant 0 : i32
    %dma_start3A_27 = tpu.memref_slice %arg2[%dma_start3A_25, %dma_start3A_26] : memref<10000x128xf32, #tpu.memory_space<hbm>> -> memref<10000x128xf32, #tpu.memory_space<hbm>>
    tpu.enqueue_indirect_dma source(%dma_start3A_27 : memref<10000x128xf32, #tpu.memory_space<hbm>>) target(%arg13 : memref<32x128xf32, #tpu.memory_space<vmem>>) offsets(%dma_start3A_24 : memref<32xi32, #tpu.memory_space<vmem>>) semaphore(%arg17 : memref<!tpu.dma_semaphore, #tpu.memory_space<semaphore_mem>>)
    %scan3A = arith.constant 0 : i32
    %scan3A_28 = arith.constant 0 : i32
    %scan3A_29 = arith.constant 39 : i32
    %scan3A_30 = arith.addi %scan3A_28, %scan3A_29 : i32
    %scan3A_31 = arith.constant 1 : i32
    scf.for %scan3A_86 = %scan3A_28 to %scan3A_30 step %scan3A_31  : i32 {
      %mul3A_87 = arith.constant 4 : i32
      %mul3A_88 = arith.muli %scan3A_86, %mul3A_87 : i32
      %add3A_89 = arith.constant 0 : i32
      %add3A_90 = arith.addi %mul3A_88, %add3A_89 : i32
      %mul3A_91 = arith.constant 32 : i32
      %mul3A_92 = arith.muli %add3A_90, %mul3A_91 : i32
      %dma_wait3A_93 = tpu.memref_slice %arg8[%mul3A_92] : memref<5120xi32, #tpu.memory_space<vmem>> -> memref<32xi32, #tpu.memory_space<vmem>>
      %dma_wait3A_94 = arith.constant 0 : i32
      %dma_wait3A_95 = arith.constant 0 : i32
      %dma_wait3A_96 = tpu.memref_slice %arg2[%dma_wait3A_94, %dma_wait3A_95] : memref<10000x128xf32, #tpu.memory_space<hbm>> -> memref<10000x128xf32, #tpu.memory_space<hbm>>
      tpu.wait_indirect_dma semaphore(%arg14 : memref<!tpu.dma_semaphore, #tpu.memory_space<semaphore_mem>>) src(%dma_wait3A_96 : memref<10000x128xf32, #tpu.memory_space<hbm>>) dst(%arg10 : memref<32x128xf32, #tpu.memory_space<vmem>>)
      %mul3A_97 = arith.constant 32 : i32
      %mul3A_98 = arith.muli %add3A_90, %mul3A_97 : i32
      %add3A_99 = arith.constant 0 : i32
      %add3A_100 = arith.addi %mul3A_98, %add3A_99 : i32
      %get3A_101 = arith.index_cast %add3A_100 : i32 to index
      %get3A_102 = tpu.vector_load %arg9[%get3A_101] {strides = array<i32>} : memref<5120xi32, #tpu.memory_space<vmem>>, vector<16xi32>,
      %get3A_103 = vector.shape_cast %get3A_102 : vector<16xi32> to vector<16xi32>
      "tpu.region"() ({
        %run_scoped3A = tpu.sem_alloc : memref<!tpu.dma_semaphore, #tpu.memory_space<semaphore_mem>>
        %dma_start3A_215 = arith.constant 0 : i32
        %dma_start3A_216 = arith.constant 0 : i32
        %dma_start3A_217 = tpu.memref_slice %arg10[%dma_start3A_215, %dma_start3A_216] : memref<32x128xf32, #tpu.memory_space<vmem>> -> memref<16x128xf32, #tpu.memory_space<vmem>>
        %dma_start3A_218 = arith.constant 0 : i32
        %dma_start3A_219 = arith.constant 0 : i32
        %dma_start3A_220 = tpu.memref_slice %arg18[%dma_start3A_218, %dma_start3A_219] : memref<10064x128xf32, #tpu.memory_space<vmem_shared>> -> memref<10064x128xf32, #tpu.memory_space<vmem_shared>>
        tpu.enqueue_indirect_dma source(%dma_start3A_217 : memref<16x128xf32, #tpu.memory_space<vmem>>) target(%dma_start3A_220 : memref<10064x128xf32, #tpu.memory_space<vmem_shared>>) offsets(%get3A_103 : vector<16xi32>) semaphore(%run_scoped3A : memref<!tpu.dma_semaphore, #tpu.memory_space<semaphore_mem>>) {add = true}
        %dma_wait3A_221 = arith.constant 0 : i32
        %dma_wait3A_222 = arith.constant 0 : i32
        %dma_wait3A_223 = tpu.memref_slice %arg10[%dma_wait3A_221, %dma_wait3A_222] : memref<32x128xf32, #tpu.memory_space<vmem>> -> memref<16x128xf32, #tpu.memory_space<vmem>>
        %dma_wait3A_224 = arith.constant 0 : i32
        %dma_wait3A_225 = arith.constant 0 : i32
        %dma_wait3A_226 = tpu.memref_slice %arg18[%dma_wait3A_224, %dma_wait3A_225] : memref<10064x128xf32, #tpu.memory_space<vmem_shared>> -> memref<10064x128xf32, #tpu.memory_space<vmem_shared>>
        tpu.wait_indirect_dma semaphore(%run_scoped3A : memref<!tpu.dma_semaphore, #tpu.memory_space<semaphore_mem>>) src(%dma_wait3A_223 : memref<16x128xf32, #tpu.memory_space<vmem>>) dst(%dma_wait3A_226 : memref<10064x128xf32, #tpu.memory_space<vmem_shared>>)
        tpu.yield
      }) : () -> ()
      %mul3A_104 = arith.constant 32 : i32
      %mul3A_105 = arith.muli %add3A_90, %mul3A_104 : i32
      %add3A_106 = arith.constant 16 : i32
      %add3A_107 = arith.addi %mul3A_105, %add3A_106 : i32
      %get3A_108 = arith.index_cast %add3A_107 : i32 to index
      %get3A_109 = tpu.vector_load %arg9[%get3A_108] {strides = array<i32>} : memref<5120xi32, #tpu.memory_space<vmem>>, vector<16xi32>,
      %get3A_110 = vector.shape_cast %get3A_109 : vector<16xi32> to vector<16xi32>
      "tpu.region"() ({
        %run_scoped3A = tpu.sem_alloc : memref<!tpu.dma_semaphore, #tpu.memory_space<semaphore_mem>>
        %dma_start3A_215 = arith.constant 16 : i32
        %dma_start3A_216 = arith.constant 0 : i32
        %dma_start3A_217 = tpu.memref_slice %arg10[%dma_start3A_215, %dma_start3A_216] : memref<32x128xf32, #tpu.memory_space<vmem>> -> memref<16x128xf32, #tpu.memory_space<vmem>>
        %dma_start3A_218 = arith.constant 0 : i32
        %dma_start3A_219 = arith.constant 0 : i32
        %dma_start3A_220 = tpu.memref_slice %arg18[%dma_start3A_218, %dma_start3A_219] : memref<10064x128xf32, #tpu.memory_space<vmem_shared>> -> memref<10064x128xf32, #tpu.memory_space<vmem_shared>>
        tpu.enqueue_indirect_dma source(%dma_start3A_217 : memref<16x128xf32, #tpu.memory_space<vmem>>) target(%dma_start3A_220 : memref<10064x128xf32, #tpu.memory_space<vmem_shared>>) offsets(%get3A_110 : vector<16xi32>) semaphore(%run_scoped3A : memref<!tpu.dma_semaphore, #tpu.memory_space<semaphore_mem>>) {add = true}
        %dma_wait3A_221 = arith.constant 16 : i32
        %dma_wait3A_222 = arith.constant 0 : i32
        %dma_wait3A_223 = tpu.memref_slice %arg10[%dma_wait3A_221, %dma_wait3A_222] : memref<32x128xf32, #tpu.memory_space<vmem>> -> memref<16x128xf32, #tpu.memory_space<vmem>>
        %dma_wait3A_224 = arith.constant 0 : i32
        %dma_wait3A_225 = arith.constant 0 : i32
        %dma_wait3A_226 = tpu.memref_slice %arg18[%dma_wait3A_224, %dma_wait3A_225] : memref<10064x128xf32, #tpu.memory_space<vmem_shared>> -> memref<10064x128xf32, #tpu.memory_space<vmem_shared>>
        tpu.wait_indirect_dma semaphore(%run_scoped3A : memref<!tpu.dma_semaphore, #tpu.memory_space<semaphore_mem>>) src(%dma_wait3A_223 : memref<16x128xf32, #tpu.memory_space<vmem>>) dst(%dma_wait3A_226 : memref<10064x128xf32, #tpu.memory_space<vmem_shared>>)
        tpu.yield
      }) : () -> ()
      %add3A_111 = arith.constant 4 : i32
      %add3A_112 = arith.addi %add3A_90, %add3A_111 : i32
      %mul3A_113 = arith.constant 32 : i32
      %mul3A_114 = arith.muli %add3A_112, %mul3A_113 : i32
      %dma_start3A_115 = tpu.memref_slice %arg8[%mul3A_114] : memref<5120xi32, #tpu.memory_space<vmem>> -> memref<32xi32, #tpu.memory_space<vmem>>
      %dma_start3A_116 = arith.constant 0 : i32
      %dma_start3A_117 = arith.constant 0 : i32
      %dma_start3A_118 = tpu.memref_slice %arg2[%dma_start3A_116, %dma_start3A_117] : memref<10000x128xf32, #tpu.memory_space<hbm>> -> memref<10000x128xf32, #tpu.memory_space<hbm>>
      tpu.enqueue_indirect_dma source(%dma_start3A_118 : memref<10000x128xf32, #tpu.memory_space<hbm>>) target(%arg10 : memref<32x128xf32, #tpu.memory_space<vmem>>) offsets(%dma_start3A_115 : memref<32xi32, #tpu.memory_space<vmem>>) semaphore(%arg14 : memref<!tpu.dma_semaphore, #tpu.memory_space<semaphore_mem>>)
      %mul3A_119 = arith.constant 4 : i32
      %mul3A_120 = arith.muli %scan3A_86, %mul3A_119 : i32
      %add3A_121 = arith.constant 1 : i32
      %add3A_122 = arith.addi %mul3A_120, %add3A_121 : i32
      %mul3A_123 = arith.constant 32 : i32
      %mul3A_124 = arith.muli %add3A_122, %mul3A_123 : i32
      %dma_wait3A_125 = tpu.memref_slice %arg8[%mul3A_124] : memref<5120xi32, #tpu.memory_space<vmem>> -> memref<32xi32, #tpu.memory_space<vmem>>
      %dma_wait3A_126 = arith.constant 0 : i32
      %dma_wait3A_127 = arith.constant 0 : i32
      %dma_wait3A_128 = tpu.memref_slice %arg2[%dma_wait3A_126, %dma_wait3A_127] : memref<10000x128xf32, #tpu.memory_space<hbm>> -> memref<10000x128xf32, #tpu.memory_space<hbm>>
      tpu.wait_indirect_dma semaphore(%arg15 : memref<!tpu.dma_semaphore, #tpu.memory_space<semaphore_mem>>) src(%dma_wait3A_128 : memref<10000x128xf32, #tpu.memory_space<hbm>>) dst(%arg11 : memref<32x128xf32, #tpu.memory_space<vmem>>)
      %mul3A_129 = arith.constant 32 : i32
      %mul3A_130 = arith.muli %add3A_122, %mul3A_129 : i32
      %add3A_131 = arith.constant 0 : i32
      %add3A_132 = arith.addi %mul3A_130, %add3A_131 : i32
      %get3A_133 = arith.index_cast %add3A_132 : i32 to index
      %get3A_134 = tpu.vector_load %arg9[%get3A_133] {strides = array<i32>} : memref<5120xi32, #tpu.memory_space<vmem>>, vector<16xi32>,
      %get3A_135 = vector.shape_cast %get3A_134 : vector<16xi32> to vector<16xi32>
      "tpu.region"() ({
        %run_scoped3A = tpu.sem_alloc : memref<!tpu.dma_semaphore, #tpu.memory_space<semaphore_mem>>
        %dma_start3A_215 = arith.constant 0 : i32
        %dma_start3A_216 = arith.constant 0 : i32
        %dma_start3A_217 = tpu.memref_slice %arg11[%dma_start3A_215, %dma_start3A_216] : memref<32x128xf32, #tpu.memory_space<vmem>> -> memref<16x128xf32, #tpu.memory_space<vmem>>
        %dma_start3A_218 = arith.constant 0 : i32
        %dma_start3A_219 = arith.constant 0 : i32
        %dma_start3A_220 = tpu.memref_slice %arg18[%dma_start3A_218, %dma_start3A_219] : memref<10064x128xf32, #tpu.memory_space<vmem_shared>> -> memref<10064x128xf32, #tpu.memory_space<vmem_shared>>
        tpu.enqueue_indirect_dma source(%dma_start3A_217 : memref<16x128xf32, #tpu.memory_space<vmem>>) target(%dma_start3A_220 : memref<10064x128xf32, #tpu.memory_space<vmem_shared>>) offsets(%get3A_135 : vector<16xi32>) semaphore(%run_scoped3A : memref<!tpu.dma_semaphore, #tpu.memory_space<semaphore_mem>>) {add = true}
        %dma_wait3A_221 = arith.constant 0 : i32
        %dma_wait3A_222 = arith.constant 0 : i32
        %dma_wait3A_223 = tpu.memref_slice %arg11[%dma_wait3A_221, %dma_wait3A_222] : memref<32x128xf32, #tpu.memory_space<vmem>> -> memref<16x128xf32, #tpu.memory_space<vmem>>
        %dma_wait3A_224 = arith.constant 0 : i32
        %dma_wait3A_225 = arith.constant 0 : i32
        %dma_wait3A_226 = tpu.memref_slice %arg18[%dma_wait3A_224, %dma_wait3A_225] : memref<10064x128xf32, #tpu.memory_space<vmem_shared>> -> memref<10064x128xf32, #tpu.memory_space<vmem_shared>>
        tpu.wait_indirect_dma semaphore(%run_scoped3A : memref<!tpu.dma_semaphore, #tpu.memory_space<semaphore_mem>>) src(%dma_wait3A_223 : memref<16x128xf32, #tpu.memory_space<vmem>>) dst(%dma_wait3A_226 : memref<10064x128xf32, #tpu.memory_space<vmem_shared>>)
        tpu.yield
      }) : () -> ()
      %mul3A_136 = arith.constant 32 : i32
      %mul3A_137 = arith.muli %add3A_122, %mul3A_136 : i32
      %add3A_138 = arith.constant 16 : i32
      %add3A_139 = arith.addi %mul3A_137, %add3A_138 : i32
      %get3A_140 = arith.index_cast %add3A_139 : i32 to index
      %get3A_141 = tpu.vector_load %arg9[%get3A_140] {strides = array<i32>} : memref<5120xi32, #tpu.memory_space<vmem>>, vector<16xi32>,
      %get3A_142 = vector.shape_cast %get3A_141 : vector<16xi32> to vector<16xi32>
      "tpu.region"() ({
        %run_scoped3A = tpu.sem_alloc : memref<!tpu.dma_semaphore, #tpu.memory_space<semaphore_mem>>
        %dma_start3A_215 = arith.constant 16 : i32
        %dma_start3A_216 = arith.constant 0 : i32
        %dma_start3A_217 = tpu.memref_slice %arg11[%dma_start3A_215, %dma_start3A_216] : memref<32x128xf32, #tpu.memory_space<vmem>> -> memref<16x128xf32, #tpu.memory_space<vmem>>
        %dma_start3A_218 = arith.constant 0 : i32
        %dma_start3A_219 = arith.constant 0 : i32
        %dma_start3A_220 = tpu.memref_slice %arg18[%dma_start3A_218, %dma_start3A_219] : memref<10064x128xf32, #tpu.memory_space<vmem_shared>> -> memref<10064x128xf32, #tpu.memory_space<vmem_shared>>
        tpu.enqueue_indirect_dma source(%dma_start3A_217 : memref<16x128xf32, #tpu.memory_space<vmem>>) target(%dma_start3A_220 : memref<10064x128xf32, #tpu.memory_space<vmem_shared>>) offsets(%get3A_142 : vector<16xi32>) semaphore(%run_scoped3A : memref<!tpu.dma_semaphore, #tpu.memory_space<semaphore_mem>>) {add = true}
        %dma_wait3A_221 = arith.constant 16 : i32
        %dma_wait3A_222 = arith.constant 0 : i32
        %dma_wait3A_223 = tpu.memref_slice %arg11[%dma_wait3A_221, %dma_wait3A_222] : memref<32x128xf32, #tpu.memory_space<vmem>> -> memref<16x128xf32, #tpu.memory_space<vmem>>
        %dma_wait3A_224 = arith.constant 0 : i32
        %dma_wait3A_225 = arith.constant 0 : i32
        %dma_wait3A_226 = tpu.memref_slice %arg18[%dma_wait3A_224, %dma_wait3A_225] : memref<10064x128xf32, #tpu.memory_space<vmem_shared>> -> memref<10064x128xf32, #tpu.memory_space<vmem_shared>>
        tpu.wait_indirect_dma semaphore(%run_scoped3A : memref<!tpu.dma_semaphore, #tpu.memory_space<semaphore_mem>>) src(%dma_wait3A_223 : memref<16x128xf32, #tpu.memory_space<vmem>>) dst(%dma_wait3A_226 : memref<10064x128xf32, #tpu.memory_space<vmem_shared>>)
        tpu.yield
      }) : () -> ()
      %add3A_143 = arith.constant 4 : i32
      %add3A_144 = arith.addi %add3A_122, %add3A_143 : i32
      %mul3A_145 = arith.constant 32 : i32
      %mul3A_146 = arith.muli %add3A_144, %mul3A_145 : i32
      %dma_start3A_147 = tpu.memref_slice %arg8[%mul3A_146] : memref<5120xi32, #tpu.memory_space<vmem>> -> memref<32xi32, #tpu.memory_space<vmem>>
      %dma_start3A_148 = arith.constant 0 : i32
      %dma_start3A_149 = arith.constant 0 : i32
      %dma_start3A_150 = tpu.memref_slice %arg2[%dma_start3A_148, %dma_start3A_149] : memref<10000x128xf32, #tpu.memory_space<hbm>> -> memref<10000x128xf32, #tpu.memory_space<hbm>>
      tpu.enqueue_indirect_dma source(%dma_start3A_150 : memref<10000x128xf32, #tpu.memory_space<hbm>>) target(%arg11 : memref<32x128xf32, #tpu.memory_space<vmem>>) offsets(%dma_start3A_147 : memref<32xi32, #tpu.memory_space<vmem>>) semaphore(%arg15 : memref<!tpu.dma_semaphore, #tpu.memory_space<semaphore_mem>>)
      %mul3A_151 = arith.constant 4 : i32
      %mul3A_152 = arith.muli %scan3A_86, %mul3A_151 : i32
      %add3A_153 = arith.constant 2 : i32
      %add3A_154 = arith.addi %mul3A_152, %add3A_153 : i32
      %mul3A_155 = arith.constant 32 : i32
      %mul3A_156 = arith.muli %add3A_154, %mul3A_155 : i32
      %dma_wait3A_157 = tpu.memref_slice %arg8[%mul3A_156] : memref<5120xi32, #tpu.memory_space<vmem>> -> memref<32xi32, #tpu.memory_space<vmem>>
      %dma_wait3A_158 = arith.constant 0 : i32
      %dma_wait3A_159 = arith.constant 0 : i32
      %dma_wait3A_160 = tpu.memref_slice %arg2[%dma_wait3A_158, %dma_wait3A_159] : memref<10000x128xf32, #tpu.memory_space<hbm>> -> memref<10000x128xf32, #tpu.memory_space<hbm>>
      tpu.wait_indirect_dma semaphore(%arg16 : memref<!tpu.dma_semaphore, #tpu.memory_space<semaphore_mem>>) src(%dma_wait3A_160 : memref<10000x128xf32, #tpu.memory_space<hbm>>) dst(%arg12 : memref<32x128xf32, #tpu.memory_space<vmem>>)
      %mul3A_161 = arith.constant 32 : i32
      %mul3A_162 = arith.muli %add3A_154, %mul3A_161 : i32
      %add3A_163 = arith.constant 0 : i32
      %add3A_164 = arith.addi %mul3A_162, %add3A_163 : i32
      %get3A_165 = arith.index_cast %add3A_164 : i32 to index
      %get3A_166 = tpu.vector_load %arg9[%get3A_165] {strides = array<i32>} : memref<5120xi32, #tpu.memory_space<vmem>>, vector<16xi32>,
      %get3A_167 = vector.shape_cast %get3A_166 : vector<16xi32> to vector<16xi32>
      "tpu.region"() ({
        %run_scoped3A = tpu.sem_alloc : memref<!tpu.dma_semaphore, #tpu.memory_space<semaphore_mem>>
        %dma_start3A_215 = arith.constant 0 : i32
        %dma_start3A_216 = arith.constant 0 : i32
        %dma_start3A_217 = tpu.memref_slice %arg12[%dma_start3A_215, %dma_start3A_216] : memref<32x128xf32, #tpu.memory_space<vmem>> -> memref<16x128xf32, #tpu.memory_space<vmem>>
        %dma_start3A_218 = arith.constant 0 : i32
        %dma_start3A_219 = arith.constant 0 : i32
        %dma_start3A_220 = tpu.memref_slice %arg18[%dma_start3A_218, %dma_start3A_219] : memref<10064x128xf32, #tpu.memory_space<vmem_shared>> -> memref<10064x128xf32, #tpu.memory_space<vmem_shared>>
        tpu.enqueue_indirect_dma source(%dma_start3A_217 : memref<16x128xf32, #tpu.memory_space<vmem>>) target(%dma_start3A_220 : memref<10064x128xf32, #tpu.memory_space<vmem_shared>>) offsets(%get3A_167 : vector<16xi32>) semaphore(%run_scoped3A : memref<!tpu.dma_semaphore, #tpu.memory_space<semaphore_mem>>) {add = true}
        %dma_wait3A_221 = arith.constant 0 : i32
        %dma_wait3A_222 = arith.constant 0 : i32
        %dma_wait3A_223 = tpu.memref_slice %arg12[%dma_wait3A_221, %dma_wait3A_222] : memref<32x128xf32, #tpu.memory_space<vmem>> -> memref<16x128xf32, #tpu.memory_space<vmem>>
        %dma_wait3A_224 = arith.constant 0 : i32
        %dma_wait3A_225 = arith.constant 0 : i32
        %dma_wait3A_226 = tpu.memref_slice %arg18[%dma_wait3A_224, %dma_wait3A_225] : memref<10064x128xf32, #tpu.memory_space<vmem_shared>> -> memref<10064x128xf32, #tpu.memory_space<vmem_shared>>
        tpu.wait_indirect_dma semaphore(%run_scoped3A : memref<!tpu.dma_semaphore, #tpu.memory_space<semaphore_mem>>) src(%dma_wait3A_223 : memref<16x128xf32, #tpu.memory_space<vmem>>) dst(%dma_wait3A_226 : memref<10064x128xf32, #tpu.memory_space<vmem_shared>>)
        tpu.yield
      }) : () -> ()
      %mul3A_168 = arith.constant 32 : i32
      %mul3A_169 = arith.muli %add3A_154, %mul3A_168 : i32
      %add3A_170 = arith.constant 16 : i32
      %add3A_171 = arith.addi %mul3A_169, %add3A_170 : i32
      %get3A_172 = arith.index_cast %add3A_171 : i32 to index
      %get3A_173 = tpu.vector_load %arg9[%get3A_172] {strides = array<i32>} : memref<5120xi32, #tpu.memory_space<vmem>>, vector<16xi32>,
      %get3A_174 = vector.shape_cast %get3A_173 : vector<16xi32> to vector<16xi32>
      "tpu.region"() ({
        %run_scoped3A = tpu.sem_alloc : memref<!tpu.dma_semaphore, #tpu.memory_space<semaphore_mem>>
        %dma_start3A_215 = arith.constant 16 : i32
        %dma_start3A_216 = arith.constant 0 : i32
        %dma_start3A_217 = tpu.memref_slice %arg12[%dma_start3A_215, %dma_start3A_216] : memref<32x128xf32, #tpu.memory_space<vmem>> -> memref<16x128xf32, #tpu.memory_space<vmem>>
        %dma_start3A_218 = arith.constant 0 : i32
        %dma_start3A_219 = arith.constant 0 : i32
        %dma_start3A_220 = tpu.memref_slice %arg18[%dma_start3A_218, %dma_start3A_219] : memref<10064x128xf32, #tpu.memory_space<vmem_shared>> -> memref<10064x128xf32, #tpu.memory_space<vmem_shared>>
        tpu.enqueue_indirect_dma source(%dma_start3A_217 : memref<16x128xf32, #tpu.memory_space<vmem>>) target(%dma_start3A_220 : memref<10064x128xf32, #tpu.memory_space<vmem_shared>>) offsets(%get3A_174 : vector<16xi32>) semaphore(%run_scoped3A : memref<!tpu.dma_semaphore, #tpu.memory_space<semaphore_mem>>) {add = true}
        %dma_wait3A_221 = arith.constant 16 : i32
        %dma_wait3A_222 = arith.constant 0 : i32
        %dma_wait3A_223 = tpu.memref_slice %arg12[%dma_wait3A_221, %dma_wait3A_222] : memref<32x128xf32, #tpu.memory_space<vmem>> -> memref<16x128xf32, #tpu.memory_space<vmem>>
        %dma_wait3A_224 = arith.constant 0 : i32
        %dma_wait3A_225 = arith.constant 0 : i32
        %dma_wait3A_226 = tpu.memref_slice %arg18[%dma_wait3A_224, %dma_wait3A_225] : memref<10064x128xf32, #tpu.memory_space<vmem_shared>> -> memref<10064x128xf32, #tpu.memory_space<vmem_shared>>
        tpu.wait_indirect_dma semaphore(%run_scoped3A : memref<!tpu.dma_semaphore, #tpu.memory_space<semaphore_mem>>) src(%dma_wait3A_223 : memref<16x128xf32, #tpu.memory_space<vmem>>) dst(%dma_wait3A_226 : memref<10064x128xf32, #tpu.memory_space<vmem_shared>>)
        tpu.yield
      }) : () -> ()
      %add3A_175 = arith.constant 4 : i32
      %add3A_176 = arith.addi %add3A_154, %add3A_175 : i32
      %mul3A_177 = arith.constant 32 : i32
      %mul3A_178 = arith.muli %add3A_176, %mul3A_177 : i32
      %dma_start3A_179 = tpu.memref_slice %arg8[%mul3A_178] : memref<5120xi32, #tpu.memory_space<vmem>> -> memref<32xi32, #tpu.memory_space<vmem>>
      %dma_start3A_180 = arith.constant 0 : i32
      %dma_start3A_181 = arith.constant 0 : i32
      %dma_start3A_182 = tpu.memref_slice %arg2[%dma_start3A_180, %dma_start3A_181] : memref<10000x128xf32, #tpu.memory_space<hbm>> -> memref<10000x128xf32, #tpu.memory_space<hbm>>
      tpu.enqueue_indirect_dma source(%dma_start3A_182 : memref<10000x128xf32, #tpu.memory_space<hbm>>) target(%arg12 : memref<32x128xf32, #tpu.memory_space<vmem>>) offsets(%dma_start3A_179 : memref<32xi32, #tpu.memory_space<vmem>>) semaphore(%arg16 : memref<!tpu.dma_semaphore, #tpu.memory_space<semaphore_mem>>)
      %mul3A_183 = arith.constant 4 : i32
      %mul3A_184 = arith.muli %scan3A_86, %mul3A_183 : i32
      %add3A_185 = arith.constant 3 : i32
      %add3A_186 = arith.addi %mul3A_184, %add3A_185 : i32
      %mul3A_187 = arith.constant 32 : i32
      %mul3A_188 = arith.muli %add3A_186, %mul3A_187 : i32
      %dma_wait3A_189 = tpu.memref_slice %arg8[%mul3A_188] : memref<5120xi32, #tpu.memory_space<vmem>> -> memref<32xi32, #tpu.memory_space<vmem>>
      %dma_wait3A_190 = arith.constant 0 : i32
      %dma_wait3A_191 = arith.constant 0 : i32
      %dma_wait3A_192 = tpu.memref_slice %arg2[%dma_wait3A_190, %dma_wait3A_191] : memref<10000x128xf32, #tpu.memory_space<hbm>> -> memref<10000x128xf32, #tpu.memory_space<hbm>>
      tpu.wait_indirect_dma semaphore(%arg17 : memref<!tpu.dma_semaphore, #tpu.memory_space<semaphore_mem>>) src(%dma_wait3A_192 : memref<10000x128xf32, #tpu.memory_space<hbm>>) dst(%arg13 : memref<32x128xf32, #tpu.memory_space<vmem>>)
      %mul3A_193 = arith.constant 32 : i32
      %mul3A_194 = arith.muli %add3A_186, %mul3A_193 : i32
      %add3A_195 = arith.constant 0 : i32
      %add3A_196 = arith.addi %mul3A_194, %add3A_195 : i32
      %get3A_197 = arith.index_cast %add3A_196 : i32 to index
      %get3A_198 = tpu.vector_load %arg9[%get3A_197] {strides = array<i32>} : memref<5120xi32, #tpu.memory_space<vmem>>, vector<16xi32>,
      %get3A_199 = vector.shape_cast %get3A_198 : vector<16xi32> to vector<16xi32>
      "tpu.region"() ({
        %run_scoped3A = tpu.sem_alloc : memref<!tpu.dma_semaphore, #tpu.memory_space<semaphore_mem>>
        %dma_start3A_215 = arith.constant 0 : i32
        %dma_start3A_216 = arith.constant 0 : i32
        %dma_start3A_217 = tpu.memref_slice %arg13[%dma_start3A_215, %dma_start3A_216] : memref<32x128xf32, #tpu.memory_space<vmem>> -> memref<16x128xf32, #tpu.memory_space<vmem>>
        %dma_start3A_218 = arith.constant 0 : i32
        %dma_start3A_219 = arith.constant 0 : i32
        %dma_start3A_220 = tpu.memref_slice %arg18[%dma_start3A_218, %dma_start3A_219] : memref<10064x128xf32, #tpu.memory_space<vmem_shared>> -> memref<10064x128xf32, #tpu.memory_space<vmem_shared>>
        tpu.enqueue_indirect_dma source(%dma_start3A_217 : memref<16x128xf32, #tpu.memory_space<vmem>>) target(%dma_start3A_220 : memref<10064x128xf32, #tpu.memory_space<vmem_shared>>) offsets(%get3A_199 : vector<16xi32>) semaphore(%run_scoped3A : memref<!tpu.dma_semaphore, #tpu.memory_space<semaphore_mem>>) {add = true}
        %dma_wait3A_221 = arith.constant 0 : i32
        %dma_wait3A_222 = arith.constant 0 : i32
        %dma_wait3A_223 = tpu.memref_slice %arg13[%dma_wait3A_221, %dma_wait3A_222] : memref<32x128xf32, #tpu.memory_space<vmem>> -> memref<16x128xf32, #tpu.memory_space<vmem>>
        %dma_wait3A_224 = arith.constant 0 : i32
        %dma_wait3A_225 = arith.constant 0 : i32
        %dma_wait3A_226 = tpu.memref_slice %arg18[%dma_wait3A_224, %dma_wait3A_225] : memref<10064x128xf32, #tpu.memory_space<vmem_shared>> -> memref<10064x128xf32, #tpu.memory_space<vmem_shared>>
        tpu.wait_indirect_dma semaphore(%run_scoped3A : memref<!tpu.dma_semaphore, #tpu.memory_space<semaphore_mem>>) src(%dma_wait3A_223 : memref<16x128xf32, #tpu.memory_space<vmem>>) dst(%dma_wait3A_226 : memref<10064x128xf32, #tpu.memory_space<vmem_shared>>)
        tpu.yield
      }) : () -> ()
      %mul3A_200 = arith.constant 32 : i32
      %mul3A_201 = arith.muli %add3A_186, %mul3A_200 : i32
      %add3A_202 = arith.constant 16 : i32
      %add3A_203 = arith.addi %mul3A_201, %add3A_202 : i32
      %get3A_204 = arith.index_cast %add3A_203 : i32 to index
      %get3A_205 = tpu.vector_load %arg9[%get3A_204] {strides = array<i32>} : memref<5120xi32, #tpu.memory_space<vmem>>, vector<16xi32>,
      %get3A_206 = vector.shape_cast %get3A_205 : vector<16xi32> to vector<16xi32>
      "tpu.region"() ({
        %run_scoped3A = tpu.sem_alloc : memref<!tpu.dma_semaphore, #tpu.memory_space<semaphore_mem>>
        %dma_start3A_215 = arith.constant 16 : i32
        %dma_start3A_216 = arith.constant 0 : i32
        %dma_start3A_217 = tpu.memref_slice %arg13[%dma_start3A_215, %dma_start3A_216] : memref<32x128xf32, #tpu.memory_space<vmem>> -> memref<16x128xf32, #tpu.memory_space<vmem>>
        %dma_start3A_218 = arith.constant 0 : i32
        %dma_start3A_219 = arith.constant 0 : i32
        %dma_start3A_220 = tpu.memref_slice %arg18[%dma_start3A_218, %dma_start3A_219] : memref<10064x128xf32, #tpu.memory_space<vmem_shared>> -> memref<10064x128xf32, #tpu.memory_space<vmem_shared>>
        tpu.enqueue_indirect_dma source(%dma_start3A_217 : memref<16x128xf32, #tpu.memory_space<vmem>>) target(%dma_start3A_220 : memref<10064x128xf32, #tpu.memory_space<vmem_shared>>) offsets(%get3A_206 : vector<16xi32>) semaphore(%run_scoped3A : memref<!tpu.dma_semaphore, #tpu.memory_space<semaphore_mem>>) {add = true}
        %dma_wait3A_221 = arith.constant 16 : i32
        %dma_wait3A_222 = arith.constant 0 : i32
        %dma_wait3A_223 = tpu.memref_slice %arg13[%dma_wait3A_221, %dma_wait3A_222] : memref<32x128xf32, #tpu.memory_space<vmem>> -> memref<16x128xf32, #tpu.memory_space<vmem>>
        %dma_wait3A_224 = arith.constant 0 : i32
        %dma_wait3A_225 = arith.constant 0 : i32
        %dma_wait3A_226 = tpu.memref_slice %arg18[%dma_wait3A_224, %dma_wait3A_225] : memref<10064x128xf32, #tpu.memory_space<vmem_shared>> -> memref<10064x128xf32, #tpu.memory_space<vmem_shared>>
        tpu.wait_indirect_dma semaphore(%run_scoped3A : memref<!tpu.dma_semaphore, #tpu.memory_space<semaphore_mem>>) src(%dma_wait3A_223 : memref<16x128xf32, #tpu.memory_space<vmem>>) dst(%dma_wait3A_226 : memref<10064x128xf32, #tpu.memory_space<vmem_shared>>)
        tpu.yield
      }) : () -> ()
      %add3A_207 = arith.constant 4 : i32
      %add3A_208 = arith.addi %add3A_186, %add3A_207 : i32
      %mul3A_209 = arith.constant 32 : i32
      %mul3A_210 = arith.muli %add3A_208, %mul3A_209 : i32
      %dma_start3A_211 = tpu.memref_slice %arg8[%mul3A_210] : memref<5120xi32, #tpu.memory_space<vmem>> -> memref<32xi32, #tpu.memory_space<vmem>>
      %dma_start3A_212 = arith.constant 0 : i32
      %dma_start3A_213 = arith.constant 0 : i32
      %dma_start3A_214 = tpu.memref_slice %arg2[%dma_start3A_212, %dma_start3A_213] : memref<10000x128xf32, #tpu.memory_space<hbm>> -> memref<10000x128xf32, #tpu.memory_space<hbm>>
      tpu.enqueue_indirect_dma source(%dma_start3A_214 : memref<10000x128xf32, #tpu.memory_space<hbm>>) target(%arg13 : memref<32x128xf32, #tpu.memory_space<vmem>>) offsets(%dma_start3A_211 : memref<32xi32, #tpu.memory_space<vmem>>) semaphore(%arg17 : memref<!tpu.dma_semaphore, #tpu.memory_space<semaphore_mem>>)
    }
    %scan3A_32 = arith.constant 39 : i32
    %dma_wait3A = arith.constant 4992 : i32
    %dma_wait3A_33 = tpu.memref_slice %arg8[%dma_wait3A] : memref<5120xi32, #tpu.memory_space<vmem>> -> memref<32xi32, #tpu.memory_space<vmem>>
    %dma_wait3A_34 = arith.constant 0 : i32
    %dma_wait3A_35 = arith.constant 0 : i32
    %dma_wait3A_36 = tpu.memref_slice %arg2[%dma_wait3A_34, %dma_wait3A_35] : memref<10000x128xf32, #tpu.memory_space<hbm>> -> memref<10000x128xf32, #tpu.memory_space<hbm>>
    tpu.wait_indirect_dma semaphore(%arg14 : memref<!tpu.dma_semaphore, #tpu.memory_space<semaphore_mem>>) src(%dma_wait3A_36 : memref<10000x128xf32, #tpu.memory_space<hbm>>) dst(%arg10 : memref<32x128xf32, #tpu.memory_space<vmem>>)
    %get3A = arith.constant 4992 : index
    %get3A_37 = tpu.vector_load %arg9[%get3A] {strides = array<i32>} : memref<5120xi32, #tpu.memory_space<vmem>>, vector<16xi32>,
    %get3A_38 = vector.shape_cast %get3A_37 : vector<16xi32> to vector<16xi32>
    "tpu.region"() ({
      %run_scoped3A = tpu.sem_alloc : memref<!tpu.dma_semaphore, #tpu.memory_space<semaphore_mem>>
      %dma_start3A_86 = arith.constant 0 : i32
      %dma_start3A_87 = arith.constant 0 : i32
      %dma_start3A_88 = tpu.memref_slice %arg10[%dma_start3A_86, %dma_start3A_87] : memref<32x128xf32, #tpu.memory_space<vmem>> -> memref<16x128xf32, #tpu.memory_space<vmem>>
      %dma_start3A_89 = arith.constant 0 : i32
      %dma_start3A_90 = arith.constant 0 : i32
      %dma_start3A_91 = tpu.memref_slice %arg18[%dma_start3A_89, %dma_start3A_90] : memref<10064x128xf32, #tpu.memory_space<vmem_shared>> -> memref<10064x128xf32, #tpu.memory_space<vmem_shared>>
      tpu.enqueue_indirect_dma source(%dma_start3A_88 : memref<16x128xf32, #tpu.memory_space<vmem>>) target(%dma_start3A_91 : memref<10064x128xf32, #tpu.memory_space<vmem_shared>>) offsets(%get3A_38 : vector<16xi32>) semaphore(%run_scoped3A : memref<!tpu.dma_semaphore, #tpu.memory_space<semaphore_mem>>) {add = true}
      %dma_wait3A_92 = arith.constant 0 : i32
      %dma_wait3A_93 = arith.constant 0 : i32
      %dma_wait3A_94 = tpu.memref_slice %arg10[%dma_wait3A_92, %dma_wait3A_93] : memref<32x128xf32, #tpu.memory_space<vmem>> -> memref<16x128xf32, #tpu.memory_space<vmem>>
      %dma_wait3A_95 = arith.constant 0 : i32
      %dma_wait3A_96 = arith.constant 0 : i32
      %dma_wait3A_97 = tpu.memref_slice %arg18[%dma_wait3A_95, %dma_wait3A_96] : memref<10064x128xf32, #tpu.memory_space<vmem_shared>> -> memref<10064x128xf32, #tpu.memory_space<vmem_shared>>
      tpu.wait_indirect_dma semaphore(%run_scoped3A : memref<!tpu.dma_semaphore, #tpu.memory_space<semaphore_mem>>) src(%dma_wait3A_94 : memref<16x128xf32, #tpu.memory_space<vmem>>) dst(%dma_wait3A_97 : memref<10064x128xf32, #tpu.memory_space<vmem_shared>>)
      tpu.yield
    }) : () -> ()
    %get3A_39 = arith.constant 5008 : index
    %get3A_40 = tpu.vector_load %arg9[%get3A_39] {strides = array<i32>} : memref<5120xi32, #tpu.memory_space<vmem>>, vector<16xi32>,
    %get3A_41 = vector.shape_cast %get3A_40 : vector<16xi32> to vector<16xi32>
    "tpu.region"() ({
      %run_scoped3A = tpu.sem_alloc : memref<!tpu.dma_semaphore, #tpu.memory_space<semaphore_mem>>
      %dma_start3A_86 = arith.constant 16 : i32
      %dma_start3A_87 = arith.constant 0 : i32
      %dma_start3A_88 = tpu.memref_slice %arg10[%dma_start3A_86, %dma_start3A_87] : memref<32x128xf32, #tpu.memory_space<vmem>> -> memref<16x128xf32, #tpu.memory_space<vmem>>
      %dma_start3A_89 = arith.constant 0 : i32
      %dma_start3A_90 = arith.constant 0 : i32
      %dma_start3A_91 = tpu.memref_slice %arg18[%dma_start3A_89, %dma_start3A_90] : memref<10064x128xf32, #tpu.memory_space<vmem_shared>> -> memref<10064x128xf32, #tpu.memory_space<vmem_shared>>
      tpu.enqueue_indirect_dma source(%dma_start3A_88 : memref<16x128xf32, #tpu.memory_space<vmem>>) target(%dma_start3A_91 : memref<10064x128xf32, #tpu.memory_space<vmem_shared>>) offsets(%get3A_41 : vector<16xi32>) semaphore(%run_scoped3A : memref<!tpu.dma_semaphore, #tpu.memory_space<semaphore_mem>>) {add = true}
      %dma_wait3A_92 = arith.constant 16 : i32
      %dma_wait3A_93 = arith.constant 0 : i32
      %dma_wait3A_94 = tpu.memref_slice %arg10[%dma_wait3A_92, %dma_wait3A_93] : memref<32x128xf32, #tpu.memory_space<vmem>> -> memref<16x128xf32, #tpu.memory_space<vmem>>
      %dma_wait3A_95 = arith.constant 0 : i32
      %dma_wait3A_96 = arith.constant 0 : i32
      %dma_wait3A_97 = tpu.memref_slice %arg18[%dma_wait3A_95, %dma_wait3A_96] : memref<10064x128xf32, #tpu.memory_space<vmem_shared>> -> memref<10064x128xf32, #tpu.memory_space<vmem_shared>>
      tpu.wait_indirect_dma semaphore(%run_scoped3A : memref<!tpu.dma_semaphore, #tpu.memory_space<semaphore_mem>>) src(%dma_wait3A_94 : memref<16x128xf32, #tpu.memory_space<vmem>>) dst(%dma_wait3A_97 : memref<10064x128xf32, #tpu.memory_space<vmem_shared>>)
      tpu.yield
    }) : () -> ()
    %dma_wait3A_42 = arith.constant 5024 : i32
    %dma_wait3A_43 = tpu.memref_slice %arg8[%dma_wait3A_42] : memref<5120xi32, #tpu.memory_space<vmem>> -> memref<32xi32, #tpu.memory_space<vmem>>
    %dma_wait3A_44 = arith.constant 0 : i32
    %dma_wait3A_45 = arith.constant 0 : i32
    %dma_wait3A_46 = tpu.memref_slice %arg2[%dma_wait3A_44, %dma_wait3A_45] : memref<10000x128xf32, #tpu.memory_space<hbm>> -> memref<10000x128xf32, #tpu.memory_space<hbm>>
    tpu.wait_indirect_dma semaphore(%arg15 : memref<!tpu.dma_semaphore, #tpu.memory_space<semaphore_mem>>) src(%dma_wait3A_46 : memref<10000x128xf32, #tpu.memory_space<hbm>>) dst(%arg11 : memref<32x128xf32, #tpu.memory_space<vmem>>)
    %get3A_47 = arith.constant 5024 : index
    %get3A_48 = tpu.vector_load %arg9[%get3A_47] {strides = array<i32>} : memref<5120xi32, #tpu.memory_space<vmem>>, vector<16xi32>,
    %get3A_49 = vector.shape_cast %get3A_48 : vector<16xi32> to vector<16xi32>
    "tpu.region"() ({
      %run_scoped3A = tpu.sem_alloc : memref<!tpu.dma_semaphore, #tpu.memory_space<semaphore_mem>>
      %dma_start3A_86 = arith.constant 0 : i32
      %dma_start3A_87 = arith.constant 0 : i32
      %dma_start3A_88 = tpu.memref_slice %arg11[%dma_start3A_86, %dma_start3A_87] : memref<32x128xf32, #tpu.memory_space<vmem>> -> memref<16x128xf32, #tpu.memory_space<vmem>>
      %dma_start3A_89 = arith.constant 0 : i32
      %dma_start3A_90 = arith.constant 0 : i32
      %dma_start3A_91 = tpu.memref_slice %arg18[%dma_start3A_89, %dma_start3A_90] : memref<10064x128xf32, #tpu.memory_space<vmem_shared>> -> memref<10064x128xf32, #tpu.memory_space<vmem_shared>>
      tpu.enqueue_indirect_dma source(%dma_start3A_88 : memref<16x128xf32, #tpu.memory_space<vmem>>) target(%dma_start3A_91 : memref<10064x128xf32, #tpu.memory_space<vmem_shared>>) offsets(%get3A_49 : vector<16xi32>) semaphore(%run_scoped3A : memref<!tpu.dma_semaphore, #tpu.memory_space<semaphore_mem>>) {add = true}
      %dma_wait3A_92 = arith.constant 0 : i32
      %dma_wait3A_93 = arith.constant 0 : i32
      %dma_wait3A_94 = tpu.memref_slice %arg11[%dma_wait3A_92, %dma_wait3A_93] : memref<32x128xf32, #tpu.memory_space<vmem>> -> memref<16x128xf32, #tpu.memory_space<vmem>>
      %dma_wait3A_95 = arith.constant 0 : i32
      %dma_wait3A_96 = arith.constant 0 : i32
      %dma_wait3A_97 = tpu.memref_slice %arg18[%dma_wait3A_95, %dma_wait3A_96] : memref<10064x128xf32, #tpu.memory_space<vmem_shared>> -> memref<10064x128xf32, #tpu.memory_space<vmem_shared>>
      tpu.wait_indirect_dma semaphore(%run_scoped3A : memref<!tpu.dma_semaphore, #tpu.memory_space<semaphore_mem>>) src(%dma_wait3A_94 : memref<16x128xf32, #tpu.memory_space<vmem>>) dst(%dma_wait3A_97 : memref<10064x128xf32, #tpu.memory_space<vmem_shared>>)
      tpu.yield
    }) : () -> ()
    %get3A_50 = arith.constant 5040 : index
    %get3A_51 = tpu.vector_load %arg9[%get3A_50] {strides = array<i32>} : memref<5120xi32, #tpu.memory_space<vmem>>, vector<16xi32>,
    %get3A_52 = vector.shape_cast %get3A_51 : vector<16xi32> to vector<16xi32>
    "tpu.region"() ({
      %run_scoped3A = tpu.sem_alloc : memref<!tpu.dma_semaphore, #tpu.memory_space<semaphore_mem>>
      %dma_start3A_86 = arith.constant 16 : i32
      %dma_start3A_87 = arith.constant 0 : i32
      %dma_start3A_88 = tpu.memref_slice %arg11[%dma_start3A_86, %dma_start3A_87] : memref<32x128xf32, #tpu.memory_space<vmem>> -> memref<16x128xf32, #tpu.memory_space<vmem>>
      %dma_start3A_89 = arith.constant 0 : i32
      %dma_start3A_90 = arith.constant 0 : i32
      %dma_start3A_91 = tpu.memref_slice %arg18[%dma_start3A_89, %dma_start3A_90] : memref<10064x128xf32, #tpu.memory_space<vmem_shared>> -> memref<10064x128xf32, #tpu.memory_space<vmem_shared>>
      tpu.enqueue_indirect_dma source(%dma_start3A_88 : memref<16x128xf32, #tpu.memory_space<vmem>>) target(%dma_start3A_91 : memref<10064x128xf32, #tpu.memory_space<vmem_shared>>) offsets(%get3A_52 : vector<16xi32>) semaphore(%run_scoped3A : memref<!tpu.dma_semaphore, #tpu.memory_space<semaphore_mem>>) {add = true}
      %dma_wait3A_92 = arith.constant 16 : i32
      %dma_wait3A_93 = arith.constant 0 : i32
      %dma_wait3A_94 = tpu.memref_slice %arg11[%dma_wait3A_92, %dma_wait3A_93] : memref<32x128xf32, #tpu.memory_space<vmem>> -> memref<16x128xf32, #tpu.memory_space<vmem>>
      %dma_wait3A_95 = arith.constant 0 : i32
      %dma_wait3A_96 = arith.constant 0 : i32
      %dma_wait3A_97 = tpu.memref_slice %arg18[%dma_wait3A_95, %dma_wait3A_96] : memref<10064x128xf32, #tpu.memory_space<vmem_shared>> -> memref<10064x128xf32, #tpu.memory_space<vmem_shared>>
      tpu.wait_indirect_dma semaphore(%run_scoped3A : memref<!tpu.dma_semaphore, #tpu.memory_space<semaphore_mem>>) src(%dma_wait3A_94 : memref<16x128xf32, #tpu.memory_space<vmem>>) dst(%dma_wait3A_97 : memref<10064x128xf32, #tpu.memory_space<vmem_shared>>)
      tpu.yield
    }) : () -> ()
    %dma_wait3A_53 = arith.constant 5056 : i32
    %dma_wait3A_54 = tpu.memref_slice %arg8[%dma_wait3A_53] : memref<5120xi32, #tpu.memory_space<vmem>> -> memref<32xi32, #tpu.memory_space<vmem>>
    %dma_wait3A_55 = arith.constant 0 : i32
    %dma_wait3A_56 = arith.constant 0 : i32
    %dma_wait3A_57 = tpu.memref_slice %arg2[%dma_wait3A_55, %dma_wait3A_56] : memref<10000x128xf32, #tpu.memory_space<hbm>> -> memref<10000x128xf32, #tpu.memory_space<hbm>>
    tpu.wait_indirect_dma semaphore(%arg16 : memref<!tpu.dma_semaphore, #tpu.memory_space<semaphore_mem>>) src(%dma_wait3A_57 : memref<10000x128xf32, #tpu.memory_space<hbm>>) dst(%arg12 : memref<32x128xf32, #tpu.memory_space<vmem>>)
    %get3A_58 = arith.constant 5056 : index
    %get3A_59 = tpu.vector_load %arg9[%get3A_58] {strides = array<i32>} : memref<5120xi32, #tpu.memory_space<vmem>>, vector<16xi32>,
    %get3A_60 = vector.shape_cast %get3A_59 : vector<16xi32> to vector<16xi32>
    "tpu.region"() ({
      %run_scoped3A = tpu.sem_alloc : memref<!tpu.dma_semaphore, #tpu.memory_space<semaphore_mem>>
      %dma_start3A_86 = arith.constant 0 : i32
      %dma_start3A_87 = arith.constant 0 : i32
      %dma_start3A_88 = tpu.memref_slice %arg12[%dma_start3A_86, %dma_start3A_87] : memref<32x128xf32, #tpu.memory_space<vmem>> -> memref<16x128xf32, #tpu.memory_space<vmem>>
      %dma_start3A_89 = arith.constant 0 : i32
      %dma_start3A_90 = arith.constant 0 : i32
      %dma_start3A_91 = tpu.memref_slice %arg18[%dma_start3A_89, %dma_start3A_90] : memref<10064x128xf32, #tpu.memory_space<vmem_shared>> -> memref<10064x128xf32, #tpu.memory_space<vmem_shared>>
      tpu.enqueue_indirect_dma source(%dma_start3A_88 : memref<16x128xf32, #tpu.memory_space<vmem>>) target(%dma_start3A_91 : memref<10064x128xf32, #tpu.memory_space<vmem_shared>>) offsets(%get3A_60 : vector<16xi32>) semaphore(%run_scoped3A : memref<!tpu.dma_semaphore, #tpu.memory_space<semaphore_mem>>) {add = true}
      %dma_wait3A_92 = arith.constant 0 : i32
      %dma_wait3A_93 = arith.constant 0 : i32
      %dma_wait3A_94 = tpu.memref_slice %arg12[%dma_wait3A_92, %dma_wait3A_93] : memref<32x128xf32, #tpu.memory_space<vmem>> -> memref<16x128xf32, #tpu.memory_space<vmem>>
      %dma_wait3A_95 = arith.constant 0 : i32
      %dma_wait3A_96 = arith.constant 0 : i32
      %dma_wait3A_97 = tpu.memref_slice %arg18[%dma_wait3A_95, %dma_wait3A_96] : memref<10064x128xf32, #tpu.memory_space<vmem_shared>> -> memref<10064x128xf32, #tpu.memory_space<vmem_shared>>
      tpu.wait_indirect_dma semaphore(%run_scoped3A : memref<!tpu.dma_semaphore, #tpu.memory_space<semaphore_mem>>) src(%dma_wait3A_94 : memref<16x128xf32, #tpu.memory_space<vmem>>) dst(%dma_wait3A_97 : memref<10064x128xf32, #tpu.memory_space<vmem_shared>>)
      tpu.yield
    }) : () -> ()
    %get3A_61 = arith.constant 5072 : index
    %get3A_62 = tpu.vector_load %arg9[%get3A_61] {strides = array<i32>} : memref<5120xi32, #tpu.memory_space<vmem>>, vector<16xi32>,
    %get3A_63 = vector.shape_cast %get3A_62 : vector<16xi32> to vector<16xi32>
    "tpu.region"() ({
      %run_scoped3A = tpu.sem_alloc : memref<!tpu.dma_semaphore, #tpu.memory_space<semaphore_mem>>
      %dma_start3A_86 = arith.constant 16 : i32
      %dma_start3A_87 = arith.constant 0 : i32
      %dma_start3A_88 = tpu.memref_slice %arg12[%dma_start3A_86, %dma_start3A_87] : memref<32x128xf32, #tpu.memory_space<vmem>> -> memref<16x128xf32, #tpu.memory_space<vmem>>
      %dma_start3A_89 = arith.constant 0 : i32
      %dma_start3A_90 = arith.constant 0 : i32
      %dma_start3A_91 = tpu.memref_slice %arg18[%dma_start3A_89, %dma_start3A_90] : memref<10064x128xf32, #tpu.memory_space<vmem_shared>> -> memref<10064x128xf32, #tpu.memory_space<vmem_shared>>
      tpu.enqueue_indirect_dma source(%dma_start3A_88 : memref<16x128xf32, #tpu.memory_space<vmem>>) target(%dma_start3A_91 : memref<10064x128xf32, #tpu.memory_space<vmem_shared>>) offsets(%get3A_63 : vector<16xi32>) semaphore(%run_scoped3A : memref<!tpu.dma_semaphore, #tpu.memory_space<semaphore_mem>>) {add = true}
      %dma_wait3A_92 = arith.constant 16 : i32
      %dma_wait3A_93 = arith.constant 0 : i32
      %dma_wait3A_94 = tpu.memref_slice %arg12[%dma_wait3A_92, %dma_wait3A_93] : memref<32x128xf32, #tpu.memory_space<vmem>> -> memref<16x128xf32, #tpu.memory_space<vmem>>
      %dma_wait3A_95 = arith.constant 0 : i32
      %dma_wait3A_96 = arith.constant 0 : i32
      %dma_wait3A_97 = tpu.memref_slice %arg18[%dma_wait3A_95, %dma_wait3A_96] : memref<10064x128xf32, #tpu.memory_space<vmem_shared>> -> memref<10064x128xf32, #tpu.memory_space<vmem_shared>>
      tpu.wait_indirect_dma semaphore(%run_scoped3A : memref<!tpu.dma_semaphore, #tpu.memory_space<semaphore_mem>>) src(%dma_wait3A_94 : memref<16x128xf32, #tpu.memory_space<vmem>>) dst(%dma_wait3A_97 : memref<10064x128xf32, #tpu.memory_space<vmem_shared>>)
      tpu.yield
    }) : () -> ()
    %dma_wait3A_64 = arith.constant 5088 : i32
    %dma_wait3A_65 = tpu.memref_slice %arg8[%dma_wait3A_64] : memref<5120xi32, #tpu.memory_space<vmem>> -> memref<32xi32, #tpu.memory_space<vmem>>
    %dma_wait3A_66 = arith.constant 0 : i32
    %dma_wait3A_67 = arith.constant 0 : i32
    %dma_wait3A_68 = tpu.memref_slice %arg2[%dma_wait3A_66, %dma_wait3A_67] : memref<10000x128xf32, #tpu.memory_space<hbm>> -> memref<10000x128xf32, #tpu.memory_space<hbm>>
    tpu.wait_indirect_dma semaphore(%arg17 : memref<!tpu.dma_semaphore, #tpu.memory_space<semaphore_mem>>) src(%dma_wait3A_68 : memref<10000x128xf32, #tpu.memory_space<hbm>>) dst(%arg13 : memref<32x128xf32, #tpu.memory_space<vmem>>)
    %get3A_69 = arith.constant 5088 : index
    %get3A_70 = tpu.vector_load %arg9[%get3A_69] {strides = array<i32>} : memref<5120xi32, #tpu.memory_space<vmem>>, vector<16xi32>,
    %get3A_71 = vector.shape_cast %get3A_70 : vector<16xi32> to vector<16xi32>
    "tpu.region"() ({
      %run_scoped3A = tpu.sem_alloc : memref<!tpu.dma_semaphore, #tpu.memory_space<semaphore_mem>>
      %dma_start3A_86 = arith.constant 0 : i32
      %dma_start3A_87 = arith.constant 0 : i32
      %dma_start3A_88 = tpu.memref_slice %arg13[%dma_start3A_86, %dma_start3A_87] : memref<32x128xf32, #tpu.memory_space<vmem>> -> memref<16x128xf32, #tpu.memory_space<vmem>>
      %dma_start3A_89 = arith.constant 0 : i32
      %dma_start3A_90 = arith.constant 0 : i32
      %dma_start3A_91 = tpu.memref_slice %arg18[%dma_start3A_89, %dma_start3A_90] : memref<10064x128xf32, #tpu.memory_space<vmem_shared>> -> memref<10064x128xf32, #tpu.memory_space<vmem_shared>>
      tpu.enqueue_indirect_dma source(%dma_start3A_88 : memref<16x128xf32, #tpu.memory_space<vmem>>) target(%dma_start3A_91 : memref<10064x128xf32, #tpu.memory_space<vmem_shared>>) offsets(%get3A_71 : vector<16xi32>) semaphore(%run_scoped3A : memref<!tpu.dma_semaphore, #tpu.memory_space<semaphore_mem>>) {add = true}
      %dma_wait3A_92 = arith.constant 0 : i32
      %dma_wait3A_93 = arith.constant 0 : i32
      %dma_wait3A_94 = tpu.memref_slice %arg13[%dma_wait3A_92, %dma_wait3A_93] : memref<32x128xf32, #tpu.memory_space<vmem>> -> memref<16x128xf32, #tpu.memory_space<vmem>>
      %dma_wait3A_95 = arith.constant 0 : i32
      %dma_wait3A_96 = arith.constant 0 : i32
      %dma_wait3A_97 = tpu.memref_slice %arg18[%dma_wait3A_95, %dma_wait3A_96] : memref<10064x128xf32, #tpu.memory_space<vmem_shared>> -> memref<10064x128xf32, #tpu.memory_space<vmem_shared>>
      tpu.wait_indirect_dma semaphore(%run_scoped3A : memref<!tpu.dma_semaphore, #tpu.memory_space<semaphore_mem>>) src(%dma_wait3A_94 : memref<16x128xf32, #tpu.memory_space<vmem>>) dst(%dma_wait3A_97 : memref<10064x128xf32, #tpu.memory_space<vmem_shared>>)
      tpu.yield
    }) : () -> ()
    %get3A_72 = arith.constant 5104 : index
    %get3A_73 = tpu.vector_load %arg9[%get3A_72] {strides = array<i32>} : memref<5120xi32, #tpu.memory_space<vmem>>, vector<16xi32>,
    %get3A_74 = vector.shape_cast %get3A_73 : vector<16xi32> to vector<16xi32>
    "tpu.region"() ({
      %run_scoped3A = tpu.sem_alloc : memref<!tpu.dma_semaphore, #tpu.memory_space<semaphore_mem>>
      %dma_start3A_86 = arith.constant 16 : i32
      %dma_start3A_87 = arith.constant 0 : i32
      %dma_start3A_88 = tpu.memref_slice %arg13[%dma_start3A_86, %dma_start3A_87] : memref<32x128xf32, #tpu.memory_space<vmem>> -> memref<16x128xf32, #tpu.memory_space<vmem>>
      %dma_start3A_89 = arith.constant 0 : i32
      %dma_start3A_90 = arith.constant 0 : i32
      %dma_start3A_91 = tpu.memref_slice %arg18[%dma_start3A_89, %dma_start3A_90] : memref<10064x128xf32, #tpu.memory_space<vmem_shared>> -> memref<10064x128xf32, #tpu.memory_space<vmem_shared>>
      tpu.enqueue_indirect_dma source(%dma_start3A_88 : memref<16x128xf32, #tpu.memory_space<vmem>>) target(%dma_start3A_91 : memref<10064x128xf32, #tpu.memory_space<vmem_shared>>) offsets(%get3A_74 : vector<16xi32>) semaphore(%run_scoped3A : memref<!tpu.dma_semaphore, #tpu.memory_space<semaphore_mem>>) {add = true}
      %dma_wait3A_92 = arith.constant 16 : i32
      %dma_wait3A_93 = arith.constant 0 : i32
      %dma_wait3A_94 = tpu.memref_slice %arg13[%dma_wait3A_92, %dma_wait3A_93] : memref<32x128xf32, #tpu.memory_space<vmem>> -> memref<16x128xf32, #tpu.memory_space<vmem>>
      %dma_wait3A_95 = arith.constant 0 : i32
      %dma_wait3A_96 = arith.constant 0 : i32
      %dma_wait3A_97 = tpu.memref_slice %arg18[%dma_wait3A_95, %dma_wait3A_96] : memref<10064x128xf32, #tpu.memory_space<vmem_shared>> -> memref<10064x128xf32, #tpu.memory_space<vmem_shared>>
      tpu.wait_indirect_dma semaphore(%run_scoped3A : memref<!tpu.dma_semaphore, #tpu.memory_space<semaphore_mem>>) src(%dma_wait3A_94 : memref<16x128xf32, #tpu.memory_space<vmem>>) dst(%dma_wait3A_97 : memref<10064x128xf32, #tpu.memory_space<vmem_shared>>)
      tpu.yield
    }) : () -> ()
    %barrier3A_75 = arith.constant 0 : index
    tpu.barrier barrier_id(%barrier3A_75)
    %eq3A_76 = arith.constant 0 : i32
    %eq3A_77 = arith.cmpi eq, %arg0, %eq3A_76 : i32
    %convert_element_type3A_78 = arith.extui %eq3A_77 : i1 to i32
    %cond3A_79 = arith.constant 0 : i32
    %cond3A_80 = arith.cmpi ne, %convert_element_type3A_78, %cond3A_79 : i32
    scf.if %cond3A_80 {
      %mul3A_86 = arith.constant 624 : i32
      %mul3A_87 = arith.muli %arg1, %mul3A_86 : i32
      %mul3A_88 = arith.constant 624 : i32
      %mul3A_89 = arith.muli %arg1, %mul3A_88 : i32
      "tpu.region"() ({
        %run_scoped3A = tpu.sem_alloc : memref<!tpu.dma_semaphore, #tpu.memory_space<semaphore_mem>>
        %dma_start3A_95 = arith.constant 0 : i32
        %dma_start3A_96 = tpu.memref_slice %arg6[%mul3A_89, %dma_start3A_95] : memref<10000x128xf32, #tpu.memory_space<hbm>> -> memref<624x128xf32, #tpu.memory_space<hbm>>
        %dma_start3A_97 = arith.constant 0 : i32
        %dma_start3A_98 = tpu.memref_slice %arg18[%mul3A_87, %dma_start3A_97] : memref<10064x128xf32, #tpu.memory_space<vmem_shared>> -> memref<624x128xf32, #tpu.memory_space<vmem_shared>>
        tpu.enqueue_dma source(%dma_start3A_98 : memref<624x128xf32, #tpu.memory_space<vmem_shared>>) target(%dma_start3A_96 : memref<624x128xf32, #tpu.memory_space<hbm>>) target_semaphore(%run_scoped3A : memref<!tpu.dma_semaphore, #tpu.memory_space<semaphore_mem>>)
        %dma_wait3A_99 = arith.constant 0 : i32
        %dma_wait3A_100 = tpu.memref_slice %arg6[%mul3A_89, %dma_wait3A_99] : memref<10000x128xf32, #tpu.memory_space<hbm>> -> memref<624x128xf32, #tpu.memory_space<hbm>>
        %dma_wait3A_101 = arith.constant 0 : i32
        %dma_wait3A_102 = tpu.memref_slice %arg18[%mul3A_87, %dma_wait3A_101] : memref<10064x128xf32, #tpu.memory_space<vmem_shared>> -> memref<624x128xf32, #tpu.memory_space<vmem_shared>>
        tpu.wait_dma2 semaphore(%run_scoped3A : memref<!tpu.dma_semaphore, #tpu.memory_space<semaphore_mem>>) src(%dma_wait3A_102 : memref<624x128xf32, #tpu.memory_space<vmem_shared>>) dst(%dma_wait3A_100 : memref<624x128xf32, #tpu.memory_space<hbm>>)
        tpu.yield
      }) : () -> ()
      %eq3A_90 = arith.constant 15 : i32
      %eq3A_91 = arith.cmpi eq, %arg1, %eq3A_90 : i32
      %convert_element_type3A_92 = arith.extui %eq3A_91 : i1 to i32
      %cond3A_93 = arith.constant 0 : i32
      %cond3A_94 = arith.cmpi ne, %convert_element_type3A_92, %cond3A_93 : i32
      scf.if %cond3A_94 {
        "tpu.region"() ({
          %run_scoped3A = tpu.sem_alloc : memref<!tpu.dma_semaphore, #tpu.memory_space<semaphore_mem>>
          %dma_start3A_95 = arith.constant 9984 : i32
          %dma_start3A_96 = arith.constant 0 : i32
          %dma_start3A_97 = tpu.memref_slice %arg6[%dma_start3A_95, %dma_start3A_96] : memref<10000x128xf32, #tpu.memory_space<hbm>> -> memref<16x128xf32, #tpu.memory_space<hbm>>
          %dma_start3A_98 = arith.constant 9984 : i32
          %dma_start3A_99 = arith.constant 0 : i32
          %dma_start3A_100 = tpu.memref_slice %arg18[%dma_start3A_98, %dma_start3A_99] : memref<10064x128xf32, #tpu.memory_space<vmem_shared>> -> memref<16x128xf32, #tpu.memory_space<vmem_shared>>
          tpu.enqueue_dma source(%dma_start3A_100 : memref<16x128xf32, #tpu.memory_space<vmem_shared>>) target(%dma_start3A_97 : memref<16x128xf32, #tpu.memory_space<hbm>>) target_semaphore(%run_scoped3A : memref<!tpu.dma_semaphore, #tpu.memory_space<semaphore_mem>>)
          %dma_wait3A_101 = arith.constant 9984 : i32
          %dma_wait3A_102 = arith.constant 0 : i32
          %dma_wait3A_103 = tpu.memref_slice %arg6[%dma_wait3A_101, %dma_wait3A_102] : memref<10000x128xf32, #tpu.memory_space<hbm>> -> memref<16x128xf32, #tpu.memory_space<hbm>>
          %dma_wait3A_104 = arith.constant 9984 : i32
          %dma_wait3A_105 = arith.constant 0 : i32
          %dma_wait3A_106 = tpu.memref_slice %arg18[%dma_wait3A_104, %dma_wait3A_105] : memref<10064x128xf32, #tpu.memory_space<vmem_shared>> -> memref<16x128xf32, #tpu.memory_space<vmem_shared>>
          tpu.wait_dma2 semaphore(%run_scoped3A : memref<!tpu.dma_semaphore, #tpu.memory_space<semaphore_mem>>) src(%dma_wait3A_106 : memref<16x128xf32, #tpu.memory_space<vmem_shared>>) dst(%dma_wait3A_103 : memref<16x128xf32, #tpu.memory_space<hbm>>)
          tpu.yield
        }) : () -> ()
      } else {
      }
    } else {
    }
    %eq3A_81 = arith.constant 1 : i32
    %eq3A_82 = arith.cmpi eq, %arg0, %eq3A_81 : i32
    %convert_element_type3A_83 = arith.extui %eq3A_82 : i1 to i32
    %cond3A_84 = arith.constant 0 : i32
    %cond3A_85 = arith.cmpi ne, %convert_element_type3A_83, %cond3A_84 : i32
    scf.if %cond3A_85 {
      %mul3A_86 = arith.constant 624 : i32
      %mul3A_87 = arith.muli %arg1, %mul3A_86 : i32
      %mul3A_88 = arith.constant 624 : i32
      %mul3A_89 = arith.muli %arg1, %mul3A_88 : i32
      "tpu.region"() ({
        %run_scoped3A = tpu.sem_alloc : memref<!tpu.dma_semaphore, #tpu.memory_space<semaphore_mem>>
        %dma_start3A_95 = arith.constant 0 : i32
        %dma_start3A_96 = tpu.memref_slice %arg7[%mul3A_89, %dma_start3A_95] : memref<10000x128xf32, #tpu.memory_space<hbm>> -> memref<624x128xf32, #tpu.memory_space<hbm>>
        %dma_start3A_97 = arith.constant 0 : i32
        %dma_start3A_98 = tpu.memref_slice %arg18[%mul3A_87, %dma_start3A_97] : memref<10064x128xf32, #tpu.memory_space<vmem_shared>> -> memref<624x128xf32, #tpu.memory_space<vmem_shared>>
        tpu.enqueue_dma source(%dma_start3A_98 : memref<624x128xf32, #tpu.memory_space<vmem_shared>>) target(%dma_start3A_96 : memref<624x128xf32, #tpu.memory_space<hbm>>) target_semaphore(%run_scoped3A : memref<!tpu.dma_semaphore, #tpu.memory_space<semaphore_mem>>)
        %dma_wait3A_99 = arith.constant 0 : i32
        %dma_wait3A_100 = tpu.memref_slice %arg7[%mul3A_89, %dma_wait3A_99] : memref<10000x128xf32, #tpu.memory_space<hbm>> -> memref<624x128xf32, #tpu.memory_space<hbm>>
        %dma_wait3A_101 = arith.constant 0 : i32
        %dma_wait3A_102 = tpu.memref_slice %arg18[%mul3A_87, %dma_wait3A_101] : memref<10064x128xf32, #tpu.memory_space<vmem_shared>> -> memref<624x128xf32, #tpu.memory_space<vmem_shared>>
        tpu.wait_dma2 semaphore(%run_scoped3A : memref<!tpu.dma_semaphore, #tpu.memory_space<semaphore_mem>>) src(%dma_wait3A_102 : memref<624x128xf32, #tpu.memory_space<vmem_shared>>) dst(%dma_wait3A_100 : memref<624x128xf32, #tpu.memory_space<hbm>>)
        tpu.yield
      }) : () -> ()
      %eq3A_90 = arith.constant 15 : i32
      %eq3A_91 = arith.cmpi eq, %arg1, %eq3A_90 : i32
      %convert_element_type3A_92 = arith.extui %eq3A_91 : i1 to i32
      %cond3A_93 = arith.constant 0 : i32
      %cond3A_94 = arith.cmpi ne, %convert_element_type3A_92, %cond3A_93 : i32
      scf.if %cond3A_94 {
        "tpu.region"() ({
          %run_scoped3A = tpu.sem_alloc : memref<!tpu.dma_semaphore, #tpu.memory_space<semaphore_mem>>
          %dma_start3A_95 = arith.constant 9984 : i32
          %dma_start3A_96 = arith.constant 0 : i32
          %dma_start3A_97 = tpu.memref_slice %arg7[%dma_start3A_95, %dma_start3A_96] : memref<10000x128xf32, #tpu.memory_space<hbm>> -> memref<16x128xf32, #tpu.memory_space<hbm>>
          %dma_start3A_98 = arith.constant 9984 : i32
          %dma_start3A_99 = arith.constant 0 : i32
          %dma_start3A_100 = tpu.memref_slice %arg18[%dma_start3A_98, %dma_start3A_99] : memref<10064x128xf32, #tpu.memory_space<vmem_shared>> -> memref<16x128xf32, #tpu.memory_space<vmem_shared>>
          tpu.enqueue_dma source(%dma_start3A_100 : memref<16x128xf32, #tpu.memory_space<vmem_shared>>) target(%dma_start3A_97 : memref<16x128xf32, #tpu.memory_space<hbm>>) target_semaphore(%run_scoped3A : memref<!tpu.dma_semaphore, #tpu.memory_space<semaphore_mem>>)
          %dma_wait3A_101 = arith.constant 9984 : i32
          %dma_wait3A_102 = arith.constant 0 : i32
          %dma_wait3A_103 = tpu.memref_slice %arg7[%dma_wait3A_101, %dma_wait3A_102] : memref<10000x128xf32, #tpu.memory_space<hbm>> -> memref<16x128xf32, #tpu.memory_space<hbm>>
          %dma_wait3A_104 = arith.constant 9984 : i32
          %dma_wait3A_105 = arith.constant 0 : i32
          %dma_wait3A_106 = tpu.memref_slice %arg18[%dma_wait3A_104, %dma_wait3A_105] : memref<10064x128xf32, #tpu.memory_space<vmem_shared>> -> memref<16x128xf32, #tpu.memory_space<vmem_shared>>
          tpu.wait_dma2 semaphore(%run_scoped3A : memref<!tpu.dma_semaphore, #tpu.memory_space<semaphore_mem>>) src(%dma_wait3A_106 : memref<16x128xf32, #tpu.memory_space<vmem_shared>>) dst(%dma_wait3A_103 : memref<16x128xf32, #tpu.memory_space<hbm>>)
          tpu.yield
        }) : () -> ()
      } else {
      }
    } else {
    }
    return
  }
}

module attributes {stable_mosaic.version = 14 : i64} {
  func.func @body(%arg0: i32, %arg1: memref<1000x256xf32, #tpu.memory_space<vmem>>, %arg2: memref<256x256xf32, #tpu.memory_space<vmem>>, %arg3: memref<1000x128xf32, #tpu.memory_space<vmem>>, %arg4: memref<1000x128xf32, #tpu.memory_space<vmem>>, %arg5: memref<1000x128xf32, #tpu.memory_space<vmem>>, %arg6: memref<1000x128xf32, #tpu.memory_space<vmem>>) attributes {dimension_semantics = [#tpu.dimension_semantics<arbitrary>], iteration_bounds = array<i64: 10>, scalar_prefetch = 0 : i64, scratch_operands = 0 : i64, tpu.core_type = #tpu.core_type<tc>, window_params = [{transform_indices = @transform_0, window_bounds = array<i64: 1000, 256>}, {pipeline_mode = #tpu.pipeline_mode<synchronous>, transform_indices = @transform_1, window_bounds = array<i64: 256, 256>}, {transform_indices = @transform_2, window_bounds = array<i64: 1000, 128>}, {transform_indices = @transform_3, window_bounds = array<i64: 1000, 128>}, {transform_indices = @transform_4, window_bounds = array<i64: 1000, 128>}, {transform_indices = @transform_5, window_bounds = array<i64: 1000, 128>}]} {
    %get3A = arith.constant 0 : index
    %get3A_0 = arith.constant 0 : index
    %get3A_1 = vector.load %arg3[%get3A, %get3A_0] : memref<1000x128xf32, #tpu.memory_space<vmem>>, vector<1000x128xf32>
    %get3A_2 = arith.constant 0 : index
    %get3A_3 = arith.constant 0 : index
    %get3A_4 = vector.load %arg4[%get3A_2, %get3A_3] : memref<1000x128xf32, #tpu.memory_space<vmem>>, vector<1000x128xf32>
    %slice3A = vector.extract_strided_slice %get3A_1 {offsets = [0, 0], sizes = [1000, 1], strides = [1, 1]} : vector<1000x128xf32> to vector<1000x1xf32>
    %slice3A_5 = vector.extract_strided_slice %get3A_4 {offsets = [0, 0], sizes = [1000, 1], strides = [1, 1]} : vector<1000x128xf32> to vector<1000x1xf32>
    %add3A = arith.addf %slice3A, %slice3A_5 : vector<1000x1xf32>
    %add3A_6 = arith.constant 1.000000e+00 : f32
    %add3A_7 = vector.broadcast %add3A_6 : f32 to vector<1000x1xf32>
    %add3A_8 = arith.addf %add3A, %add3A_7 : vector<1000x1xf32>
    %rsqrt3A = math.rsqrt %add3A_8 : vector<1000x1xf32>
    %get3A_9 = arith.constant 0 : index
    %get3A_10 = arith.constant 0 : index
    %get3A_11 = vector.load %arg1[%get3A_9, %get3A_10] : memref<1000x256xf32, #tpu.memory_space<vmem>>, vector<1000x256xf32>
    %get3A_12 = arith.constant 0 : index
    %get3A_13 = arith.constant 0 : index
    %get3A_14 = vector.load %arg2[%get3A_12, %get3A_13] : memref<256x256xf32, #tpu.memory_space<vmem>>, vector<256x256xf32>
    %dot_general3A = arith.constant dense<0.000000e+00> : vector<1000x256xf32>
    %dot_general3A_15 = tpu.matmul %get3A_11, %get3A_14, %dot_general3A {dimension_numbers = #tpu.dot_dimension_numbers<[1], [0], [0], [1], [0, 0, 1, 1], [], []>, transpose_lhs_hint = false} : vector<1000x256xf32>, vector<256x256xf32>, vector<1000x256xf32> -> vector<1000x256xf32>
    %mul3A = vector.broadcast %rsqrt3A : vector<1000x1xf32> to vector<1000x256xf32>
    %mul3A_16 = arith.mulf %mul3A, %dot_general3A_15 : vector<1000x256xf32>
    %slice3A_17 = vector.extract_strided_slice %mul3A_16 {offsets = [0, 0], sizes = [1000, 128], strides = [1, 1]} : vector<1000x256xf32> to vector<1000x128xf32>
    %swap3A = arith.constant 0 : index
    %swap3A_18 = arith.constant 0 : index
    %swap3A_19 = vector.load %arg5[%swap3A, %swap3A_18] : memref<1000x128xf32, #tpu.memory_space<vmem>>, vector<1000x128xf32>
    tpu.vector_store %arg5[%swap3A, %swap3A_18], %slice3A_17 {strides = array<i32>} : memref<1000x128xf32, #tpu.memory_space<vmem>>, vector<1000x128xf32>,
    %slice3A_20 = vector.extract_strided_slice %mul3A_16 {offsets = [0, 128], sizes = [1000, 128], strides = [1, 1]} : vector<1000x256xf32> to vector<1000x128xf32>
    %swap3A_21 = arith.constant 0 : index
    %swap3A_22 = arith.constant 0 : index
    %swap3A_23 = vector.load %arg6[%swap3A_21, %swap3A_22] : memref<1000x128xf32, #tpu.memory_space<vmem>>, vector<1000x128xf32>
    tpu.vector_store %arg6[%swap3A_21, %swap3A_22], %slice3A_20 {strides = array<i32>} : memref<1000x128xf32, #tpu.memory_space<vmem>>, vector<1000x128xf32>,
    return
  }
  func.func @transform_0(%arg0: i32) -> (i32, i32) {
    %c0_i32 = arith.constant 0 : i32
    %c0_i32_0 = arith.constant 0 : i32
    return %arg0, %c0_i32 : i32, i32
  }
  func.func @transform_1(%arg0: i32) -> (i32, i32) {
    %c0_i32 = arith.constant 0 : i32
    %c0_i32_0 = arith.constant 0 : i32
    %c0_i32_1 = arith.constant 0 : i32
    return %c0_i32, %c0_i32_0 : i32, i32
  }
  func.func @transform_2(%arg0: i32) -> (i32, i32) {
    %c0_i32 = arith.constant 0 : i32
    %c0_i32_0 = arith.constant 0 : i32
    return %arg0, %c0_i32 : i32, i32
  }
  func.func @transform_3(%arg0: i32) -> (i32, i32) {
    %c0_i32 = arith.constant 0 : i32
    %c0_i32_0 = arith.constant 0 : i32
    return %arg0, %c0_i32 : i32, i32
  }
  func.func @transform_4(%arg0: i32) -> (i32, i32) {
    %c0_i32 = arith.constant 0 : i32
    %c0_i32_0 = arith.constant 0 : i32
    return %arg0, %c0_i32 : i32, i32
  }
  func.func @transform_5(%arg0: i32) -> (i32, i32) {
    %c0_i32 = arith.constant 0 : i32
    %c0_i32_0 = arith.constant 0 : i32
    return %arg0, %c0_i32 : i32, i32
  }
}

module attributes {stable_mosaic.version = 14 : i64} {
  func.func @body(%arg0: i32, %arg1: memref<1000x128xf32, #tpu.memory_space<vmem>>, %arg2: memref<1000x128xf32, #tpu.memory_space<vmem>>, %arg3: memref<1000x128xf32, #tpu.memory_space<vmem>>, %arg4: memref<1000x128xf32, #tpu.memory_space<vmem>>, %arg5: memref<1000x128xf32, #tpu.memory_space<vmem>>, %arg6: memref<1000x128xf32, #tpu.memory_space<vmem>>, %arg7: memref<1x256xf32, #tpu.memory_space<vmem>>, %arg8: memref<256x128xf32, #tpu.memory_space<vmem>>, %arg9: memref<1000x128xf32, #tpu.memory_space<vmem>>) attributes {dimension_semantics = [#tpu.dimension_semantics<arbitrary>], iteration_bounds = array<i64: 10>, scalar_prefetch = 0 : i64, scratch_operands = 0 : i64, tpu.core_type = #tpu.core_type<tc>, window_params = [{transform_indices = @transform_0, window_bounds = array<i64: 1000, 128>}, {transform_indices = @transform_1, window_bounds = array<i64: 1000, 128>}, {transform_indices = @transform_2, window_bounds = array<i64: 1000, 128>}, {transform_indices = @transform_3, window_bounds = array<i64: 1000, 128>}, {transform_indices = @transform_4, window_bounds = array<i64: 1000, 128>}, {transform_indices = @transform_5, window_bounds = array<i64: 1000, 128>}, {pipeline_mode = #tpu.pipeline_mode<synchronous>, transform_indices = @transform_6, window_bounds = array<i64: 1, 256>}, {pipeline_mode = #tpu.pipeline_mode<synchronous>, transform_indices = @transform_7, window_bounds = array<i64: 256, 128>}, {transform_indices = @transform_8, window_bounds = array<i64: 1000, 128>}]} {
    %get3A = arith.constant 0 : index
    %get3A_0 = arith.constant 0 : index
    %get3A_1 = vector.load %arg5[%get3A, %get3A_0] : memref<1000x128xf32, #tpu.memory_space<vmem>>, vector<1000x128xf32>
    %get3A_2 = arith.constant 0 : index
    %get3A_3 = arith.constant 0 : index
    %get3A_4 = vector.load %arg6[%get3A_2, %get3A_3] : memref<1000x128xf32, #tpu.memory_space<vmem>>, vector<1000x128xf32>
    %slice3A = vector.extract_strided_slice %get3A_1 {offsets = [0, 0], sizes = [1000, 1], strides = [1, 1]} : vector<1000x128xf32> to vector<1000x1xf32>
    %slice3A_5 = vector.extract_strided_slice %get3A_4 {offsets = [0, 0], sizes = [1000, 1], strides = [1, 1]} : vector<1000x128xf32> to vector<1000x1xf32>
    %add3A = arith.addf %slice3A, %slice3A_5 : vector<1000x1xf32>
    %add3A_6 = arith.constant 1.000000e+00 : f32
    %add3A_7 = vector.broadcast %add3A_6 : f32 to vector<1000x1xf32>
    %add3A_8 = arith.addf %add3A, %add3A_7 : vector<1000x1xf32>
    %rsqrt3A = math.rsqrt %add3A_8 : vector<1000x1xf32>
    %get3A_9 = arith.constant 0 : index
    %get3A_10 = arith.constant 0 : index
    %get3A_11 = vector.load %arg1[%get3A_9, %get3A_10] : memref<1000x128xf32, #tpu.memory_space<vmem>>, vector<1000x128xf32>
    %get3A_12 = arith.constant 0 : index
    %get3A_13 = arith.constant 0 : index
    %get3A_14 = vector.load %arg2[%get3A_12, %get3A_13] : memref<1000x128xf32, #tpu.memory_space<vmem>>, vector<1000x128xf32>
    %concatenate3A = tpu.concatenate %get3A_11, %get3A_14 in 1 : vector<1000x128xf32>, vector<1000x128xf32> -> vector<1000x256xf32>
    %get3A_15 = arith.constant 0 : index
    %get3A_16 = arith.constant 0 : index
    %get3A_17 = vector.load %arg3[%get3A_15, %get3A_16] : memref<1000x128xf32, #tpu.memory_space<vmem>>, vector<1000x128xf32>
    %get3A_18 = arith.constant 0 : index
    %get3A_19 = arith.constant 0 : index
    %get3A_20 = vector.load %arg4[%get3A_18, %get3A_19] : memref<1000x128xf32, #tpu.memory_space<vmem>>, vector<1000x128xf32>
    %concatenate3A_21 = tpu.concatenate %get3A_17, %get3A_20 in 1 : vector<1000x128xf32>, vector<1000x128xf32> -> vector<1000x256xf32>
    %add3A_22 = arith.addf %concatenate3A, %concatenate3A_21 : vector<1000x256xf32>
    %mul3A = vector.broadcast %rsqrt3A : vector<1000x1xf32> to vector<1000x256xf32>
    %mul3A_23 = arith.mulf %mul3A, %add3A_22 : vector<1000x256xf32>
    %get3A_24 = arith.constant 0 : index
    %get3A_25 = arith.constant 0 : index
    %get3A_26 = vector.load %arg7[%get3A_24, %get3A_25] : memref<1x256xf32, #tpu.memory_space<vmem>>, vector<1x256xf32>
    %add3A_27 = vector.broadcast %get3A_26 : vector<1x256xf32> to vector<1000x256xf32>
    %add3A_28 = arith.addf %mul3A_23, %add3A_27 : vector<1000x256xf32>
    %max3A = arith.constant 0.000000e+00 : f32
    %max3A_29 = vector.broadcast %max3A : f32 to vector<1000x256xf32>
    %max3A_30 = arith.maximumf %add3A_28, %max3A_29 : vector<1000x256xf32>
    %get3A_31 = arith.constant 0 : index
    %get3A_32 = arith.constant 0 : index
    %get3A_33 = vector.load %arg8[%get3A_31, %get3A_32] : memref<256x128xf32, #tpu.memory_space<vmem>>, vector<256x128xf32>
    %dot_general3A = arith.constant dense<0.000000e+00> : vector<1000x128xf32>
    %dot_general3A_34 = tpu.matmul %max3A_30, %get3A_33, %dot_general3A {dimension_numbers = #tpu.dot_dimension_numbers<[1], [0], [0], [1], [0, 0, 1, 1], [], []>, transpose_lhs_hint = false} : vector<1000x256xf32>, vector<256x128xf32>, vector<1000x128xf32> -> vector<1000x128xf32>
    %mul3A_35 = vector.broadcast %rsqrt3A : vector<1000x1xf32> to vector<1000x128xf32>
    %mul3A_36 = arith.mulf %mul3A_35, %dot_general3A_34 : vector<1000x128xf32>
    %swap3A = arith.constant 0 : index
    %swap3A_37 = arith.constant 0 : index
    %swap3A_38 = vector.load %arg9[%swap3A, %swap3A_37] : memref<1000x128xf32, #tpu.memory_space<vmem>>, vector<1000x128xf32>
    tpu.vector_store %arg9[%swap3A, %swap3A_37], %mul3A_36 {strides = array<i32>} : memref<1000x128xf32, #tpu.memory_space<vmem>>, vector<1000x128xf32>,
    return
  }
  func.func @transform_0(%arg0: i32) -> (i32, i32) {
    %c0_i32 = arith.constant 0 : i32
    %c0_i32_0 = arith.constant 0 : i32
    return %arg0, %c0_i32 : i32, i32
  }
  func.func @transform_1(%arg0: i32) -> (i32, i32) {
    %c0_i32 = arith.constant 0 : i32
    %c0_i32_0 = arith.constant 0 : i32
    return %arg0, %c0_i32 : i32, i32
  }
  func.func @transform_2(%arg0: i32) -> (i32, i32) {
    %c0_i32 = arith.constant 0 : i32
    %c0_i32_0 = arith.constant 0 : i32
    return %arg0, %c0_i32 : i32, i32
  }
  func.func @transform_3(%arg0: i32) -> (i32, i32) {
    %c0_i32 = arith.constant 0 : i32
    %c0_i32_0 = arith.constant 0 : i32
    return %arg0, %c0_i32 : i32, i32
  }
  func.func @transform_4(%arg0: i32) -> (i32, i32) {
    %c0_i32 = arith.constant 0 : i32
    %c0_i32_0 = arith.constant 0 : i32
    return %arg0, %c0_i32 : i32, i32
  }
  func.func @transform_5(%arg0: i32) -> (i32, i32) {
    %c0_i32 = arith.constant 0 : i32
    %c0_i32_0 = arith.constant 0 : i32
    return %arg0, %c0_i32 : i32, i32
  }
  func.func @transform_6(%arg0: i32) -> (i32, i32) {
    %c0_i32 = arith.constant 0 : i32
    %c0_i32_0 = arith.constant 0 : i32
    %c0_i32_1 = arith.constant 0 : i32
    return %c0_i32, %c0_i32_0 : i32, i32
  }
  func.func @transform_7(%arg0: i32) -> (i32, i32) {
    %c0_i32 = arith.constant 0 : i32
    %c0_i32_0 = arith.constant 0 : i32
    %c0_i32_1 = arith.constant 0 : i32
    return %c0_i32, %c0_i32_0 : i32, i32
  }
  func.func @transform_8(%arg0: i32) -> (i32, i32) {
    %c0_i32 = arith.constant 0 : i32
    %c0_i32_0 = arith.constant 0 : i32
    return %arg0, %c0_i32 : i32, i32
  }
}

module attributes {stable_mosaic.version = 14 : i64} {
  func.func @body(%arg0: i32, %arg1: memref<1000x128xf32, #tpu.memory_space<vmem>>, %arg2: memref<1000x128xf32, #tpu.memory_space<vmem>>, %arg3: memref<1000x128xf32, #tpu.memory_space<vmem>>, %arg4: memref<1000x128xf32, #tpu.memory_space<vmem>>, %arg5: memref<1000x128xf32, #tpu.memory_space<vmem>>, %arg6: memref<1x64xf32, #tpu.memory_space<vmem>>, %arg7: memref<1x64xf32, #tpu.memory_space<vmem>>, %arg8: memref<1000x64xf32, #tpu.memory_space<vmem>>, %arg9: memref<1000x192xf32, #tpu.memory_space<vmem>>) attributes {dimension_semantics = [#tpu.dimension_semantics<arbitrary>], iteration_bounds = array<i64: 10>, scalar_prefetch = 0 : i64, scratch_operands = 0 : i64, tpu.core_type = #tpu.core_type<tc>, window_params = [{transform_indices = @transform_0, window_bounds = array<i64: 1000, 128>}, {transform_indices = @transform_1, window_bounds = array<i64: 1000, 128>}, {transform_indices = @transform_2, window_bounds = array<i64: 1000, 128>}, {transform_indices = @transform_3, window_bounds = array<i64: 1000, 128>}, {transform_indices = @transform_4, window_bounds = array<i64: 1000, 128>}, {pipeline_mode = #tpu.pipeline_mode<synchronous>, transform_indices = @transform_5, window_bounds = array<i64: 1, 64>}, {pipeline_mode = #tpu.pipeline_mode<synchronous>, transform_indices = @transform_6, window_bounds = array<i64: 1, 64>}, {transform_indices = @transform_7, window_bounds = array<i64: 1000, 64>}, {transform_indices = @transform_8, window_bounds = array<i64: 1000, 192>}]} {
    %get3A = arith.constant 0 : index
    %get3A_0 = arith.constant 0 : index
    %get3A_1 = vector.load %arg4[%get3A, %get3A_0] : memref<1000x128xf32, #tpu.memory_space<vmem>>, vector<1000x128xf32>
    %get3A_2 = arith.constant 0 : index
    %get3A_3 = arith.constant 0 : index
    %get3A_4 = vector.load %arg5[%get3A_2, %get3A_3] : memref<1000x128xf32, #tpu.memory_space<vmem>>, vector<1000x128xf32>
    %slice3A = vector.extract_strided_slice %get3A_1 {offsets = [0, 0], sizes = [1000, 1], strides = [1, 1]} : vector<1000x128xf32> to vector<1000x1xf32>
    %slice3A_5 = vector.extract_strided_slice %get3A_4 {offsets = [0, 0], sizes = [1000, 1], strides = [1, 1]} : vector<1000x128xf32> to vector<1000x1xf32>
    %add3A = arith.addf %slice3A, %slice3A_5 : vector<1000x1xf32>
    %add3A_6 = arith.constant 1.000000e+00 : f32
    %add3A_7 = vector.broadcast %add3A_6 : f32 to vector<1000x1xf32>
    %add3A_8 = arith.addf %add3A, %add3A_7 : vector<1000x1xf32>
    %rsqrt3A = math.rsqrt %add3A_8 : vector<1000x1xf32>
    %get3A_9 = arith.constant 0 : index
    %get3A_10 = arith.constant 0 : index
    %get3A_11 = vector.load %arg1[%get3A_9, %get3A_10] : memref<1000x128xf32, #tpu.memory_space<vmem>>, vector<1000x128xf32>
    %get3A_12 = arith.constant 0 : index
    %get3A_13 = arith.constant 0 : index
    %get3A_14 = vector.load %arg2[%get3A_12, %get3A_13] : memref<1000x128xf32, #tpu.memory_space<vmem>>, vector<1000x128xf32>
    %add3A_15 = arith.addf %get3A_11, %get3A_14 : vector<1000x128xf32>
    %get3A_16 = arith.constant 0 : index
    %get3A_17 = arith.constant 0 : index
    %get3A_18 = vector.load %arg3[%get3A_16, %get3A_17] : memref<1000x128xf32, #tpu.memory_space<vmem>>, vector<1000x128xf32>
    %add3A_19 = arith.addf %add3A_15, %get3A_18 : vector<1000x128xf32>
    %mul3A = vector.broadcast %rsqrt3A : vector<1000x1xf32> to vector<1000x128xf32>
    %mul3A_20 = arith.mulf %mul3A, %add3A_19 : vector<1000x128xf32>
    %slice3A_21 = vector.extract_strided_slice %mul3A_20 {offsets = [0, 0], sizes = [1000, 64], strides = [1, 1]} : vector<1000x128xf32> to vector<1000x64xf32>
    %get3A_22 = arith.constant 0 : index
    %get3A_23 = arith.constant 0 : index
    %get3A_24 = vector.load %arg6[%get3A_22, %get3A_23] : memref<1x64xf32, #tpu.memory_space<vmem>>, vector<1x64xf32>
    %add3A_25 = vector.broadcast %get3A_24 : vector<1x64xf32> to vector<1000x64xf32>
    %add3A_26 = arith.addf %slice3A_21, %add3A_25 : vector<1000x64xf32>
    %slice3A_27 = vector.extract_strided_slice %mul3A_20 {offsets = [0, 64], sizes = [1000, 64], strides = [1, 1]} : vector<1000x128xf32> to vector<1000x64xf32>
    %get3A_28 = arith.constant 0 : index
    %get3A_29 = arith.constant 0 : index
    %get3A_30 = vector.load %arg7[%get3A_28, %get3A_29] : memref<1x64xf32, #tpu.memory_space<vmem>>, vector<1x64xf32>
    %add3A_31 = vector.broadcast %get3A_30 : vector<1x64xf32> to vector<1000x64xf32>
    %add3A_32 = arith.addf %slice3A_27, %add3A_31 : vector<1000x64xf32>
    %get3A_33 = arith.constant 0 : index
    %get3A_34 = arith.constant 0 : index
    %get3A_35 = vector.load %arg8[%get3A_33, %get3A_34] : memref<1000x64xf32, #tpu.memory_space<vmem>>, vector<1000x64xf32>
    %mul3A_36 = arith.constant 5.000000e-01 : f32
    %mul3A_37 = vector.broadcast %mul3A_36 : f32 to vector<1000x64xf32>
    %mul3A_38 = arith.mulf %mul3A_37, %add3A_32 : vector<1000x64xf32>
    %exp3A = math.exp %mul3A_38 : vector<1000x64xf32>
    %mul3A_39 = arith.mulf %get3A_35, %exp3A : vector<1000x64xf32>
    %add3A_40 = arith.addf %add3A_26, %mul3A_39 : vector<1000x64xf32>
    %concatenate3A = tpu.concatenate %add3A_40, %add3A_26, %add3A_32 in 1 : vector<1000x64xf32>, vector<1000x64xf32>, vector<1000x64xf32> -> vector<1000x192xf32>
    %swap3A = arith.constant 0 : index
    %swap3A_41 = arith.constant 0 : index
    %swap3A_42 = vector.load %arg9[%swap3A, %swap3A_41] : memref<1000x192xf32, #tpu.memory_space<vmem>>, vector<1000x192xf32>
    tpu.vector_store %arg9[%swap3A, %swap3A_41], %concatenate3A {strides = array<i32>} : memref<1000x192xf32, #tpu.memory_space<vmem>>, vector<1000x192xf32>,
    return
  }
  func.func @transform_0(%arg0: i32) -> (i32, i32) {
    %c0_i32 = arith.constant 0 : i32
    %c0_i32_0 = arith.constant 0 : i32
    return %arg0, %c0_i32 : i32, i32
  }
  func.func @transform_1(%arg0: i32) -> (i32, i32) {
    %c0_i32 = arith.constant 0 : i32
    %c0_i32_0 = arith.constant 0 : i32
    return %arg0, %c0_i32 : i32, i32
  }
  func.func @transform_2(%arg0: i32) -> (i32, i32) {
    %c0_i32 = arith.constant 0 : i32
    %c0_i32_0 = arith.constant 0 : i32
    return %arg0, %c0_i32 : i32, i32
  }
  func.func @transform_3(%arg0: i32) -> (i32, i32) {
    %c0_i32 = arith.constant 0 : i32
    %c0_i32_0 = arith.constant 0 : i32
    return %arg0, %c0_i32 : i32, i32
  }
  func.func @transform_4(%arg0: i32) -> (i32, i32) {
    %c0_i32 = arith.constant 0 : i32
    %c0_i32_0 = arith.constant 0 : i32
    return %arg0, %c0_i32 : i32, i32
  }
  func.func @transform_5(%arg0: i32) -> (i32, i32) {
    %c0_i32 = arith.constant 0 : i32
    %c0_i32_0 = arith.constant 0 : i32
    %c0_i32_1 = arith.constant 0 : i32
    return %c0_i32, %c0_i32_0 : i32, i32
  }
  func.func @transform_6(%arg0: i32) -> (i32, i32) {
    %c0_i32 = arith.constant 0 : i32
    %c0_i32_0 = arith.constant 0 : i32
    %c0_i32_1 = arith.constant 0 : i32
    return %c0_i32, %c0_i32_0 : i32, i32
  }
  func.func @transform_7(%arg0: i32) -> (i32, i32) {
    %c0_i32 = arith.constant 0 : i32
    %c0_i32_0 = arith.constant 0 : i32
    return %arg0, %c0_i32 : i32, i32
  }
  func.func @transform_8(%arg0: i32) -> (i32, i32) {
    %c0_i32 = arith.constant 0 : i32
    %c0_i32_0 = arith.constant 0 : i32
    return %arg0, %c0_i32 : i32, i32
  }
}

</mosaic_0001>

<sc_bundles>
// kernel: kernel.11.cloned.1.call-start
scs
__scs_entry_jumppad:
0x0: {  	(pc) =	sbr.rel $0x88, $3  }
0x1: {  	(tag) =	ssettag $0x0;
	lr =	simm.s32 $0x1  }
0x2: {  	[smem:$0x3F98] =	sst lr;
	_ =	strace $0xD0000000  }
0x3: {  	_ = 	snop  }
0x4: {  	_ = 	snop  }
0x5: {  	_ = 	snop  }
0x6: {  	_ = 	snop  }
0x7: {  	_ = 	snop  }
__scs_overlays_trampoline_lowered:
0x8: {  	[smem:$0x3FA7] =	sst s0  }
0x9: {  	[smem:$0x3FA8] =	sst s1  }
0xa: {  	[smem:$0x3FA9] =	sst s2  }
0xb: {  	[smem:$0x3FAA] =	sst s3  }
0xc: {  	[smem:$0x3FAB] =	sst s4  }
0xd: {  	[smem:$0x3FAC] =	sst s5  }
0xe: {  	[smem:$0x3FAD] =	sst s6  }
0xf: {  	[smem:$0x3FAE] =	sst s7  }
0x10: {  	[smem:$0x3FAF] =	sst s8  }
0x11: {  	[smem:$0x3FB0] =	sst s9;
	s0 =	simm.s32 @!p0 $0x0  }
0x12: {  	s1 =	sld [smem:$0x3F96];
	s0 =	simm.s32 @p0 $0x1  }
0x13: {  	[smem:$0x3FB1] =	sst s0;
	s0 =	simm.s32 @!p1 $0x0  }
0x14: {  	s2 =	sld [smem:$0x3F95];
	s0 =	simm.s32 @p1 $0x1  }
0x15: {  	[smem:$0x3FB2] =	sst s0;
	s0 =	simm.s32 @!p2 $0x0  }
0x16: {  	s3 =	sld [smem:$0x3FDB];
	s0 =	simm.s32 @p2 $0x1  }
0x17: {  	s4 =	simm.s32 $0x1BF5;
	[smem:$0x3FB4] =	sst s0  }
0x18: {  	s0 =	sld [smem:$0x3F97];
	_ =	swait.ge [sflag:s4], $0x0  }
0x19: {  	s7 =	sld [smem:$0x3F98]  }
0x1a: {  	s8 =	sadd.s32 $0xFFFFE003, lr  }
0x1b: {  	s9 =	sadd.s32 $0xFFFFFEF7, lr;
	s5 =	simm.s32 $0xFFFFFFFF;
	p2 =	slt.u32 s8, $0xFFFFF086  }
0x1c: {  	p1 =	slt.u32 s9, $0xF7A;
	s5 =	simm.s32 @!p2 $0x0  }
0x1d: {  	s5 =	simm.s32 @p1 $0x1;
	p0 =	seq.s32 s7, s2  }
0x1e: {  	s7 =	smul.u32 @!p0 $0xF7A, s2;
	p2 =	seq.s32 @!p0 s5, $0x0  }
0x1f: {  	s9 =	smul.u32 $0xF7A, s1;
	s8 =	simm.s32 @!p0 $0x1BF5;
	p2 =	por !p2, p0  }
0x20: {  	[sflag:s8] =	ssyncset.s32 @!p0 $0xFFFFF086;
	s6 =	sadd.s32 @!p0 s3, s7;
	s7 =	simm.s32 @!p0 $0x108  }
0x21: {  	s3 =	sadd.s32 s3, s9;
	s6 =	sadd.s32 @!p0 $0x88, s6;
	s7 =	simm.s32 @p2 $0x1082  }
0x22: {  	[simem:s7], [sflag:s8] =	dma.local @!p0 [hbm:s6], $0xF7A  }
0x23: {  	s9 =	sor.u32 $0xD0000000, s2;
	s6 =	simm.s32 $0x108;
	_ =	swait.ge @!p0 [sflag:s8], $0x0  }
0x24: {  	s3 =	sadd.s32 $0x88, s3;
	s6 =	simm.s32 @!p1 $0x1082;
	[sflag:s4] =	ssyncset.s32 $0xFFFFF086  }
0x25: {  	[simem:s6], [sflag:s4] =	dma.local [hbm:s3], $0xF7A  }
0x26: {  	[smem:$0x3F98] =	sst s1;
	(tag) =	ssettag s2;
	_ =	strace s9  }
0x27: {  	s1 =	sld [smem:$0x3FA8]  }
0x28: {  	s2 =	sld [smem:$0x3FA9]  }
0x29: {  	s4 =	sld [smem:$0x3FAB]  }
0x2a: {  	p0 =	seq.s32 s5, $0x0;
	s5 =	sld [smem:$0x3FAC]  }
0x2b: {  	s6 =	sld [smem:$0x3FAD]  }
0x2c: {  	s7 =	sld [smem:$0x3FAE]  }
0x2d: {  	s3 =	simm.s32 $0x108;
	s8 =	sld [smem:$0x3FAF]  }
0x2e: {  	s3 =	simm.s32 @!p0 $0x1082;
	s9 =	sld [smem:$0x3FB0]  }
0x2f: {  	lr =	sadd.s32 s0, s3;
	s0 =	sld [smem:$0x3FA7]  }
0x30: {  	s3 =	sld [smem:$0x3FAA]  }
0x31: {  	[smem:$0x3FB3] =	sst s10  }
0x32: {  	s10 =	sld [smem:$0x3FB1];
	_ =	sdelay $0x3  }
0x33: {  	p0 =	seq.s32 s10, $0x1;
	s10 =	sld [smem:$0x3FB3];
	_ =	sdelay $0x3  }
0x34: {  	[smem:$0x3FB3] =	sst s10  }
0x35: {  	s10 =	sld [smem:$0x3FB2];
	_ =	sdelay $0x3  }
0x36: {  	p1 =	seq.s32 s10, $0x1;
	s10 =	sld [smem:$0x3FB3];
	_ =	sdelay $0x3  }
0x37: {  	[smem:$0x3FB3] =	sst s10  }
0x38: {  	s10 =	sld [smem:$0x3FB4]  }
0x39: {  	_ = 	snop;
	(pc) =	sbr.ind lr, $3  }
0x3a: {  	_ = 	snop  }
0x3b: {  	_ = 	snop  }
0x3c: {  	p2 =	seq.s32 s10, $0x1;
	s10 =	sld [smem:$0x3FB3]  }
0x3d: {  	_ =	shalt  }
0x3e: {  	_ =	shalt  }
0x3f: {  	_ =	shalt  }
0x40: {  	_ =	shalt  }
0x41: {  	_ =	shalt  }
0x42: {  	_ =	shalt  }
0x43: {  	_ =	shalt  }
0x44: {  	_ =	shalt  }
0x45: {  	_ =	shalt  }
0x46: {  	_ =	shalt  }
0x47: {  	_ =	shalt  }
0x48: {  	_ =	shalt  }
0x49: {  	_ =	shalt  }
0x4a: {  	_ =	shalt  }
0x4b: {  	_ =	shalt  }
0x4c: {  	_ =	shalt  }
0x4d: {  	_ =	shalt  }
0x4e: {  	_ =	shalt  }
0x4f: {  	_ =	shalt  }
0x50: {  	_ =	shalt  }
0x51: {  	_ =	shalt  }
0x52: {  	_ =	shalt  }
0x53: {  	_ =	shalt  }
0x54: {  	_ =	shalt  }
0x55: {  	_ =	shalt  }
0x56: {  	_ =	shalt  }
0x57: {  	_ =	shalt  }
0x58: {  	_ =	shalt  }
0x59: {  	_ =	shalt  }
0x5a: {  	_ =	shalt  }
0x5b: {  	_ =	shalt  }
0x5c: {  	_ =	shalt  }
0x5d: {  	_ =	shalt  }
0x5e: {  	_ =	shalt  }
0x5f: {  	_ =	shalt  }
0x60: {  	_ =	shalt  }
0x61: {  	_ =	shalt  }
0x62: {  	_ =	shalt  }
0x63: {  	_ =	shalt  }
0x64: {  	_ =	shalt  }
0x65: {  	_ =	shalt  }
0x66: {  	_ =	shalt  }
0x67: {  	_ =	shalt  }
0x68: {  	_ =	shalt  }
0x69: {  	_ =	shalt  }
0x6a: {  	_ =	shalt  }
0x6b: {  	_ =	shalt  }
0x6c: {  	_ =	shalt  }
0x6d: {  	_ =	shalt  }
0x6e: {  	_ =	shalt  }
0x6f: {  	_ =	shalt  }
0x70: {  	_ =	shalt  }
0x71: {  	_ =	shalt  }
0x72: {  	_ =	shalt  }
0x73: {  	_ =	shalt  }
0x74: {  	_ =	shalt  }
0x75: {  	_ =	shalt  }
0x76: {  	_ =	shalt  }
0x77: {  	_ =	shalt  }
0x78: {  	_ =	shalt  }
0x79: {  	_ =	shalt  }
0x7a: {  	_ =	shalt  }
0x7b: {  	_ =	shalt  }
0x7c: {  	_ =	shalt  }
0x7d: {  	_ =	shalt  }
0x7e: {  	_ =	shalt  }
0x7f: {  	_ =	shalt  }
0x80: {  	_ =	shalt  }
0x81: {  	_ =	shalt  }
0x82: {  	_ =	shalt  }
0x83: {  	_ =	shalt  }
0x84: {  	_ =	shalt  }
0x85: {  	_ =	shalt  }
0x86: {  	_ =	shalt  }
0x87: {  	_ =	shalt  }
.Lfunc_end0:
.L_simem_size_0:
called_computation.1_lowered:
.L_overlay_start_0:
0x88: {  	s2 =	sld [smem:$0x3FD9]  }
0x89: {  	s3 =	sld [smem:$0x3FFE];
	_ =	sdelay $0x1  }
0x8a: {  	s1 =	srdreg.scid  }
0x8b: {  	s0 =	sand.u32 $0x1, s1  }
0x8c: {  	s17 =	sshll.u32 s0, $0xA;
	s2 =	sadd.s32 s3, s2  }
0x8d: {  	s2 =	sadd.s32 s2, s17  }
0x8e: {  	[smem:$0x3FBF] =	sst s2  }
0x8f: {  	_ = 	snop  }
0x90: {  	s2 =	sld [smem:$0x3FD0];
	(tm) =	ssettm $0x1  }
0x91: {  	s18 =	sld [smem:$0x3FFB];
	_ =	sdelay $0x3  }
0x92: {  	_ =	strace s18  }
0x93: {  	s3 =	sld [smem:$0x3FFC];
	_ =	sdelay $0x3  }
0x94: {  	_ =	strace s3  }
0x95: {  	s3 =	sld [smem:$0x3FFD];
	_ =	sdelay $0x3  }
0x96: {  	_ =	strace s3  }
0x97: {  	_ =	strace $0x8FFFFFFF  }
0x98: {  	s19 =	sld [smem:$0x3FDB];
	_ =	sdelay $0x1  }
0x99: {  	s4 =	simm.s32 $_scs_section_size  }
0x9a: {  	s5 =	simm.s32 $_size__tile_overlayer_lowered;
	s6 =	simm.s32 $_tile_overlayer_lowered  }
0x9b: {  	s22 =	simm.s32 $0x1BFF;
	s21 =	sshll.u32 s6, $0x1;
	s3 =	sadd.s32 s4, s19  }
0x9c: {  	s7 =	simm.s32 $0x0;
	s20 =	sshll.u32 s5, $0x1;
	s5 =	sadd.s32 s21, s3  }
0x9d: {  	[timem:s7], [sflag:s22] =	dma.local [hbm:s5], s20  }
0x9e: {  	_ =	swait.ge [sflag:s22], s20  }
0x9f: {  	s4 =	ssub.s32 $0x0, s20;
	[sflag:s22] =	ssyncset.done $0x0  }
0xa0: {  	[sflag:s22] =	ssyncadd.s32 s4;
	_ =	sdelay $0x1  }
0xa1: {  	s23 =	simm.s32 $0x1B8B  }
0xa2: {  	_ =	swait.ge [sflag:s23], $0x1  }
0xa3: {  	[sflag:s23] =	ssyncset.done $0x0  }
0xa4: {  	s25 =	simm.s32 $0x1B8E;
	s24 =	sld [smem:$0x3FFE];
	[sflag:s23] =	ssyncadd.s32 $0xFFFFFFFF  }
0xa5: {  	s26 =	simm.s32 $execute0_lowered;
	[smem:$0x3FD2] =	sst s25  }
0xa6: {  	s5 =	sshll.u32 s26, $0x1;
	_ =	strace $0x80000049;
	[dreg:$0x1] =	wrdreg $0xFFFFFFFF  }
0xa7: {  	s28 =	simm.s32 $_size_execute0_lowered;
	s3 =	sadd.s32 s3, s5;
	[dreg:$0x0] =	wrdreg $0x0  }
0xa8: {  	s5 =	sshll.u32 s28, $0x1;
	[dreg:$0x2] =	wrdreg s3  }
0xa9: {  	[dreg:$0x3] =	wrdreg s5  }
0xaa: {  	[dreg:$0x4] =	wrdreg $0xC0  }
0xab: {  	_ =	task [dreg:s7], $0x5FFFF  }
0xac: {  	[dreg:$0x1] =	wrdreg $0xFFFFFFFF  }
0xad: {  	[dreg:$0x0] =	wrdreg $0x60  }
0xae: {  	[dreg:$0x2] =	wrdreg s24  }
0xaf: {  	[dreg:$0x3] =	wrdreg s2  }
0xb0: {  	[dreg:$0x4] =	wrdreg $0x90000  }
0xb1: {  	[dreg:$0x5] =	wrdreg $0x9  }
0xb2: {  	_ =	task.clear_ibuf [dreg:s7], $0x6FFFF;
	_ =	strace $0x90000049  }
0xb3: {  	s29 =	simm.s32 $0x9;
	_ =	strace $0x8000004B  }
0xb4: {  	_ =	swait.ge [sflag:s29], $0x1  }
0xb5: {  	[sflag:s29] =	ssyncadd.s32 $0xFFFFFFFF  }
0xb6: {  	_ =	strace $0x9000004B  }
0xb7: {  	_ =	sfence  }
0xb8: {  	s30 =	sld [smem:$0x0];
	_ =	sdelay $0x2  }
0xb9: {  	s31 =	sshll.u32 s1, $0xD;
	s1 =	sshrl.u32 s1, $0x2  }
0xba: {  	s3 =	sand.u32 $0x4000, s31;
	s1 =	sadd.s32 s1, s30  }
0xbb: {  	s0 =	sor.u32 s3, s0;
	s1 =	sshll.u32 s1, $0x11  }
0xbc: {  	s0 =	sor.u32 s1, s0  }
0xbd: {  	s0 =	sadd.s32 $0x8F2B, s0  }
0xbe: {  	[sflag:s0] =	ssyncadd.remote.s32 $0x1  }
0xbf: {  	_ =	sfence.sel $0xFFFF  }
0xc0: {  	[dreg:$0x0] =	wrdreg $0xFFFFFFFF;
	(pc) =	sbr.abs _section_cstart, $3  }
0xc1: {  	[dreg:$0x1] =	wrdreg $0xFFFFFFFF  }
0xc2: {  	_ =	task.clear_ibuf [dreg:s7], $0x2FFFF;
	_ =	strace $0x9FFFFFFF  }
0xc3: {  	(tm) =	ssettm $0x7FFFFFFF  }
tec
execute0_lowered:
.L_overlay_start_1:
0x0: {  	(tag) =	ssettag $0x1  }
0x1: {  	s0 =	rddreg [dreg:$0x0]  }
0x2: {  	s1 =	rddreg [dreg:$0x1]  }
0x3: {  	s2 =	rddreg [dreg:$0x2]  }
0x4: {  	s3 =	simm.s32 $0x0;
	s7 =	stileid.u32;
	s4 =	srdreg.scid  }
0x5: {  	s16 =	simm.s32 $0x5;
	s28 =	simm.s32 $0x8000;
	s29 =	simm.s32 $0x1  }
0x6: {  	s30 =	simm.s32 $0x5800;
	s31 =	simm.s32 $0x2;
	s17 =	simm.s32 $0x7800  }
0x7: {  	[smem:$0x7FF] =	sst s3;
	s6 =	smul.u32 $0x500, s7;
	s8 =	sand.u32 $0x1, s4  }
0x8: {  	s4 =	sadd.s32 $0x5C600, s0;
	s5 =	sadd.s32 $0x83800, s0;
	s12 =	smul.u32 $0x4E000, s7  }
0x9: {  	s21 =	sadd.s32 $0xAAA00, s0;
	s15 =	sadd.s32 $0xD1C00, s0;
	s13 =	smul.u32 $0x2700, s7  }
0xa: {  	s26 =	sshll.u32 s7, $0x6;
	p1 =	sne.s32 s7, $0xF;
	p2 =	seq.s32 s7, $0xF  }
0xb: {  	_ =	strace $0x8000004A;
	s9 =	ssub.s32 $0x2, s8;
	[dreg:$0x4] =	wrdreg s21  }
0xc: {  	p0 =	seq.s32 s8, $0x1;
	[dreg:$0x5] =	wrdreg s15;
	s18 =	sor.u32 $0x1C05, s26  }
0xd: {  	s10 =	sadd.s32 s6, s0;
	s11 =	sshrl.u32 s9, $0x1;
	s23 =	sshrl.u32 s12, $0x2  }
0xe: {  	s12 =	sadd.s32 $0x27000, s1;
	s24 =	sadd.s32 s21, s13;
	s25 =	sadd.s32 s15, s13  }
0xf: {  	s21 =	simm.s32 $0x20;
	s0 =	simm.s32 $0x6800;
	s22 =	ssub.s32 s9, s11  }
0x10: {  	s8 =	sadd.s32 $0x9000, s10;
	s9 =	sadd.s32 $0x4000, s10;
	s14 =	sadd.s32 s23, s2  }
.Ltmp0:
0x11: {  	s10 =	sadd.s32 s1, s13;
	[dreg:$0x6] =	wrdreg s24;
	(pc) =	sbr.rel .LBB2_1-.Ltmp0, $4  }
0x12: {  	s11 =	sadd.s32 $0x138000, s2;
	[dreg:$0x7] =	wrdreg s25;
	s23 =	simm.s32 $0x6000  }
0x13: {  	s25 =	simm.s32 $0x7000;
	s1 =	simm.s32 $0x3;
	s13 =	simm.s32 $0x4  }
0x14: {  	s24 =	simm.s32 $0x0;
	s15 =	smax.u32 s22, $0x1;
	s19 =	sshrl.u32 s14, $0x3  }
0x15: {  	vm0 =	vmmov $0xffff;
	s20 =	sshrl.u32 @!p1 s11, $0x3;
	s22 =	simm.s32 $0x5000;
	s14 =	simm.s32 $0x8800  }
.LBB2_8:
0x16: {  	s6 =	sadd.s32 $0x27000, s26;
	s7 =	sshrl.u32 s11, $0x3  }
0x17: {  	[hbm:s6], [sflag:s18] =	dma.local [spmem:s7], $0x100  }
0x18: {  	_ =	swait.ge [sflag:s16], $0x100  }
0x19: {  	[sflag:s16] =	ssyncset.done $0x0  }
0x1a: {  	[sflag:s16] =	ssyncadd.s32 $0xFFFFFF00  }
.LBB2_9:
0x1b: {  	s24 =	sadd.s32 $0x1, s24  }
0x1c: {  	p3 =	sne.s32 s24, s15  }
.Ltmp1:
0x1d: {  	_ = 	snop;
	(pc) =	sbr.rel @!p3 .LBB2_10-.Ltmp1, $1  }
0x1e: {  	_ =	sdelay $0x3  }
.LBB2_1:
0x1f: {  	[tilespmem:s3], [sflag:$0x5] =	stream.linear.gather [hbm4b:s8+s3], $0x2800, $0x38;
	[tilespmem:$0x1CA80] =	vst v63  }
0x20: {  	_ =	swait.ge [sflag:s16], $0x2800  }
0x21: {  	[sflag:s16] =	ssyncset.done $0x0  }
0x22: {  	s6 =	simm.s32 $0x2800;
	[sflag:s16] =	ssyncadd.s32 $0xFFFFD800  }
0x23: {  	[tilespmem:s6], [sflag:$0x5] =	stream.linear.gather [hbm4b:s9+s3], $0x2800, $0x38;
	[tilespmem:$0x1CA80] =	vst v63  }
0x24: {  	_ =	swait.ge [sflag:s16], $0x2800  }
0x25: {  	[sflag:s16] =	ssyncset.done $0x0  }
.Ltmp2:
0x26: {  	[sflag:s16] =	ssyncadd.s32 $0xFFFFD800;
	(pc) =	sbr.rel @!p0 .LBB2_2-.Ltmp2, $4  }
0x27: {  	[spmem:s19], [sflag:s18] =	dma.local [hbm:s10], $0x2700  }
0x28: {  	_ =	swait.ge [sflag:s16], $0x2700  }
0x29: {  	[sflag:s16] =	ssyncset.done $0x0  }
0x2a: {  	[sflag:s16] =	ssyncadd.s32 $0xFFFFD900  }
0x2b: {  	[spmem:s20], [sflag:s18] =	dma.local @!p1 [hbm:s12], $0x100  }
0x2c: {  	s6 =	simm.s32 @!p1 $0x5  }
0x2d: {  	_ =	swait.ge @!p1 [sflag:s6], $0x100  }
0x2e: {  	[sflag:s6] =	ssyncset.done @!p1 $0x0  }
0x2f: {  	[sflag:s6] =	ssyncadd.s32 @!p1 $0xFFFFFF00  }
0x30: {  	s26 =	simm.s32 $0x0;
	[bflag:$0x0] =	sbarrier.arrive $0xFFFF  }
0x31: {  	[tilespmem:s22], [sflag:$0x1] =	stream.indirect.gather [hbm4b:s5+s21], $0x80, s26, s21, $0xb8;
	[tilespmem:$0x1CA80] =	vst v63  }
0x32: {  	_ = 	snop  }
0x33: {  	[tilespmem:s23], [sflag:$0x2] =	stream.indirect.gather [hbm4b:s5+s21], $0x80, s21, s21, $0xb8;
	[tilespmem:$0x1CA80] =	vst v63  }
0x34: {  	s7 =	simm.s32 $0x40  }
0x35: {  	[tilespmem:s25], [sflag:$0x3] =	stream.indirect.gather [hbm4b:s5+s21], $0x80, s7, s21, $0xb8;
	[tilespmem:$0x1CA80] =	vst v63  }
0x36: {  	s7 =	simm.s32 $0x60  }
0x37: {  	[tilespmem:s28], [sflag:$0x4] =	stream.indirect.gather [hbm4b:s5+s21], $0x80, s7, s21, $0xb8;
	[tilespmem:$0x1CA80] =	vst v63  }
.LBB2_6:
0x38: {  	_ =	swait.ge [sflag:s29], $0x1000  }
0x39: {  	[sflag:s29] =	ssyncset.done $0x0  }
0x3a: {  	s6 =	sshra.s32 s26, $0x2;
	[sflag:s29] =	ssyncadd.s32 $0xFFFFF000  }
0x3b: {  	v0 =	vld [tilespmem:s6+$0x2800];
	_ =	sdelay $0x7  }
0x3c: {  	[spmem:s2] =	stream.indirect_vreg.scatter.add.f32 [tilespmem:s22], [sflag:$0x5], $0x80, v0, vm0, $0xb8;
	[tilespmem:$0x1CA80] =	vst v63  }
0x3d: {  	_ =	swait.ge [sflag:s16], $0x800  }
0x3e: {  	[sflag:s16] =	ssyncset.done $0x0  }
0x3f: {  	[sflag:s16] =	ssyncadd.s32 $0xFFFFF800  }
0x40: {  	v57 =	vld [tilespmem:s6+$0x2810];
	_ =	sdelay $0x7  }
0x41: {  	[spmem:s2] =	stream.indirect_vreg.scatter.add.f32 [tilespmem:s30], [sflag:$0x5], $0x80, v57, vm0, $0xb8;
	[tilespmem:$0x1CA80] =	vst v63  }
0x42: {  	_ =	swait.ge [sflag:s16], $0x800  }
0x43: {  	[sflag:s16] =	ssyncset.done $0x0  }
0x44: {  	s7 =	sadd.s32 $0x80, s6;
	[sflag:s16] =	ssyncadd.s32 $0xFFFFF800  }
0x45: {  	[tilespmem:s22], [sflag:$0x1] =	stream.indirect.gather [hbm4b:s5+s21], $0x80, s7, s21, $0xb8;
	[tilespmem:$0x1CA80] =	vst v63  }
0x46: {  	_ =	swait.ge [sflag:s31], $0x1000  }
0x47: {  	[sflag:s31] =	ssyncset.done $0x0  }
0x48: {  	[sflag:s31] =	ssyncadd.s32 $0xFFFFF000  }
0x49: {  	v58 =	vld [tilespmem:s6+$0x2820];
	_ =	sdelay $0x7  }
0x4a: {  	[spmem:s2] =	stream.indirect_vreg.scatter.add.f32 [tilespmem:s23], [sflag:$0x5], $0x80, v58, vm0, $0xb8;
	[tilespmem:$0x1CA80] =	vst v63  }
0x4b: {  	_ =	swait.ge [sflag:s16], $0x800  }
0x4c: {  	[sflag:s16] =	ssyncset.done $0x0  }
0x4d: {  	[sflag:s16] =	ssyncadd.s32 $0xFFFFF800  }
0x4e: {  	v59 =	vld [tilespmem:s6+$0x2830];
	_ =	sdelay $0x7  }
0x4f: {  	[spmem:s2] =	stream.indirect_vreg.scatter.add.f32 [tilespmem:s0], [sflag:$0x5], $0x80, v59, vm0, $0xb8;
	[tilespmem:$0x1CA80] =	vst v63  }
0x50: {  	_ =	swait.ge [sflag:s16], $0x800  }
0x51: {  	[sflag:s16] =	ssyncset.done $0x0  }
0x52: {  	s7 =	sadd.s32 $0xA0, s6;
	[sflag:s16] =	ssyncadd.s32 $0xFFFFF800  }
0x53: {  	[tilespmem:s23], [sflag:$0x2] =	stream.indirect.gather [hbm4b:s5+s21], $0x80, s7, s21, $0xb8;
	[tilespmem:$0x1CA80] =	vst v63  }
0x54: {  	_ =	swait.ge [sflag:s1], $0x1000  }
0x55: {  	[sflag:s1] =	ssyncset.done $0x0  }
0x56: {  	[sflag:s1] =	ssyncadd.s32 $0xFFFFF000  }
0x57: {  	v60 =	vld [tilespmem:s6+$0x2840];
	_ =	sdelay $0x7  }
0x58: {  	[spmem:s2] =	stream.indirect_vreg.scatter.add.f32 [tilespmem:s25], [sflag:$0x5], $0x80, v60, vm0, $0xb8;
	[tilespmem:$0x1CA80] =	vst v63  }
0x59: {  	_ =	swait.ge [sflag:s16], $0x800  }
0x5a: {  	[sflag:s16] =	ssyncset.done $0x0  }
0x5b: {  	[sflag:s16] =	ssyncadd.s32 $0xFFFFF800  }
0x5c: {  	v61 =	vld [tilespmem:s6+$0x2850];
	_ =	sdelay $0x7  }
0x5d: {  	[spmem:s2] =	stream.indirect_vreg.scatter.add.f32 [tilespmem:s17], [sflag:$0x5], $0x80, v61, vm0, $0xb8;
	[tilespmem:$0x1CA80] =	vst v63  }
0x5e: {  	_ =	swait.ge [sflag:s16], $0x800  }
0x5f: {  	[sflag:s16] =	ssyncset.done $0x0  }
0x60: {  	s7 =	sadd.s32 $0xC0, s6;
	[sflag:s16] =	ssyncadd.s32 $0xFFFFF800  }
0x61: {  	[tilespmem:s25], [sflag:$0x3] =	stream.indirect.gather [hbm4b:s5+s21], $0x80, s7, s21, $0xb8;
	[tilespmem:$0x1CA80] =	vst v63  }
0x62: {  	_ =	swait.ge [sflag:s13], $0x1000  }
0x63: {  	[sflag:s13] =	ssyncset.done $0x0  }
0x64: {  	[sflag:s13] =	ssyncadd.s32 $0xFFFFF000  }
0x65: {  	v62 =	vld [tilespmem:s6+$0x2860];
	_ =	sdelay $0x7  }
0x66: {  	[spmem:s2] =	stream.indirect_vreg.scatter.add.f32 [tilespmem:s28], [sflag:$0x5], $0x80, v62, vm0, $0xb8;
	[tilespmem:$0x1CA80] =	vst v63  }
0x67: {  	_ =	swait.ge [sflag:s16], $0x800  }
0x68: {  	[sflag:s16] =	ssyncset.done $0x0  }
0x69: {  	[sflag:s16] =	ssyncadd.s32 $0xFFFFF800  }
0x6a: {  	v63 =	vld [tilespmem:s6+$0x2870];
	_ =	sdelay $0x6  }
0x6b: {  	p3 =	sne.s32 s26, $0x9C00  }
0x6c: {  	[spmem:s2] =	stream.indirect_vreg.scatter.add.f32 [tilespmem:s14], [sflag:$0x5], $0x80, v63, vm0, $0xb8;
	[tilespmem:$0x1CA80] =	vst v63  }
.Ltmp3:
0x6d: {  	_ = 	snop;
	(pc) =	sbr.rel @p3 .LBB2_6-.Ltmp3, $4  }
0x6e: {  	_ =	swait.ge [sflag:s16], $0x800  }
0x6f: {  	[sflag:s16] =	ssyncset.done $0x0  }
0x70: {  	s26 =	sadd.s32 $0x200, s26;
	s6 =	sadd.s32 $0xE0, s6;
	[sflag:s16] =	ssyncadd.s32 $0xFFFFF800  }
0x71: {  	[tilespmem:s28], [sflag:$0x4] =	stream.indirect.gather [hbm4b:s5+s21], $0x80, s6, s21, $0xb8;
	[tilespmem:$0x1CA80] =	vst v63  }
0x72: {  	_ =	swait.ge [sflag:s29], $0x1000  }
0x73: {  	[sflag:s29] =	ssyncset.done $0x0  }
0x74: {  	[sflag:s29] =	ssyncadd.s32 $0xFFFFF000  }
0x75: {  	v0 =	vld [tilespmem:$0x4F80];
	_ =	sdelay $0x7  }
0x76: {  	[spmem:s2] =	stream.indirect_vreg.scatter.add.f32 [tilespmem:s22], [sflag:$0x5], $0x80, v0, vm0, $0xb8;
	[tilespmem:$0x1CA80] =	vst v63  }
0x77: {  	_ =	swait.ge [sflag:s16], $0x800  }
0x78: {  	[sflag:s16] =	ssyncset.done $0x0  }
0x79: {  	[sflag:s16] =	ssyncadd.s32 $0xFFFFF800  }
0x7a: {  	v57 =	vld [tilespmem:$0x4F90];
	_ =	sdelay $0x7  }
0x7b: {  	[spmem:s2] =	stream.indirect_vreg.scatter.add.f32 [tilespmem:s30], [sflag:$0x5], $0x80, v57, vm0, $0xb8;
	[tilespmem:$0x1CA80] =	vst v63  }
0x7c: {  	_ =	swait.ge [sflag:s16], $0x800  }
0x7d: {  	[sflag:s16] =	ssyncset.done $0x0  }
0x7e: {  	[sflag:s16] =	ssyncadd.s32 $0xFFFFF800  }
0x7f: {  	_ =	swait.ge [sflag:s31], $0x1000  }
0x80: {  	[sflag:s31] =	ssyncset.done $0x0  }
0x81: {  	[sflag:s31] =	ssyncadd.s32 $0xFFFFF000  }
0x82: {  	v58 =	vld [tilespmem:$0x4FA0];
	_ =	sdelay $0x7  }
0x83: {  	[spmem:s2] =	stream.indirect_vreg.scatter.add.f32 [tilespmem:s23], [sflag:$0x5], $0x80, v58, vm0, $0xb8;
	[tilespmem:$0x1CA80] =	vst v63  }
0x84: {  	_ =	swait.ge [sflag:s16], $0x800  }
0x85: {  	[sflag:s16] =	ssyncset.done $0x0  }
0x86: {  	[sflag:s16] =	ssyncadd.s32 $0xFFFFF800  }
0x87: {  	v59 =	vld [tilespmem:$0x4FB0];
	_ =	sdelay $0x7  }
0x88: {  	[spmem:s2] =	stream.indirect_vreg.scatter.add.f32 [tilespmem:s0], [sflag:$0x5], $0x80, v59, vm0, $0xb8;
	[tilespmem:$0x1CA80] =	vst v63  }
0x89: {  	_ =	swait.ge [sflag:s16], $0x800  }
0x8a: {  	[sflag:s16] =	ssyncset.done $0x0  }
0x8b: {  	[sflag:s16] =	ssyncadd.s32 $0xFFFFF800  }
0x8c: {  	_ =	swait.ge [sflag:s1], $0x1000  }
0x8d: {  	[sflag:s1] =	ssyncset.done $0x0  }
0x8e: {  	[sflag:s1] =	ssyncadd.s32 $0xFFFFF000  }
0x8f: {  	v60 =	vld [tilespmem:$0x4FC0];
	_ =	sdelay $0x7  }
0x90: {  	[spmem:s2] =	stream.indirect_vreg.scatter.add.f32 [tilespmem:s25], [sflag:$0x5], $0x80, v60, vm0, $0xb8;
	[tilespmem:$0x1CA80] =	vst v63  }
0x91: {  	_ =	swait.ge [sflag:s16], $0x800  }
0x92: {  	[sflag:s16] =	ssyncset.done $0x0  }
0x93: {  	[sflag:s16] =	ssyncadd.s32 $0xFFFFF800  }
0x94: {  	v61 =	vld [tilespmem:$0x4FD0];
	_ =	sdelay $0x7  }
0x95: {  	[spmem:s2] =	stream.indirect_vreg.scatter.add.f32 [tilespmem:s17], [sflag:$0x5], $0x80, v61, vm0, $0xb8;
	[tilespmem:$0x1CA80] =	vst v63  }
0x96: {  	_ =	swait.ge [sflag:s16], $0x800  }
0x97: {  	[sflag:s16] =	ssyncset.done $0x0  }
0x98: {  	[sflag:s16] =	ssyncadd.s32 $0xFFFFF800  }
0x99: {  	_ =	swait.ge [sflag:s13], $0x1000  }
0x9a: {  	[sflag:s13] =	ssyncset.done $0x0  }
0x9b: {  	[sflag:s13] =	ssyncadd.s32 $0xFFFFF000  }
0x9c: {  	v62 =	vld [tilespmem:$0x4FE0];
	_ =	sdelay $0x7  }
0x9d: {  	[spmem:s2] =	stream.indirect_vreg.scatter.add.f32 [tilespmem:s28], [sflag:$0x5], $0x80, v62, vm0, $0xb8;
	[tilespmem:$0x1CA80] =	vst v63  }
0x9e: {  	_ =	swait.ge [sflag:s16], $0x800  }
0x9f: {  	[sflag:s16] =	ssyncset.done $0x0  }
0xa0: {  	[sflag:s16] =	ssyncadd.s32 $0xFFFFF800  }
0xa1: {  	v63 =	vld [tilespmem:$0x4FF0];
	_ =	sdelay $0x7  }
0xa2: {  	[spmem:s2] =	stream.indirect_vreg.scatter.add.f32 [tilespmem:s14], [sflag:$0x5], $0x80, v63, vm0, $0xb8;
	[tilespmem:$0x1CA80] =	vst v63  }
0xa3: {  	_ =	swait.ge [sflag:s16], $0x800  }
0xa4: {  	[sflag:s16] =	ssyncset.done $0x0  }
0xa5: {  	[sflag:s16] =	ssyncadd.s32 $0xFFFFF800  }
0xa6: {  	[bflag:$0x0] =	sbarrier.arrive $0xFFFF  }
0xa7: {  	s6 =	rddreg [dreg:$0x7]  }
0xa8: {  	[hbm:s6], [sflag:s18] =	dma.local [spmem:s19], $0x2700  }
.Ltmp4:
0xa9: {  	_ = 	snop;
	(pc) =	sbr.rel @p1 .LBB2_9-.Ltmp4, $4  }
.Ltmp5:
0xaa: {  	_ = 	snop;
	(pc) =	sbr.rel @!p1 .LBB2_8-.Ltmp5, $4  }
0xab: {  	_ =	swait.ge [sflag:s16], $0x2700  }
0xac: {  	[sflag:s16] =	ssyncset.done $0x0  }
0xad: {  	s26 =	rddreg [dreg:$0x5];
	[sflag:s16] =	ssyncadd.s32 $0xFFFFD900  }
0xae: {  	_ = 	snop  }
.LBB2_2:
0xaf: {  	[spmem:s20], [sflag:s18] =	dma.local @!p1 [hbm:s12], $0x100  }
0xb0: {  	s26 =	simm.s32 @!p1 $0x5  }
0xb1: {  	_ =	swait.ge @!p1 [sflag:s26], $0x100  }
0xb2: {  	[sflag:s26] =	ssyncset.done @!p1 $0x0  }
0xb3: {  	[sflag:s26] =	ssyncadd.s32 @!p1 $0xFFFFFF00  }
0xb4: {  	s26 =	simm.s32 $0x0;
	[bflag:$0x0] =	sbarrier.arrive $0xFFFF  }
0xb5: {  	[tilespmem:s22], [sflag:$0x1] =	stream.indirect.gather [hbm4b:s4+s21], $0x80, s26, s21, $0xb8;
	[tilespmem:$0x1CA80] =	vst v63  }
0xb6: {  	_ = 	snop  }
0xb7: {  	[tilespmem:s23], [sflag:$0x2] =	stream.indirect.gather [hbm4b:s4+s21], $0x80, s21, s21, $0xb8;
	[tilespmem:$0x1CA80] =	vst v63  }
0xb8: {  	s6 =	simm.s32 $0x40  }
0xb9: {  	[tilespmem:s25], [sflag:$0x3] =	stream.indirect.gather [hbm4b:s4+s21], $0x80, s6, s21, $0xb8;
	[tilespmem:$0x1CA80] =	vst v63  }
0xba: {  	s7 =	simm.s32 $0x60  }
0xbb: {  	[tilespmem:s28], [sflag:$0x4] =	stream.indirect.gather [hbm4b:s4+s21], $0x80, s7, s21, $0xb8;
	[tilespmem:$0x1CA80] =	vst v63  }
.LBB2_3:
0xbc: {  	_ =	swait.ge [sflag:s29], $0x1000  }
0xbd: {  	[sflag:s29] =	ssyncset.done $0x0  }
0xbe: {  	s6 =	sshra.s32 s26, $0x2;
	[sflag:s29] =	ssyncadd.s32 $0xFFFFF000  }
0xbf: {  	v0 =	vld [tilespmem:s6+$0x2800];
	_ =	sdelay $0x7  }
0xc0: {  	[spmem:s2] =	stream.indirect_vreg.scatter.add.f32 [tilespmem:s22], [sflag:$0x5], $0x80, v0, vm0, $0xb8;
	[tilespmem:$0x1CA80] =	vst v63  }
0xc1: {  	_ =	swait.ge [sflag:s16], $0x800  }
0xc2: {  	[sflag:s16] =	ssyncset.done $0x0  }
0xc3: {  	[sflag:s16] =	ssyncadd.s32 $0xFFFFF800  }
0xc4: {  	v57 =	vld [tilespmem:s6+$0x2810];
	_ =	sdelay $0x7  }
0xc5: {  	[spmem:s2] =	stream.indirect_vreg.scatter.add.f32 [tilespmem:s30], [sflag:$0x5], $0x80, v57, vm0, $0xb8;
	[tilespmem:$0x1CA80] =	vst v63  }
0xc6: {  	_ =	swait.ge [sflag:s16], $0x800  }
0xc7: {  	[sflag:s16] =	ssyncset.done $0x0  }
0xc8: {  	s7 =	sadd.s32 $0x80, s6;
	[sflag:s16] =	ssyncadd.s32 $0xFFFFF800  }
0xc9: {  	[tilespmem:s22], [sflag:$0x1] =	stream.indirect.gather [hbm4b:s4+s21], $0x80, s7, s21, $0xb8;
	[tilespmem:$0x1CA80] =	vst v63  }
0xca: {  	_ =	swait.ge [sflag:s31], $0x1000  }
0xcb: {  	[sflag:s31] =	ssyncset.done $0x0  }
0xcc: {  	[sflag:s31] =	ssyncadd.s32 $0xFFFFF000  }
0xcd: {  	v58 =	vld [tilespmem:s6+$0x2820];
	_ =	sdelay $0x7  }
0xce: {  	[spmem:s2] =	stream.indirect_vreg.scatter.add.f32 [tilespmem:s23], [sflag:$0x5], $0x80, v58, vm0, $0xb8;
	[tilespmem:$0x1CA80] =	vst v63  }
0xcf: {  	_ =	swait.ge [sflag:s16], $0x800  }
0xd0: {  	[sflag:s16] =	ssyncset.done $0x0  }
0xd1: {  	[sflag:s16] =	ssyncadd.s32 $0xFFFFF800  }
0xd2: {  	v59 =	vld [tilespmem:s6+$0x2830];
	_ =	sdelay $0x7  }
0xd3: {  	[spmem:s2] =	stream.indirect_vreg.scatter.add.f32 [tilespmem:s0], [sflag:$0x5], $0x80, v59, vm0, $0xb8;
	[tilespmem:$0x1CA80] =	vst v63  }
0xd4: {  	_ =	swait.ge [sflag:s16], $0x800  }
0xd5: {  	[sflag:s16] =	ssyncset.done $0x0  }
0xd6: {  	s7 =	sadd.s32 $0xA0, s6;
	[sflag:s16] =	ssyncadd.s32 $0xFFFFF800  }
0xd7: {  	[tilespmem:s23], [sflag:$0x2] =	stream.indirect.gather [hbm4b:s4+s21], $0x80, s7, s21, $0xb8;
	[tilespmem:$0x1CA80] =	vst v63  }
0xd8: {  	_ =	swait.ge [sflag:s1], $0x1000  }
0xd9: {  	[sflag:s1] =	ssyncset.done $0x0  }
0xda: {  	[sflag:s1] =	ssyncadd.s32 $0xFFFFF000  }
0xdb: {  	v60 =	vld [tilespmem:s6+$0x2840];
	_ =	sdelay $0x7  }
0xdc: {  	[spmem:s2] =	stream.indirect_vreg.scatter.add.f32 [tilespmem:s25], [sflag:$0x5], $0x80, v60, vm0, $0xb8;
	[tilespmem:$0x1CA80] =	vst v63  }
0xdd: {  	_ =	swait.ge [sflag:s16], $0x800  }
0xde: {  	[sflag:s16] =	ssyncset.done $0x0  }
0xdf: {  	[sflag:s16] =	ssyncadd.s32 $0xFFFFF800  }
0xe0: {  	v61 =	vld [tilespmem:s6+$0x2850];
	_ =	sdelay $0x7  }
0xe1: {  	[spmem:s2] =	stream.indirect_vreg.scatter.add.f32 [tilespmem:s17], [sflag:$0x5], $0x80, v61, vm0, $0xb8;
	[tilespmem:$0x1CA80] =	vst v63  }
0xe2: {  	_ =	swait.ge [sflag:s16], $0x800  }
0xe3: {  	[sflag:s16] =	ssyncset.done $0x0  }
0xe4: {  	s7 =	sadd.s32 $0xC0, s6;
	[sflag:s16] =	ssyncadd.s32 $0xFFFFF800  }
0xe5: {  	[tilespmem:s25], [sflag:$0x3] =	stream.indirect.gather [hbm4b:s4+s21], $0x80, s7, s21, $0xb8;
	[tilespmem:$0x1CA80] =	vst v63  }
0xe6: {  	_ =	swait.ge [sflag:s13], $0x1000  }
0xe7: {  	[sflag:s13] =	ssyncset.done $0x0  }
0xe8: {  	[sflag:s13] =	ssyncadd.s32 $0xFFFFF000  }
0xe9: {  	v62 =	vld [tilespmem:s6+$0x2860];
	_ =	sdelay $0x7  }
0xea: {  	[spmem:s2] =	stream.indirect_vreg.scatter.add.f32 [tilespmem:s28], [sflag:$0x5], $0x80, v62, vm0, $0xb8;
	[tilespmem:$0x1CA80] =	vst v63  }
0xeb: {  	_ =	swait.ge [sflag:s16], $0x800  }
0xec: {  	[sflag:s16] =	ssyncset.done $0x0  }
0xed: {  	[sflag:s16] =	ssyncadd.s32 $0xFFFFF800  }
0xee: {  	v63 =	vld [tilespmem:s6+$0x2870];
	_ =	sdelay $0x6  }
0xef: {  	p3 =	sne.s32 s26, $0x9C00  }
0xf0: {  	[spmem:s2] =	stream.indirect_vreg.scatter.add.f32 [tilespmem:s14], [sflag:$0x5], $0x80, v63, vm0, $0xb8;
	[tilespmem:$0x1CA80] =	vst v63  }
.Ltmp6:
0xf1: {  	_ = 	snop;
	(pc) =	sbr.rel @p3 .LBB2_3-.Ltmp6, $4  }
0xf2: {  	_ =	swait.ge [sflag:s16], $0x800  }
0xf3: {  	[sflag:s16] =	ssyncset.done $0x0  }
0xf4: {  	s26 =	sadd.s32 $0x200, s26;
	s6 =	sadd.s32 $0xE0, s6;
	[sflag:s16] =	ssyncadd.s32 $0xFFFFF800  }
0xf5: {  	[tilespmem:s28], [sflag:$0x4] =	stream.indirect.gather [hbm4b:s4+s21], $0x80, s6, s21, $0xb8;
	[tilespmem:$0x1CA80] =	vst v63  }
0xf6: {  	_ =	swait.ge [sflag:s29], $0x1000  }
0xf7: {  	[sflag:s29] =	ssyncset.done $0x0  }
0xf8: {  	[sflag:s29] =	ssyncadd.s32 $0xFFFFF000  }
0xf9: {  	v0 =	vld [tilespmem:$0x4F80];
	_ =	sdelay $0x7  }
0xfa: {  	[spmem:s2] =	stream.indirect_vreg.scatter.add.f32 [tilespmem:s22], [sflag:$0x5], $0x80, v0, vm0, $0xb8;
	[tilespmem:$0x1CA80] =	vst v63  }
0xfb: {  	_ =	swait.ge [sflag:s16], $0x800  }
0xfc: {  	[sflag:s16] =	ssyncset.done $0x0  }
0xfd: {  	[sflag:s16] =	ssyncadd.s32 $0xFFFFF800  }
0xfe: {  	v57 =	vld [tilespmem:$0x4F90];
	_ =	sdelay $0x7  }
0xff: {  	[spmem:s2] =	stream.indirect_vreg.scatter.add.f32 [tilespmem:s30], [sflag:$0x5], $0x80, v57, vm0, $0xb8;
	[tilespmem:$0x1CA80] =	vst v63  }
0x100: {  	_ =	swait.ge [sflag:s16], $0x800  }
0x101: {  	[sflag:s16] =	ssyncset.done $0x0  }
0x102: {  	[sflag:s16] =	ssyncadd.s32 $0xFFFFF800  }
0x103: {  	_ =	swait.ge [sflag:s31], $0x1000  }
0x104: {  	[sflag:s31] =	ssyncset.done $0x0  }
0x105: {  	[sflag:s31] =	ssyncadd.s32 $0xFFFFF000  }
0x106: {  	v58 =	vld [tilespmem:$0x4FA0];
	_ =	sdelay $0x7  }
0x107: {  	[spmem:s2] =	stream.indirect_vreg.scatter.add.f32 [tilespmem:s23], [sflag:$0x5], $0x80, v58, vm0, $0xb8;
	[tilespmem:$0x1CA80] =	vst v63  }
0x108: {  	_ =	swait.ge [sflag:s16], $0x800  }
0x109: {  	[sflag:s16] =	ssyncset.done $0x0  }
0x10a: {  	[sflag:s16] =	ssyncadd.s32 $0xFFFFF800  }
0x10b: {  	v59 =	vld [tilespmem:$0x4FB0];
	_ =	sdelay $0x7  }
0x10c: {  	[spmem:s2] =	stream.indirect_vreg.scatter.add.f32 [tilespmem:s0], [sflag:$0x5], $0x80, v59, vm0, $0xb8;
	[tilespmem:$0x1CA80] =	vst v63  }
0x10d: {  	_ =	swait.ge [sflag:s16], $0x800  }
0x10e: {  	[sflag:s16] =	ssyncset.done $0x0  }
0x10f: {  	[sflag:s16] =	ssyncadd.s32 $0xFFFFF800  }
0x110: {  	_ =	swait.ge [sflag:s1], $0x1000  }
0x111: {  	[sflag:s1] =	ssyncset.done $0x0  }
0x112: {  	[sflag:s1] =	ssyncadd.s32 $0xFFFFF000  }
0x113: {  	v60 =	vld [tilespmem:$0x4FC0];
	_ =	sdelay $0x7  }
0x114: {  	[spmem:s2] =	stream.indirect_vreg.scatter.add.f32 [tilespmem:s25], [sflag:$0x5], $0x80, v60, vm0, $0xb8;
	[tilespmem:$0x1CA80] =	vst v63  }
0x115: {  	_ =	swait.ge [sflag:s16], $0x800  }
0x116: {  	[sflag:s16] =	ssyncset.done $0x0  }
0x117: {  	[sflag:s16] =	ssyncadd.s32 $0xFFFFF800  }
0x118: {  	v61 =	vld [tilespmem:$0x4FD0];
	_ =	sdelay $0x7  }
0x119: {  	[spmem:s2] =	stream.indirect_vreg.scatter.add.f32 [tilespmem:s17], [sflag:$0x5], $0x80, v61, vm0, $0xb8;
	[tilespmem:$0x1CA80] =	vst v63  }
0x11a: {  	_ =	swait.ge [sflag:s16], $0x800  }
0x11b: {  	[sflag:s16] =	ssyncset.done $0x0  }
0x11c: {  	[sflag:s16] =	ssyncadd.s32 $0xFFFFF800  }
0x11d: {  	_ =	swait.ge [sflag:s13], $0x1000  }
0x11e: {  	[sflag:s13] =	ssyncset.done $0x0  }
0x11f: {  	[sflag:s13] =	ssyncadd.s32 $0xFFFFF000  }
0x120: {  	v62 =	vld [tilespmem:$0x4FE0];
	_ =	sdelay $0x7  }
0x121: {  	[spmem:s2] =	stream.indirect_vreg.scatter.add.f32 [tilespmem:s28], [sflag:$0x5], $0x80, v62, vm0, $0xb8;
	[tilespmem:$0x1CA80] =	vst v63  }
0x122: {  	_ =	swait.ge [sflag:s16], $0x800  }
0x123: {  	[sflag:s16] =	ssyncset.done $0x0  }
0x124: {  	[sflag:s16] =	ssyncadd.s32 $0xFFFFF800  }
0x125: {  	v63 =	vld [tilespmem:$0x4FF0];
	_ =	sdelay $0x7  }
0x126: {  	[spmem:s2] =	stream.indirect_vreg.scatter.add.f32 [tilespmem:s14], [sflag:$0x5], $0x80, v63, vm0, $0xb8;
	[tilespmem:$0x1CA80] =	vst v63  }
0x127: {  	_ =	swait.ge [sflag:s16], $0x800  }
0x128: {  	[sflag:s16] =	ssyncset.done $0x0  }
0x129: {  	[sflag:s16] =	ssyncadd.s32 $0xFFFFF800  }
0x12a: {  	[bflag:$0x0] =	sbarrier.arrive $0xFFFF  }
0x12b: {  	s6 =	rddreg [dreg:$0x6]  }
0x12c: {  	[hbm:s6], [sflag:s18] =	dma.local [spmem:s19], $0x2700  }
.Ltmp7:
0x12d: {  	_ = 	snop;
	(pc) =	sbr.rel @p2 .LBB2_8-.Ltmp7, $4  }
.Ltmp8:
0x12e: {  	_ = 	snop;
	(pc) =	sbr.rel @!p2 .LBB2_9-.Ltmp8, $4  }
0x12f: {  	_ =	swait.ge [sflag:s16], $0x2700  }
0x130: {  	[sflag:s16] =	ssyncset.done $0x0  }
0x131: {  	s26 =	rddreg [dreg:$0x4];
	[sflag:s16] =	ssyncadd.s32 $0xFFFFD900  }
0x132: {  	_ = 	snop  }
.LBB2_10:
0x133: {  	_ =	sfence.sel $0x180000  }
0x134: {  	[bflag:$0x0] =	sbarrier.arrive $0xFFFF  }
0x135: {  	_ =	strace $0x9000004A  }
0x136: {  	s0 =	stileid.u32;
	[bflag:$0x2] =	sbarrier.arrive $0xFFFF  }
0x137: {  	p0 =	sne.s32 s0, $0x0;
	s0 =	rddreg [dreg:$0x3]  }
0x138: {  	s0 =	sadd.s32 @!p0 $0x100000, s0  }
0x139: {  	[sflag:s0] =	ssyncadd.tile.s32 @!p0 $0x1;
	_ =	shalt  }
.Lfunc_end2:
_tile_overlayer_lowered:
.L_overlay_start_2:
0x13a: {  	(tag) =	ssettag $0x2  }
0x13b: {  	s0 =	rddreg [dreg:$0x0];
	s2 =	stileid.u32  }
0x13c: {  	s1 =	rddreg [dreg:$0x1];
	p0 =	sne.s32 s2, $0x0  }
0x13d: {  	s3 =	rddreg [dreg:$0x2];
	[bflag:$0x3] =	sbarrier.arrive $0xFFFF;
	s2 =	simm.s32 @!p0 $0x1C05  }
0x13e: {  	[timem:s3], [sflag:s2] =	dma.local @!p0 [hbm:s0], s1  }
0x13f: {  	s0 =	simm.s32 @!p0 $0x5  }
0x140: {  	_ =	swait.ge @!p0 [sflag:s0], s1  }
0x141: {  	s1 =	ssub.s32 @!p0 $0x0, s1;
	[sflag:s0] =	ssyncset.done @!p0 $0x0  }
0x142: {  	[sflag:s0] =	ssyncadd.s32 @!p0 s1  }
0x143: {  	[bflag:$0x3] =	sbarrier.arrive $0xFFFF  }
0x144: {  	_ =	shalt  }

// kernel: kernel.14.cloned.1.call-start
scs
__scs_entry_jumppad:
0x0: {  	(pc) =	sbr.rel $0x88, $3  }
0x1: {  	(tag) =	ssettag $0x0;
	lr =	simm.s32 $0x1  }
0x2: {  	[smem:$0x3F98] =	sst lr;
	_ =	strace $0xD0000000  }
0x3: {  	_ = 	snop  }
0x4: {  	_ = 	snop  }
0x5: {  	_ = 	snop  }
0x6: {  	_ = 	snop  }
0x7: {  	_ = 	snop  }
__scs_overlays_trampoline_lowered:
0x8: {  	[smem:$0x3FA7] =	sst s0  }
0x9: {  	[smem:$0x3FA8] =	sst s1  }
0xa: {  	[smem:$0x3FA9] =	sst s2  }
0xb: {  	[smem:$0x3FAA] =	sst s3  }
0xc: {  	[smem:$0x3FAB] =	sst s4  }
0xd: {  	[smem:$0x3FAC] =	sst s5  }
0xe: {  	[smem:$0x3FAD] =	sst s6  }
0xf: {  	[smem:$0x3FAE] =	sst s7  }
0x10: {  	[smem:$0x3FAF] =	sst s8  }
0x11: {  	[smem:$0x3FB0] =	sst s9;
	s0 =	simm.s32 @!p0 $0x0  }
0x12: {  	s1 =	sld [smem:$0x3F96];
	s0 =	simm.s32 @p0 $0x1  }
0x13: {  	[smem:$0x3FB1] =	sst s0;
	s0 =	simm.s32 @!p1 $0x0  }
0x14: {  	s2 =	sld [smem:$0x3F95];
	s0 =	simm.s32 @p1 $0x1  }
0x15: {  	[smem:$0x3FB2] =	sst s0;
	s0 =	simm.s32 @!p2 $0x0  }
0x16: {  	s3 =	sld [smem:$0x3FDB];
	s0 =	simm.s32 @p2 $0x1  }
0x17: {  	s4 =	simm.s32 $0x1BF5;
	[smem:$0x3FB4] =	sst s0  }
0x18: {  	s0 =	sld [smem:$0x3F97];
	_ =	swait.ge [sflag:s4], $0x0  }
0x19: {  	s7 =	sld [smem:$0x3F98]  }
0x1a: {  	s8 =	sadd.s32 $0xFFFFE003, lr  }
0x1b: {  	s9 =	sadd.s32 $0xFFFFFEF7, lr;
	s5 =	simm.s32 $0xFFFFFFFF;
	p2 =	slt.u32 s8, $0xFFFFF086  }
0x1c: {  	p1 =	slt.u32 s9, $0xF7A;
	s5 =	simm.s32 @!p2 $0x0  }
0x1d: {  	s5 =	simm.s32 @p1 $0x1;
	p0 =	seq.s32 s7, s2  }
0x1e: {  	s7 =	smul.u32 @!p0 $0xF7A, s2;
	p2 =	seq.s32 @!p0 s5, $0x0  }
0x1f: {  	s9 =	smul.u32 $0xF7A, s1;
	s8 =	simm.s32 @!p0 $0x1BF5;
	p2 =	por !p2, p0  }
0x20: {  	[sflag:s8] =	ssyncset.s32 @!p0 $0xFFFFF086;
	s6 =	sadd.s32 @!p0 s3, s7;
	s7 =	simm.s32 @!p0 $0x108  }
0x21: {  	s3 =	sadd.s32 s3, s9;
	s6 =	sadd.s32 @!p0 $0x88, s6;
	s7 =	simm.s32 @p2 $0x1082  }
0x22: {  	[simem:s7], [sflag:s8] =	dma.local @!p0 [hbm:s6], $0xF7A  }
0x23: {  	s9 =	sor.u32 $0xD0000000, s2;
	s6 =	simm.s32 $0x108;
	_ =	swait.ge @!p0 [sflag:s8], $0x0  }
0x24: {  	s3 =	sadd.s32 $0x88, s3;
	s6 =	simm.s32 @!p1 $0x1082;
	[sflag:s4] =	ssyncset.s32 $0xFFFFF086  }
0x25: {  	[simem:s6], [sflag:s4] =	dma.local [hbm:s3], $0xF7A  }
0x26: {  	[smem:$0x3F98] =	sst s1;
	(tag) =	ssettag s2;
	_ =	strace s9  }
0x27: {  	s1 =	sld [smem:$0x3FA8]  }
0x28: {  	s2 =	sld [smem:$0x3FA9]  }
0x29: {  	s4 =	sld [smem:$0x3FAB]  }
0x2a: {  	p0 =	seq.s32 s5, $0x0;
	s5 =	sld [smem:$0x3FAC]  }
0x2b: {  	s6 =	sld [smem:$0x3FAD]  }
0x2c: {  	s7 =	sld [smem:$0x3FAE]  }
0x2d: {  	s3 =	simm.s32 $0x108;
	s8 =	sld [smem:$0x3FAF]  }
0x2e: {  	s3 =	simm.s32 @!p0 $0x1082;
	s9 =	sld [smem:$0x3FB0]  }
0x2f: {  	lr =	sadd.s32 s0, s3;
	s0 =	sld [smem:$0x3FA7]  }
0x30: {  	s3 =	sld [smem:$0x3FAA]  }
0x31: {  	[smem:$0x3FB3] =	sst s10  }
0x32: {  	s10 =	sld [smem:$0x3FB1];
	_ =	sdelay $0x3  }
0x33: {  	p0 =	seq.s32 s10, $0x1;
	s10 =	sld [smem:$0x3FB3];
	_ =	sdelay $0x3  }
0x34: {  	[smem:$0x3FB3] =	sst s10  }
0x35: {  	s10 =	sld [smem:$0x3FB2];
	_ =	sdelay $0x3  }
0x36: {  	p1 =	seq.s32 s10, $0x1;
	s10 =	sld [smem:$0x3FB3];
	_ =	sdelay $0x3  }
0x37: {  	[smem:$0x3FB3] =	sst s10  }
0x38: {  	s10 =	sld [smem:$0x3FB4]  }
0x39: {  	_ = 	snop;
	(pc) =	sbr.ind lr, $3  }
0x3a: {  	_ = 	snop  }
0x3b: {  	_ = 	snop  }
0x3c: {  	p2 =	seq.s32 s10, $0x1;
	s10 =	sld [smem:$0x3FB3]  }
0x3d: {  	_ =	shalt  }
0x3e: {  	_ =	shalt  }
0x3f: {  	_ =	shalt  }
0x40: {  	_ =	shalt  }
0x41: {  	_ =	shalt  }
0x42: {  	_ =	shalt  }
0x43: {  	_ =	shalt  }
0x44: {  	_ =	shalt  }
0x45: {  	_ =	shalt  }
0x46: {  	_ =	shalt  }
0x47: {  	_ =	shalt  }
0x48: {  	_ =	shalt  }
0x49: {  	_ =	shalt  }
0x4a: {  	_ =	shalt  }
0x4b: {  	_ =	shalt  }
0x4c: {  	_ =	shalt  }
0x4d: {  	_ =	shalt  }
0x4e: {  	_ =	shalt  }
0x4f: {  	_ =	shalt  }
0x50: {  	_ =	shalt  }
0x51: {  	_ =	shalt  }
0x52: {  	_ =	shalt  }
0x53: {  	_ =	shalt  }
0x54: {  	_ =	shalt  }
0x55: {  	_ =	shalt  }
0x56: {  	_ =	shalt  }
0x57: {  	_ =	shalt  }
0x58: {  	_ =	shalt  }
0x59: {  	_ =	shalt  }
0x5a: {  	_ =	shalt  }
0x5b: {  	_ =	shalt  }
0x5c: {  	_ =	shalt  }
0x5d: {  	_ =	shalt  }
0x5e: {  	_ =	shalt  }
0x5f: {  	_ =	shalt  }
0x60: {  	_ =	shalt  }
0x61: {  	_ =	shalt  }
0x62: {  	_ =	shalt  }
0x63: {  	_ =	shalt  }
0x64: {  	_ =	shalt  }
0x65: {  	_ =	shalt  }
0x66: {  	_ =	shalt  }
0x67: {  	_ =	shalt  }
0x68: {  	_ =	shalt  }
0x69: {  	_ =	shalt  }
0x6a: {  	_ =	shalt  }
0x6b: {  	_ =	shalt  }
0x6c: {  	_ =	shalt  }
0x6d: {  	_ =	shalt  }
0x6e: {  	_ =	shalt  }
0x6f: {  	_ =	shalt  }
0x70: {  	_ =	shalt  }
0x71: {  	_ =	shalt  }
0x72: {  	_ =	shalt  }
0x73: {  	_ =	shalt  }
0x74: {  	_ =	shalt  }
0x75: {  	_ =	shalt  }
0x76: {  	_ =	shalt  }
0x77: {  	_ =	shalt  }
0x78: {  	_ =	shalt  }
0x79: {  	_ =	shalt  }
0x7a: {  	_ =	shalt  }
0x7b: {  	_ =	shalt  }
0x7c: {  	_ =	shalt  }
0x7d: {  	_ =	shalt  }
0x7e: {  	_ =	shalt  }
0x7f: {  	_ =	shalt  }
0x80: {  	_ =	shalt  }
0x81: {  	_ =	shalt  }
0x82: {  	_ =	shalt  }
0x83: {  	_ =	shalt  }
0x84: {  	_ =	shalt  }
0x85: {  	_ =	shalt  }
0x86: {  	_ =	shalt  }
0x87: {  	_ =	shalt  }
.Lfunc_end0:
.L_simem_size_0:
called_computation.2_lowered:
.L_overlay_start_0:
0x88: {  	s2 =	sld [smem:$0x3FD9]  }
0x89: {  	s3 =	sld [smem:$0x3FFE];
	_ =	sdelay $0x1  }
0x8a: {  	s1 =	srdreg.scid  }
0x8b: {  	s0 =	sand.u32 $0x1, s1  }
0x8c: {  	s17 =	sshll.u32 s0, $0xA;
	s2 =	sadd.s32 s3, s2  }
0x8d: {  	s2 =	sadd.s32 s2, s17  }
0x8e: {  	[smem:$0x3FBF] =	sst s2  }
0x8f: {  	_ = 	snop  }
0x90: {  	s2 =	sld [smem:$0x3FD0];
	(tm) =	ssettm $0x1  }
0x91: {  	s18 =	sld [smem:$0x3FFB];
	_ =	sdelay $0x3  }
0x92: {  	_ =	strace s18  }
0x93: {  	s3 =	sld [smem:$0x3FFC];
	_ =	sdelay $0x3  }
0x94: {  	_ =	strace s3  }
0x95: {  	s3 =	sld [smem:$0x3FFD];
	_ =	sdelay $0x3  }
0x96: {  	_ =	strace s3  }
0x97: {  	_ =	strace $0x8FFFFFFF  }
0x98: {  	s19 =	sld [smem:$0x3FDB];
	_ =	sdelay $0x1  }
0x99: {  	s4 =	simm.s32 $_scs_section_size  }
0x9a: {  	s5 =	simm.s32 $_size__tile_overlayer_lowered;
	s6 =	simm.s32 $_tile_overlayer_lowered  }
0x9b: {  	s22 =	simm.s32 $0x1BFF;
	s21 =	sshll.u32 s6, $0x1;
	s3 =	sadd.s32 s4, s19  }
0x9c: {  	s7 =	simm.s32 $0x0;
	s20 =	sshll.u32 s5, $0x1;
	s5 =	sadd.s32 s21, s3  }
0x9d: {  	[timem:s7], [sflag:s22] =	dma.local [hbm:s5], s20  }
0x9e: {  	_ =	swait.ge [sflag:s22], s20  }
0x9f: {  	s4 =	ssub.s32 $0x0, s20;
	[sflag:s22] =	ssyncset.done $0x0  }
0xa0: {  	[sflag:s22] =	ssyncadd.s32 s4;
	_ =	sdelay $0x1  }
0xa1: {  	s23 =	simm.s32 $0x1B8B  }
0xa2: {  	_ =	swait.ge [sflag:s23], $0x1  }
0xa3: {  	[sflag:s23] =	ssyncset.done $0x0  }
0xa4: {  	s25 =	simm.s32 $0x1B8E;
	s24 =	sld [smem:$0x3FFE];
	[sflag:s23] =	ssyncadd.s32 $0xFFFFFFFF  }
0xa5: {  	s26 =	simm.s32 $execute0_lowered;
	[smem:$0x3FD2] =	sst s25  }
0xa6: {  	s5 =	sshll.u32 s26, $0x1;
	_ =	strace $0x8000004C;
	[dreg:$0x1] =	wrdreg $0xFFFFFFFF  }
0xa7: {  	s28 =	simm.s32 $_size_execute0_lowered;
	s3 =	sadd.s32 s3, s5;
	[dreg:$0x0] =	wrdreg $0x0  }
0xa8: {  	s5 =	sshll.u32 s28, $0x1;
	[dreg:$0x2] =	wrdreg s3  }
0xa9: {  	[dreg:$0x3] =	wrdreg s5  }
0xaa: {  	[dreg:$0x4] =	wrdreg $0xC0  }
0xab: {  	_ =	task [dreg:s7], $0x5FFFF  }
0xac: {  	[dreg:$0x1] =	wrdreg $0xFFFFFFFF  }
0xad: {  	[dreg:$0x0] =	wrdreg $0x60  }
0xae: {  	[dreg:$0x2] =	wrdreg s24  }
0xaf: {  	[dreg:$0x3] =	wrdreg s2  }
0xb0: {  	[dreg:$0x4] =	wrdreg $0x68000  }
0xb1: {  	[dreg:$0x5] =	wrdreg $0x9  }
0xb2: {  	_ =	task.clear_ibuf [dreg:s7], $0x6FFFF;
	_ =	strace $0x9000004C  }
0xb3: {  	s29 =	simm.s32 $0x9;
	_ =	strace $0x8000004E  }
0xb4: {  	_ =	swait.ge [sflag:s29], $0x1  }
0xb5: {  	[sflag:s29] =	ssyncadd.s32 $0xFFFFFFFF  }
0xb6: {  	_ =	strace $0x9000004E  }
0xb7: {  	_ =	sfence  }
0xb8: {  	s30 =	sld [smem:$0x0];
	_ =	sdelay $0x2  }
0xb9: {  	s31 =	sshll.u32 s1, $0xD;
	s1 =	sshrl.u32 s1, $0x2  }
0xba: {  	s3 =	sand.u32 $0x4000, s31;
	s1 =	sadd.s32 s1, s30  }
0xbb: {  	s0 =	sor.u32 s3, s0;
	s1 =	sshll.u32 s1, $0x11  }
0xbc: {  	s0 =	sor.u32 s1, s0  }
0xbd: {  	s0 =	sadd.s32 $0x8F2B, s0  }
0xbe: {  	[sflag:s0] =	ssyncadd.remote.s32 $0x1  }
0xbf: {  	_ =	sfence.sel $0xFFFF  }
0xc0: {  	[dreg:$0x0] =	wrdreg $0xFFFFFFFF;
	(pc) =	sbr.abs _section_cstart, $3  }
0xc1: {  	[dreg:$0x1] =	wrdreg $0xFFFFFFFF  }
0xc2: {  	_ =	task.clear_ibuf [dreg:s7], $0x2FFFF;
	_ =	strace $0x9FFFFFFF  }
0xc3: {  	(tm) =	ssettm $0x7FFFFFFF  }
tec
execute0_lowered:
.L_overlay_start_1:
0x0: {  	(tag) =	ssettag $0x1  }
0x1: {  	s1 =	rddreg [dreg:$0x0]  }
0x2: {  	s0 =	srdreg.scid;
	s5 =	rddreg [dreg:$0x1]  }
0x3: {  	s16 =	stileid.u32;
	s2 =	rddreg [dreg:$0x2];
	s3 =	simm.s32 $0x0  }
0x4: {  	s15 =	simm.s32 $0x5;
	s20 =	simm.s32 $0x20;
	s21 =	simm.s32 $0x2800  }
0x5: {  	s28 =	simm.s32 $0x1;
	s29 =	simm.s32 $0x3000;
	s30 =	simm.s32 $0x2  }
0x6: {  	s31 =	simm.s32 $0x4000;
	s0 =	sand.u32 $0x1, s0;
	s6 =	smul.u32 $0x1400, s16  }
0x7: {  	[smem:$0x7FF] =	sst s3;
	s22 =	sadd.s32 $0x83800, s1;
	s9 =	smul.u32 $0x4E000, s16  }
0x8: {  	s14 =	sadd.s32 $0xAAA00, s1;
	s12 =	smul.u32 $0x2700, s16;
	s10 =	sadd.s32 $0x138000, s2  }
0x9: {  	s11 =	sadd.s32 $0x27000, s5;
	p1 =	sne.s32 s16, $0xF;
	s26 =	sshll.u32 s16, $0x6  }
0xa: {  	p2 =	seq.s32 s16, $0xF;
	s16 =	simm.s32 $0x4;
	s4 =	smul.u32 $0x14000, s0  }
0xb: {  	_ =	strace $0x8000004D;
	s7 =	ssub.s32 $0x2, s0;
	[dreg:$0x4] =	wrdreg s22  }
0xc: {  	p0 =	seq.s32 s0, $0x1;
	[dreg:$0x5] =	wrdreg s14;
	s17 =	sor.u32 $0x1C05, s26  }
0xd: {  	s19 =	sshrl.u32 @!p1 s10, $0x3;
	s26 =	simm.s32 $0x5800;
	s0 =	simm.s32 $0x5000  }
0xe: {  	s23 =	sshrl.u32 s7, $0x1;
	s9 =	sshrl.u32 s9, $0x2;
	s24 =	sadd.s32 s22, s12  }
0xf: {  	s25 =	sadd.s32 s14, s12;
	s22 =	simm.s32 $0x3800;
	s4 =	sadd.s32 s6, s4  }
0x10: {  	s13 =	sadd.s32 s9, s2;
	s9 =	sadd.s32 s5, s12;
	[dreg:$0x6] =	wrdreg s24  }
.Ltmp0:
0x11: {  	[dreg:$0x7] =	wrdreg s25;
	s24 =	simm.s32 $0x4800;
	(pc) =	sbr.rel .LBB2_1-.Ltmp0, $4  }
0x12: {  	s25 =	simm.s32 $0x60;
	s12 =	simm.s32 $0x6000;
	s6 =	sshrl.u32 s4, $0x3  }
0x13: {  	s5 =	simm.s32 $0x0;
	s4 =	sadd.s32 $0x5C600, s1;
	s8 =	sadd.s32 s6, s1  }
0x14: {  	s18 =	sshrl.u32 s13, $0x3;
	s1 =	ssub.s32 s7, s23;
	s7 =	sadd.s32 $0x9000, s8  }
0x15: {  	vm0 =	vmmov $0xffff;
	s8 =	sadd.s32 $0x4000, s8;
	s14 =	smax.u32 s1, $0x1;
	s1 =	simm.s32 $0x3  }
.LBB2_6:
0x16: {  	s6 =	sadd.s32 $0x27000, s13;
	s23 =	sshrl.u32 s10, $0x3  }
0x17: {  	[hbm:s6], [sflag:s17] =	dma.local [spmem:s23], $0x100  }
0x18: {  	_ =	swait.ge [sflag:s15], $0x100  }
0x19: {  	[sflag:s15] =	ssyncset.done $0x0  }
0x1a: {  	[sflag:s15] =	ssyncadd.s32 $0xFFFFFF00  }
.LBB2_7:
0x1b: {  	s5 =	sadd.s32 $0x1, s5  }
0x1c: {  	p3 =	sne.s32 s5, s14  }
.Ltmp1:
0x1d: {  	_ = 	snop;
	(pc) =	sbr.rel @!p3 .LBB2_8-.Ltmp1, $1  }
0x1e: {  	_ =	sdelay $0x3  }
.LBB2_1:
0x1f: {  	[tilespmem:s3], [sflag:$0x5] =	stream.linear.gather [hbm4b:s7+s3], $0x1400, $0x38;
	[tilespmem:$0x1A280] =	vst v63  }
0x20: {  	_ =	swait.ge [sflag:s15], $0x1400  }
0x21: {  	[sflag:s15] =	ssyncset.done $0x0  }
0x22: {  	s6 =	simm.s32 $0x1400;
	[sflag:s15] =	ssyncadd.s32 $0xFFFFEC00  }
0x23: {  	[tilespmem:s6], [sflag:$0x5] =	stream.linear.gather [hbm4b:s8+s3], $0x1400, $0x38;
	[tilespmem:$0x1A280] =	vst v63  }
0x24: {  	_ =	swait.ge [sflag:s15], $0x1400  }
0x25: {  	[sflag:s15] =	ssyncset.done $0x0  }
0x26: {  	[sflag:s15] =	ssyncadd.s32 $0xFFFFEC00  }
0x27: {  	[spmem:s18], [sflag:s17] =	dma.local [hbm:s9], $0x2700  }
0x28: {  	_ =	swait.ge [sflag:s15], $0x2700  }
0x29: {  	[sflag:s15] =	ssyncset.done $0x0  }
0x2a: {  	s13 =	simm.s32 @!p1 $0x5;
	[sflag:s15] =	ssyncadd.s32 $0xFFFFD900  }
0x2b: {  	[spmem:s19], [sflag:s17] =	dma.local @!p1 [hbm:s11], $0x100  }
0x2c: {  	_ =	swait.ge @!p1 [sflag:s13], $0x100  }
0x2d: {  	[sflag:s13] =	ssyncset.done @!p1 $0x0  }
0x2e: {  	[sflag:s13] =	ssyncadd.s32 @!p1 $0xFFFFFF00  }
0x2f: {  	[bflag:$0x0] =	sbarrier.arrive $0xFFFF  }
0x30: {  	[tilespmem:s21], [sflag:$0x1] =	stream.indirect.gather [hbm4b:s4+s20], $0x80, s3, s20, $0xb8;
	[tilespmem:$0x1A280] =	vst v63  }
0x31: {  	_ = 	snop  }
0x32: {  	[tilespmem:s22], [sflag:$0x2] =	stream.indirect.gather [hbm4b:s4+s20], $0x80, s20, s20, $0xb8;
	[tilespmem:$0x1A280] =	vst v63  }
0x33: {  	s23 =	simm.s32 $0x40  }
0x34: {  	[tilespmem:s24], [sflag:$0x3] =	stream.indirect.gather [hbm4b:s4+s20], $0x80, s23, s20, $0xb8;
	[tilespmem:$0x1A280] =	vst v63  }
0x35: {  	s13 =	simm.s32 $0x0  }
0x36: {  	[tilespmem:s26], [sflag:$0x4] =	stream.indirect.gather [hbm4b:s4+s20], $0x80, s25, s20, $0xb8;
	[tilespmem:$0x1A280] =	vst v63  }
.LBB2_2:
0x37: {  	_ =	swait.ge [sflag:s28], $0x1000  }
0x38: {  	[sflag:s28] =	ssyncset.done $0x0  }
0x39: {  	s6 =	sshra.s32 s13, $0x2;
	[sflag:s28] =	ssyncadd.s32 $0xFFFFF000  }
0x3a: {  	v0 =	vld [tilespmem:s6+$0x1400];
	_ =	sdelay $0x7  }
0x3b: {  	[spmem:s2] =	stream.indirect_vreg.scatter.add.f32 [tilespmem:s21], [sflag:$0x5], $0x80, v0, vm0, $0xb8;
	[tilespmem:$0x1A280] =	vst v63  }
0x3c: {  	_ =	swait.ge [sflag:s15], $0x800  }
0x3d: {  	[sflag:s15] =	ssyncset.done $0x0  }
0x3e: {  	[sflag:s15] =	ssyncadd.s32 $0xFFFFF800  }
0x3f: {  	v57 =	vld [tilespmem:s6+$0x1410];
	_ =	sdelay $0x7  }
0x40: {  	[spmem:s2] =	stream.indirect_vreg.scatter.add.f32 [tilespmem:s29], [sflag:$0x5], $0x80, v57, vm0, $0xb8;
	[tilespmem:$0x1A280] =	vst v63  }
0x41: {  	_ =	swait.ge [sflag:s15], $0x800  }
0x42: {  	[sflag:s15] =	ssyncset.done $0x0  }
0x43: {  	s23 =	sadd.s32 $0x80, s6;
	[sflag:s15] =	ssyncadd.s32 $0xFFFFF800  }
0x44: {  	[tilespmem:s21], [sflag:$0x1] =	stream.indirect.gather [hbm4b:s4+s20], $0x80, s23, s20, $0xb8;
	[tilespmem:$0x1A280] =	vst v63  }
0x45: {  	_ =	swait.ge [sflag:s30], $0x1000  }
0x46: {  	[sflag:s30] =	ssyncset.done $0x0  }
0x47: {  	[sflag:s30] =	ssyncadd.s32 $0xFFFFF000  }
0x48: {  	v58 =	vld [tilespmem:s6+$0x1420];
	_ =	sdelay $0x7  }
0x49: {  	[spmem:s2] =	stream.indirect_vreg.scatter.add.f32 [tilespmem:s22], [sflag:$0x5], $0x80, v58, vm0, $0xb8;
	[tilespmem:$0x1A280] =	vst v63  }
0x4a: {  	_ =	swait.ge [sflag:s15], $0x800  }
0x4b: {  	[sflag:s15] =	ssyncset.done $0x0  }
0x4c: {  	[sflag:s15] =	ssyncadd.s32 $0xFFFFF800  }
0x4d: {  	v59 =	vld [tilespmem:s6+$0x1430];
	_ =	sdelay $0x7  }
0x4e: {  	[spmem:s2] =	stream.indirect_vreg.scatter.add.f32 [tilespmem:s31], [sflag:$0x5], $0x80, v59, vm0, $0xb8;
	[tilespmem:$0x1A280] =	vst v63  }
0x4f: {  	_ =	swait.ge [sflag:s15], $0x800  }
0x50: {  	[sflag:s15] =	ssyncset.done $0x0  }
0x51: {  	s23 =	sadd.s32 $0xA0, s6;
	[sflag:s15] =	ssyncadd.s32 $0xFFFFF800  }
0x52: {  	[tilespmem:s22], [sflag:$0x2] =	stream.indirect.gather [hbm4b:s4+s20], $0x80, s23, s20, $0xb8;
	[tilespmem:$0x1A280] =	vst v63  }
0x53: {  	_ =	swait.ge [sflag:s1], $0x1000  }
0x54: {  	[sflag:s1] =	ssyncset.done $0x0  }
0x55: {  	[sflag:s1] =	ssyncadd.s32 $0xFFFFF000  }
0x56: {  	v60 =	vld [tilespmem:s6+$0x1440];
	_ =	sdelay $0x7  }
0x57: {  	[spmem:s2] =	stream.indirect_vreg.scatter.add.f32 [tilespmem:s24], [sflag:$0x5], $0x80, v60, vm0, $0xb8;
	[tilespmem:$0x1A280] =	vst v63  }
0x58: {  	_ =	swait.ge [sflag:s15], $0x800  }
0x59: {  	[sflag:s15] =	ssyncset.done $0x0  }
0x5a: {  	[sflag:s15] =	ssyncadd.s32 $0xFFFFF800  }
0x5b: {  	v61 =	vld [tilespmem:s6+$0x1450];
	_ =	sdelay $0x7  }
0x5c: {  	[spmem:s2] =	stream.indirect_vreg.scatter.add.f32 [tilespmem:s0], [sflag:$0x5], $0x80, v61, vm0, $0xb8;
	[tilespmem:$0x1A280] =	vst v63  }
0x5d: {  	_ =	swait.ge [sflag:s15], $0x800  }
0x5e: {  	[sflag:s15] =	ssyncset.done $0x0  }
0x5f: {  	s23 =	sadd.s32 $0xC0, s6;
	[sflag:s15] =	ssyncadd.s32 $0xFFFFF800  }
0x60: {  	[tilespmem:s24], [sflag:$0x3] =	stream.indirect.gather [hbm4b:s4+s20], $0x80, s23, s20, $0xb8;
	[tilespmem:$0x1A280] =	vst v63  }
0x61: {  	_ =	swait.ge [sflag:s16], $0x1000  }
0x62: {  	[sflag:s16] =	ssyncset.done $0x0  }
0x63: {  	[sflag:s16] =	ssyncadd.s32 $0xFFFFF000  }
0x64: {  	v62 =	vld [tilespmem:s6+$0x1460];
	_ =	sdelay $0x7  }
0x65: {  	[spmem:s2] =	stream.indirect_vreg.scatter.add.f32 [tilespmem:s26], [sflag:$0x5], $0x80, v62, vm0, $0xb8;
	[tilespmem:$0x1A280] =	vst v63  }
0x66: {  	_ =	swait.ge [sflag:s15], $0x800  }
0x67: {  	[sflag:s15] =	ssyncset.done $0x0  }
0x68: {  	[sflag:s15] =	ssyncadd.s32 $0xFFFFF800  }
0x69: {  	v63 =	vld [tilespmem:s6+$0x1470];
	_ =	sdelay $0x6  }
0x6a: {  	p3 =	sne.s32 s13, $0x4C00  }
0x6b: {  	[spmem:s2] =	stream.indirect_vreg.scatter.add.f32 [tilespmem:s12], [sflag:$0x5], $0x80, v63, vm0, $0xb8;
	[tilespmem:$0x1A280] =	vst v63  }
.Ltmp2:
0x6c: {  	_ = 	snop;
	(pc) =	sbr.rel @p3 .LBB2_2-.Ltmp2, $4  }
0x6d: {  	_ =	swait.ge [sflag:s15], $0x800  }
0x6e: {  	[sflag:s15] =	ssyncset.done $0x0  }
0x6f: {  	s13 =	sadd.s32 $0x200, s13;
	s6 =	sadd.s32 $0xE0, s6;
	[sflag:s15] =	ssyncadd.s32 $0xFFFFF800  }
0x70: {  	[tilespmem:s26], [sflag:$0x4] =	stream.indirect.gather [hbm4b:s4+s20], $0x80, s6, s20, $0xb8;
	[tilespmem:$0x1A280] =	vst v63  }
0x71: {  	_ =	swait.ge [sflag:s28], $0x1000  }
0x72: {  	[sflag:s28] =	ssyncset.done $0x0  }
0x73: {  	[sflag:s28] =	ssyncadd.s32 $0xFFFFF000  }
0x74: {  	v0 =	vld [tilespmem:$0x2780];
	_ =	sdelay $0x7  }
0x75: {  	[spmem:s2] =	stream.indirect_vreg.scatter.add.f32 [tilespmem:s21], [sflag:$0x5], $0x80, v0, vm0, $0xb8;
	[tilespmem:$0x1A280] =	vst v63  }
0x76: {  	_ =	swait.ge [sflag:s15], $0x800  }
0x77: {  	[sflag:s15] =	ssyncset.done $0x0  }
0x78: {  	[sflag:s15] =	ssyncadd.s32 $0xFFFFF800  }
0x79: {  	v57 =	vld [tilespmem:$0x2790];
	_ =	sdelay $0x7  }
0x7a: {  	[spmem:s2] =	stream.indirect_vreg.scatter.add.f32 [tilespmem:s29], [sflag:$0x5], $0x80, v57, vm0, $0xb8;
	[tilespmem:$0x1A280] =	vst v63  }
0x7b: {  	_ =	swait.ge [sflag:s15], $0x800  }
0x7c: {  	[sflag:s15] =	ssyncset.done $0x0  }
0x7d: {  	[sflag:s15] =	ssyncadd.s32 $0xFFFFF800  }
0x7e: {  	_ =	swait.ge [sflag:s30], $0x1000  }
0x7f: {  	[sflag:s30] =	ssyncset.done $0x0  }
0x80: {  	[sflag:s30] =	ssyncadd.s32 $0xFFFFF000  }
0x81: {  	v58 =	vld [tilespmem:$0x27A0];
	_ =	sdelay $0x7  }
0x82: {  	[spmem:s2] =	stream.indirect_vreg.scatter.add.f32 [tilespmem:s22], [sflag:$0x5], $0x80, v58, vm0, $0xb8;
	[tilespmem:$0x1A280] =	vst v63  }
0x83: {  	_ =	swait.ge [sflag:s15], $0x800  }
0x84: {  	[sflag:s15] =	ssyncset.done $0x0  }
0x85: {  	[sflag:s15] =	ssyncadd.s32 $0xFFFFF800  }
0x86: {  	v59 =	vld [tilespmem:$0x27B0];
	_ =	sdelay $0x7  }
0x87: {  	[spmem:s2] =	stream.indirect_vreg.scatter.add.f32 [tilespmem:s31], [sflag:$0x5], $0x80, v59, vm0, $0xb8;
	[tilespmem:$0x1A280] =	vst v63  }
0x88: {  	_ =	swait.ge [sflag:s15], $0x800  }
0x89: {  	[sflag:s15] =	ssyncset.done $0x0  }
0x8a: {  	[sflag:s15] =	ssyncadd.s32 $0xFFFFF800  }
0x8b: {  	_ =	swait.ge [sflag:s1], $0x1000  }
0x8c: {  	[sflag:s1] =	ssyncset.done $0x0  }
0x8d: {  	[sflag:s1] =	ssyncadd.s32 $0xFFFFF000  }
0x8e: {  	v60 =	vld [tilespmem:$0x27C0];
	_ =	sdelay $0x7  }
0x8f: {  	[spmem:s2] =	stream.indirect_vreg.scatter.add.f32 [tilespmem:s24], [sflag:$0x5], $0x80, v60, vm0, $0xb8;
	[tilespmem:$0x1A280] =	vst v63  }
0x90: {  	_ =	swait.ge [sflag:s15], $0x800  }
0x91: {  	[sflag:s15] =	ssyncset.done $0x0  }
0x92: {  	[sflag:s15] =	ssyncadd.s32 $0xFFFFF800  }
0x93: {  	v61 =	vld [tilespmem:$0x27D0];
	_ =	sdelay $0x7  }
0x94: {  	[spmem:s2] =	stream.indirect_vreg.scatter.add.f32 [tilespmem:s0], [sflag:$0x5], $0x80, v61, vm0, $0xb8;
	[tilespmem:$0x1A280] =	vst v63  }
0x95: {  	_ =	swait.ge [sflag:s15], $0x800  }
0x96: {  	[sflag:s15] =	ssyncset.done $0x0  }
0x97: {  	[sflag:s15] =	ssyncadd.s32 $0xFFFFF800  }
0x98: {  	_ =	swait.ge [sflag:s16], $0x1000  }
0x99: {  	[sflag:s16] =	ssyncset.done $0x0  }
0x9a: {  	[sflag:s16] =	ssyncadd.s32 $0xFFFFF000  }
0x9b: {  	v62 =	vld [tilespmem:$0x27E0];
	_ =	sdelay $0x7  }
0x9c: {  	[spmem:s2] =	stream.indirect_vreg.scatter.add.f32 [tilespmem:s26], [sflag:$0x5], $0x80, v62, vm0, $0xb8;
	[tilespmem:$0x1A280] =	vst v63  }
0x9d: {  	_ =	swait.ge [sflag:s15], $0x800  }
0x9e: {  	[sflag:s15] =	ssyncset.done $0x0  }
0x9f: {  	[sflag:s15] =	ssyncadd.s32 $0xFFFFF800  }
0xa0: {  	v63 =	vld [tilespmem:$0x27F0];
	_ =	sdelay $0x7  }
0xa1: {  	[spmem:s2] =	stream.indirect_vreg.scatter.add.f32 [tilespmem:s12], [sflag:$0x5], $0x80, v63, vm0, $0xb8;
	[tilespmem:$0x1A280] =	vst v63  }
.Ltmp3:
0xa2: {  	_ =	swait.ge [sflag:s15], $0x800;
	(pc) =	sbr.rel @!p0 .LBB2_4-.Ltmp3, $3  }
0xa3: {  	[sflag:s15] =	ssyncset.done $0x0  }
0xa4: {  	[sflag:s15] =	ssyncadd.s32 $0xFFFFF800  }
0xa5: {  	[bflag:$0x0] =	sbarrier.arrive $0xFFFF;
	_ =	sdelay $0x1  }
0xa6: {  	s6 =	rddreg [dreg:$0x7]  }
0xa7: {  	[hbm:s6], [sflag:s17] =	dma.local [spmem:s18], $0x2700  }
.Ltmp4:
0xa8: {  	_ = 	snop;
	(pc) =	sbr.rel @p1 .LBB2_7-.Ltmp4, $4  }
.Ltmp5:
0xa9: {  	_ = 	snop;
	(pc) =	sbr.rel @!p1 .LBB2_6-.Ltmp5, $4  }
0xaa: {  	_ =	swait.ge [sflag:s15], $0x2700  }
0xab: {  	[sflag:s15] =	ssyncset.done $0x0  }
0xac: {  	s13 =	rddreg [dreg:$0x5];
	[sflag:s15] =	ssyncadd.s32 $0xFFFFD900  }
0xad: {  	_ = 	snop  }
.LBB2_4:
0xae: {  	s6 =	rddreg [dreg:$0x6]  }
0xaf: {  	[hbm:s6], [sflag:s17] =	dma.local [spmem:s18], $0x2700  }
.Ltmp6:
0xb0: {  	_ = 	snop;
	(pc) =	sbr.rel @p2 .LBB2_6-.Ltmp6, $4  }
.Ltmp7:
0xb1: {  	_ = 	snop;
	(pc) =	sbr.rel @!p2 .LBB2_7-.Ltmp7, $4  }
0xb2: {  	_ =	swait.ge [sflag:s15], $0x2700  }
0xb3: {  	[sflag:s15] =	ssyncset.done $0x0  }
0xb4: {  	s13 =	rddreg [dreg:$0x4];
	[sflag:s15] =	ssyncadd.s32 $0xFFFFD900  }
0xb5: {  	_ = 	snop  }
.LBB2_8:
0xb6: {  	_ =	sfence.sel $0x180000  }
0xb7: {  	[bflag:$0x0] =	sbarrier.arrive $0xFFFF  }
0xb8: {  	_ =	strace $0x9000004D  }
0xb9: {  	s0 =	stileid.u32;
	[bflag:$0x2] =	sbarrier.arrive $0xFFFF  }
0xba: {  	p0 =	sne.s32 s0, $0x0;
	s0 =	rddreg [dreg:$0x3]  }
0xbb: {  	s0 =	sadd.s32 @!p0 $0x100000, s0  }
0xbc: {  	[sflag:s0] =	ssyncadd.tile.s32 @!p0 $0x1;
	_ =	shalt  }
.Lfunc_end2:
_tile_overlayer_lowered:
.L_overlay_start_2:
0xbd: {  	(tag) =	ssettag $0x2  }
0xbe: {  	s0 =	rddreg [dreg:$0x0];
	s2 =	stileid.u32  }
0xbf: {  	s1 =	rddreg [dreg:$0x1];
	p0 =	sne.s32 s2, $0x0  }
0xc0: {  	s3 =	rddreg [dreg:$0x2];
	[bflag:$0x3] =	sbarrier.arrive $0xFFFF;
	s2 =	simm.s32 @!p0 $0x1C05  }
0xc1: {  	[timem:s3], [sflag:s2] =	dma.local @!p0 [hbm:s0], s1  }
0xc2: {  	s0 =	simm.s32 @!p0 $0x5  }
0xc3: {  	_ =	swait.ge @!p0 [sflag:s0], s1  }
0xc4: {  	s1 =	ssub.s32 @!p0 $0x0, s1;
	[sflag:s0] =	ssyncset.done @!p0 $0x0  }
0xc5: {  	[sflag:s0] =	ssyncadd.s32 @!p0 s1  }
0xc6: {  	[bflag:$0x3] =	sbarrier.arrive $0xFFFF  }
0xc7: {  	_ =	shalt  }

// kernel: kernel.8.cloned.1.call-start
scs
__scs_entry_jumppad:
0x0: {  	(pc) =	sbr.rel $0x88, $3  }
0x1: {  	(tag) =	ssettag $0x0;
	lr =	simm.s32 $0x1  }
0x2: {  	[smem:$0x3F98] =	sst lr;
	_ =	strace $0xD0000000  }
0x3: {  	_ = 	snop  }
0x4: {  	_ = 	snop  }
0x5: {  	_ = 	snop  }
0x6: {  	_ = 	snop  }
0x7: {  	_ = 	snop  }
__scs_overlays_trampoline_lowered:
0x8: {  	[smem:$0x3FA7] =	sst s0  }
0x9: {  	[smem:$0x3FA8] =	sst s1  }
0xa: {  	[smem:$0x3FA9] =	sst s2  }
0xb: {  	[smem:$0x3FAA] =	sst s3  }
0xc: {  	[smem:$0x3FAB] =	sst s4  }
0xd: {  	[smem:$0x3FAC] =	sst s5  }
0xe: {  	[smem:$0x3FAD] =	sst s6  }
0xf: {  	[smem:$0x3FAE] =	sst s7  }
0x10: {  	[smem:$0x3FAF] =	sst s8  }
0x11: {  	[smem:$0x3FB0] =	sst s9;
	s0 =	simm.s32 @!p0 $0x0  }
0x12: {  	s1 =	sld [smem:$0x3F96];
	s0 =	simm.s32 @p0 $0x1  }
0x13: {  	[smem:$0x3FB1] =	sst s0;
	s0 =	simm.s32 @!p1 $0x0  }
0x14: {  	s2 =	sld [smem:$0x3F95];
	s0 =	simm.s32 @p1 $0x1  }
0x15: {  	[smem:$0x3FB2] =	sst s0;
	s0 =	simm.s32 @!p2 $0x0  }
0x16: {  	s3 =	sld [smem:$0x3FDB];
	s0 =	simm.s32 @p2 $0x1  }
0x17: {  	s4 =	simm.s32 $0x1BF5;
	[smem:$0x3FB4] =	sst s0  }
0x18: {  	s0 =	sld [smem:$0x3F97];
	_ =	swait.ge [sflag:s4], $0x0  }
0x19: {  	s7 =	sld [smem:$0x3F98]  }
0x1a: {  	s8 =	sadd.s32 $0xFFFFE003, lr  }
0x1b: {  	s9 =	sadd.s32 $0xFFFFFEF7, lr;
	s5 =	simm.s32 $0xFFFFFFFF;
	p2 =	slt.u32 s8, $0xFFFFF086  }
0x1c: {  	p1 =	slt.u32 s9, $0xF7A;
	s5 =	simm.s32 @!p2 $0x0  }
0x1d: {  	s5 =	simm.s32 @p1 $0x1;
	p0 =	seq.s32 s7, s2  }
0x1e: {  	s7 =	smul.u32 @!p0 $0xF7A, s2;
	p2 =	seq.s32 @!p0 s5, $0x0  }
0x1f: {  	s9 =	smul.u32 $0xF7A, s1;
	s8 =	simm.s32 @!p0 $0x1BF5;
	p2 =	por !p2, p0  }
0x20: {  	[sflag:s8] =	ssyncset.s32 @!p0 $0xFFFFF086;
	s6 =	sadd.s32 @!p0 s3, s7;
	s7 =	simm.s32 @!p0 $0x108  }
0x21: {  	s3 =	sadd.s32 s3, s9;
	s6 =	sadd.s32 @!p0 $0x88, s6;
	s7 =	simm.s32 @p2 $0x1082  }
0x22: {  	[simem:s7], [sflag:s8] =	dma.local @!p0 [hbm:s6], $0xF7A  }
0x23: {  	s9 =	sor.u32 $0xD0000000, s2;
	s6 =	simm.s32 $0x108;
	_ =	swait.ge @!p0 [sflag:s8], $0x0  }
0x24: {  	s3 =	sadd.s32 $0x88, s3;
	s6 =	simm.s32 @!p1 $0x1082;
	[sflag:s4] =	ssyncset.s32 $0xFFFFF086  }
0x25: {  	[simem:s6], [sflag:s4] =	dma.local [hbm:s3], $0xF7A  }
0x26: {  	[smem:$0x3F98] =	sst s1;
	(tag) =	ssettag s2;
	_ =	strace s9  }
0x27: {  	s1 =	sld [smem:$0x3FA8]  }
0x28: {  	s2 =	sld [smem:$0x3FA9]  }
0x29: {  	s4 =	sld [smem:$0x3FAB]  }
0x2a: {  	p0 =	seq.s32 s5, $0x0;
	s5 =	sld [smem:$0x3FAC]  }
0x2b: {  	s6 =	sld [smem:$0x3FAD]  }
0x2c: {  	s7 =	sld [smem:$0x3FAE]  }
0x2d: {  	s3 =	simm.s32 $0x108;
	s8 =	sld [smem:$0x3FAF]  }
0x2e: {  	s3 =	simm.s32 @!p0 $0x1082;
	s9 =	sld [smem:$0x3FB0]  }
0x2f: {  	lr =	sadd.s32 s0, s3;
	s0 =	sld [smem:$0x3FA7]  }
0x30: {  	s3 =	sld [smem:$0x3FAA]  }
0x31: {  	[smem:$0x3FB3] =	sst s10  }
0x32: {  	s10 =	sld [smem:$0x3FB1];
	_ =	sdelay $0x3  }
0x33: {  	p0 =	seq.s32 s10, $0x1;
	s10 =	sld [smem:$0x3FB3];
	_ =	sdelay $0x3  }
0x34: {  	[smem:$0x3FB3] =	sst s10  }
0x35: {  	s10 =	sld [smem:$0x3FB2];
	_ =	sdelay $0x3  }
0x36: {  	p1 =	seq.s32 s10, $0x1;
	s10 =	sld [smem:$0x3FB3];
	_ =	sdelay $0x3  }
0x37: {  	[smem:$0x3FB3] =	sst s10  }
0x38: {  	s10 =	sld [smem:$0x3FB4]  }
0x39: {  	_ = 	snop;
	(pc) =	sbr.ind lr, $3  }
0x3a: {  	_ = 	snop  }
0x3b: {  	_ = 	snop  }
0x3c: {  	p2 =	seq.s32 s10, $0x1;
	s10 =	sld [smem:$0x3FB3]  }
0x3d: {  	_ =	shalt  }
0x3e: {  	_ =	shalt  }
0x3f: {  	_ =	shalt  }
0x40: {  	_ =	shalt  }
0x41: {  	_ =	shalt  }
0x42: {  	_ =	shalt  }
0x43: {  	_ =	shalt  }
0x44: {  	_ =	shalt  }
0x45: {  	_ =	shalt  }
0x46: {  	_ =	shalt  }
0x47: {  	_ =	shalt  }
0x48: {  	_ =	shalt  }
0x49: {  	_ =	shalt  }
0x4a: {  	_ =	shalt  }
0x4b: {  	_ =	shalt  }
0x4c: {  	_ =	shalt  }
0x4d: {  	_ =	shalt  }
0x4e: {  	_ =	shalt  }
0x4f: {  	_ =	shalt  }
0x50: {  	_ =	shalt  }
0x51: {  	_ =	shalt  }
0x52: {  	_ =	shalt  }
0x53: {  	_ =	shalt  }
0x54: {  	_ =	shalt  }
0x55: {  	_ =	shalt  }
0x56: {  	_ =	shalt  }
0x57: {  	_ =	shalt  }
0x58: {  	_ =	shalt  }
0x59: {  	_ =	shalt  }
0x5a: {  	_ =	shalt  }
0x5b: {  	_ =	shalt  }
0x5c: {  	_ =	shalt  }
0x5d: {  	_ =	shalt  }
0x5e: {  	_ =	shalt  }
0x5f: {  	_ =	shalt  }
0x60: {  	_ =	shalt  }
0x61: {  	_ =	shalt  }
0x62: {  	_ =	shalt  }
0x63: {  	_ =	shalt  }
0x64: {  	_ =	shalt  }
0x65: {  	_ =	shalt  }
0x66: {  	_ =	shalt  }
0x67: {  	_ =	shalt  }
0x68: {  	_ =	shalt  }
0x69: {  	_ =	shalt  }
0x6a: {  	_ =	shalt  }
0x6b: {  	_ =	shalt  }
0x6c: {  	_ =	shalt  }
0x6d: {  	_ =	shalt  }
0x6e: {  	_ =	shalt  }
0x6f: {  	_ =	shalt  }
0x70: {  	_ =	shalt  }
0x71: {  	_ =	shalt  }
0x72: {  	_ =	shalt  }
0x73: {  	_ =	shalt  }
0x74: {  	_ =	shalt  }
0x75: {  	_ =	shalt  }
0x76: {  	_ =	shalt  }
0x77: {  	_ =	shalt  }
0x78: {  	_ =	shalt  }
0x79: {  	_ =	shalt  }
0x7a: {  	_ =	shalt  }
0x7b: {  	_ =	shalt  }
0x7c: {  	_ =	shalt  }
0x7d: {  	_ =	shalt  }
0x7e: {  	_ =	shalt  }
0x7f: {  	_ =	shalt  }
0x80: {  	_ =	shalt  }
0x81: {  	_ =	shalt  }
0x82: {  	_ =	shalt  }
0x83: {  	_ =	shalt  }
0x84: {  	_ =	shalt  }
0x85: {  	_ =	shalt  }
0x86: {  	_ =	shalt  }
0x87: {  	_ =	shalt  }
.Lfunc_end0:
.L_simem_size_0:
called_computation_lowered:
.L_overlay_start_0:
0x88: {  	s2 =	sld [smem:$0x3FD9]  }
0x89: {  	s3 =	sld [smem:$0x3FFE];
	_ =	sdelay $0x1  }
0x8a: {  	s1 =	srdreg.scid  }
0x8b: {  	s0 =	sand.u32 $0x1, s1  }
0x8c: {  	s17 =	sshll.u32 s0, $0xA;
	s2 =	sadd.s32 s3, s2  }
0x8d: {  	s2 =	sadd.s32 s2, s17  }
0x8e: {  	[smem:$0x3FBF] =	sst s2  }
0x8f: {  	_ = 	snop  }
0x90: {  	s2 =	sld [smem:$0x3FD0];
	(tm) =	ssettm $0x1  }
0x91: {  	s18 =	sld [smem:$0x3FFB];
	_ =	sdelay $0x3  }
0x92: {  	_ =	strace s18  }
0x93: {  	s3 =	sld [smem:$0x3FFC];
	_ =	sdelay $0x3  }
0x94: {  	_ =	strace s3  }
0x95: {  	s3 =	sld [smem:$0x3FFD];
	_ =	sdelay $0x3  }
0x96: {  	_ =	strace s3  }
0x97: {  	_ =	strace $0x8FFFFFFF  }
0x98: {  	s19 =	sld [smem:$0x3FDB];
	_ =	sdelay $0x1  }
0x99: {  	s4 =	simm.s32 $_scs_section_size  }
0x9a: {  	s5 =	simm.s32 $_size__tile_overlayer_lowered;
	s6 =	simm.s32 $_tile_overlayer_lowered  }
0x9b: {  	s22 =	simm.s32 $0x1BFF;
	s21 =	sshll.u32 s6, $0x1;
	s3 =	sadd.s32 s4, s19  }
0x9c: {  	s7 =	simm.s32 $0x0;
	s20 =	sshll.u32 s5, $0x1;
	s5 =	sadd.s32 s21, s3  }
0x9d: {  	[timem:s7], [sflag:s22] =	dma.local [hbm:s5], s20  }
0x9e: {  	_ =	swait.ge [sflag:s22], s20  }
0x9f: {  	s4 =	ssub.s32 $0x0, s20;
	[sflag:s22] =	ssyncset.done $0x0  }
0xa0: {  	[sflag:s22] =	ssyncadd.s32 s4;
	_ =	sdelay $0x1  }
0xa1: {  	s23 =	simm.s32 $0x1B8B  }
0xa2: {  	_ =	swait.ge [sflag:s23], $0x1  }
0xa3: {  	[sflag:s23] =	ssyncset.done $0x0  }
0xa4: {  	s25 =	simm.s32 $0x1B8E;
	s24 =	sld [smem:$0x3FFE];
	[sflag:s23] =	ssyncadd.s32 $0xFFFFFFFF  }
0xa5: {  	s26 =	simm.s32 $execute0_lowered;
	[smem:$0x3FD2] =	sst s25  }
0xa6: {  	s5 =	sshll.u32 s26, $0x1;
	_ =	strace $0x80000046;
	[dreg:$0x1] =	wrdreg $0xFFFFFFFF  }
0xa7: {  	s28 =	simm.s32 $_size_execute0_lowered;
	s3 =	sadd.s32 s3, s5;
	[dreg:$0x0] =	wrdreg $0x0  }
0xa8: {  	s5 =	sshll.u32 s28, $0x1;
	[dreg:$0x2] =	wrdreg s3  }
0xa9: {  	[dreg:$0x3] =	wrdreg s5  }
0xaa: {  	[dreg:$0x4] =	wrdreg $0xC0  }
0xab: {  	_ =	task [dreg:s7], $0x5FFFF  }
0xac: {  	[dreg:$0x1] =	wrdreg $0xFFFFFFFF  }
0xad: {  	[dreg:$0x0] =	wrdreg $0x60  }
0xae: {  	[dreg:$0x2] =	wrdreg s24  }
0xaf: {  	[dreg:$0x3] =	wrdreg s2  }
0xb0: {  	[dreg:$0x4] =	wrdreg $0x1C000  }
0xb1: {  	[dreg:$0x5] =	wrdreg $0x9  }
0xb2: {  	_ =	task.clear_ibuf [dreg:s7], $0x6FFFF;
	_ =	strace $0x90000046  }
0xb3: {  	s29 =	simm.s32 $0x9;
	_ =	strace $0x80000048  }
0xb4: {  	_ =	swait.ge [sflag:s29], $0x1  }
0xb5: {  	[sflag:s29] =	ssyncadd.s32 $0xFFFFFFFF  }
0xb6: {  	_ =	strace $0x90000048  }
0xb7: {  	_ =	sfence  }
0xb8: {  	s30 =	sld [smem:$0x0];
	_ =	sdelay $0x2  }
0xb9: {  	s31 =	sshll.u32 s1, $0xD;
	s1 =	sshrl.u32 s1, $0x2  }
0xba: {  	s3 =	sand.u32 $0x4000, s31;
	s1 =	sadd.s32 s1, s30  }
0xbb: {  	s0 =	sor.u32 s3, s0;
	s1 =	sshll.u32 s1, $0x11  }
0xbc: {  	s0 =	sor.u32 s1, s0  }
0xbd: {  	s0 =	sadd.s32 $0x8F2B, s0  }
0xbe: {  	[sflag:s0] =	ssyncadd.remote.s32 $0x1  }
0xbf: {  	_ =	sfence.sel $0xFFFF  }
0xc0: {  	[dreg:$0x0] =	wrdreg $0xFFFFFFFF;
	(pc) =	sbr.abs _section_cstart, $3  }
0xc1: {  	[dreg:$0x1] =	wrdreg $0xFFFFFFFF  }
0xc2: {  	_ =	task.clear_ibuf [dreg:s7], $0x2FFFF;
	_ =	strace $0x9FFFFFFF  }
0xc3: {  	(tm) =	ssettm $0x7FFFFFFF  }
tec
execute0_lowered:
.L_overlay_start_1:
0x0: {  	(tag) =	ssettag $0x1  }
0x1: {  	s6 =	rddreg [dreg:$0x0];
	s1 =	srdreg.scid  }
0x2: {  	s0 =	stileid.u32;
	s9 =	rddreg [dreg:$0x1]  }
0x3: {  	s2 =	rddreg [dreg:$0x2];
	s3 =	simm.s32 $0x0;
	s14 =	simm.s32 $0x1  }
0x4: {  	s19 =	simm.s32 $0x0;
	s10 =	sand.u32 $0x1, s1;
	s1 =	rddreg [dreg:$0x3]  }
0x5: {  	s30 =	sshll.u32 s0, $0x1;
	[smem:$0x7FF] =	sst s3;
	s11 =	smul.u32 $0x4E000, s0  }
0x6: {  	s5 =	sadd.s32 $0xE200, s6;
	s13 =	smul.u32 $0x2700, s0;
	s18 =	sadd.s32 $0x138000, s2  }
0x7: {  	p1 =	sne.s32 s0, $0xF;
	s15 =	sshll.u32 s0, $0x6;
	p2 =	seq.s32 s0, $0xF  }
0x8: {  	s4 =	sor.u32 s10, s30;
	_ =	strace $0x80000047;
	s8 =	ssub.s32 $0x2, s10  }
0x9: {  	p0 =	seq.s32 s10, $0x1;
	s15 =	sor.u32 $0x1C01, s15;
	s17 =	sshrl.u32 @!p1 s18, $0x3  }
0xa: {  	s18 =	sshrl.u32 s18, $0x3;
	s4 =	smul.u32 $0x280, s4;
	s12 =	sshrl.u32 s8, $0x1  }
.Ltmp0:
0xb: {  	s31 =	sshrl.u32 s11, $0x2;
	s10 =	sadd.s32 s5, s13;
	(pc) =	sbr.rel .LBB2_1-.Ltmp0, $4  }
0xc: {  	s12 =	ssub.s32 s8, s12;
	s16 =	sadd.s32 s31, s2;
	s8 =	sadd.s32 s9, s13  }
0xd: {  	s9 =	sadd.s32 $0x27000, s9;
	s7 =	sadd.s32 s4, s6;
	s4 =	sadd.s32 $0xE000, s6  }
0xe: {  	s6 =	sadd.s32 $0x35400, s6;
	s12 =	smax.u32 s12, $0x1;
	s16 =	sshrl.u32 s16, $0x3  }
0xf: {  	vm0 =	vmmov $0xffff;
	s7 =	sadd.s32 $0x4000, s7;
	s11 =	sadd.s32 s6, s13;
	s13 =	simm.s32 $0x1400  }
.LBB2_6:
0x10: {  	s20 =	sadd.s32 $0x27000, s20  }
0x11: {  	[hbm:s20], [sflag:s15] =	dma.local [spmem:s18], $0x100  }
0x12: {  	_ =	swait.ge [sflag:s14], $0x100  }
0x13: {  	[sflag:s14] =	ssyncset.done $0x0  }
0x14: {  	[sflag:s14] =	ssyncadd.s32 $0xFFFFFF00  }
.LBB2_7:
0x15: {  	s19 =	sadd.s32 $0x1, s19  }
0x16: {  	p3 =	sne.s32 s19, s12  }
.Ltmp1:
0x17: {  	_ = 	snop;
	(pc) =	sbr.rel @!p3 .LBB2_8-.Ltmp1, $1  }
0x18: {  	_ =	sdelay $0x3  }
.LBB2_1:
0x19: {  	[tilespmem:s13], [sflag:$0x1] =	stream.linear.gather [hbm4b:s4+s3], $0x800, $0x38;
	[tilespmem:$0x15680] =	vst v63  }
0x1a: {  	_ =	swait.ge [sflag:s14], $0x800  }
0x1b: {  	[sflag:s14] =	ssyncset.done $0x0  }
0x1c: {  	[sflag:s14] =	ssyncadd.s32 $0xFFFFF800  }
0x1d: {  	[tilespmem:s3], [sflag:$0x1] =	stream.linear.gather [hbm4b:s7+s3], $0x1400, $0x38;
	[tilespmem:$0x15680] =	vst v63  }
0x1e: {  	_ =	swait.ge [sflag:s14], $0x1400  }
0x1f: {  	[sflag:s14] =	ssyncset.done $0x0  }
0x20: {  	[sflag:s14] =	ssyncadd.s32 $0xFFFFEC00  }
0x21: {  	[spmem:s16], [sflag:s15] =	dma.local [hbm:s8], $0x2700  }
0x22: {  	_ =	swait.ge [sflag:s14], $0x2700  }
0x23: {  	[sflag:s14] =	ssyncset.done $0x0  }
0x24: {  	s20 =	simm.s32 @!p1 $0x1;
	[sflag:s14] =	ssyncadd.s32 $0xFFFFD900  }
0x25: {  	[spmem:s17], [sflag:s15] =	dma.local @!p1 [hbm:s9], $0x100  }
0x26: {  	_ =	swait.ge @!p1 [sflag:s20], $0x100  }
0x27: {  	[sflag:s20] =	ssyncset.done @!p1 $0x0  }
0x28: {  	[sflag:s20] =	ssyncadd.s32 @!p1 $0xFFFFFF00  }
0x29: {  	s31 =	simm.s32 $0x0;
	[bflag:$0x0] =	sbarrier.arrive $0xFFFF  }
0x2a: {  	s20 =	simm.s32 $0x40;
	v0 =	vld [tilespmem:s31+$0x0]  }
.LBB2_2:
0x2b: {  	p3 =	sne.s32 s20, $0x4FC0;
	_ =	sdelay $0x6  }
0x2c: {  	[spmem:s2] =	stream.indirect_vreg.scatter.add.f32 [tilespmem:s13], [sflag:$0x1], $0x80, v0, vm0, $0xb8;
	[tilespmem:$0x15680] =	vst v63  }
.Ltmp2:
0x2d: {  	_ = 	snop;
	(pc) =	sbr.rel @p3 .LBB2_2-.Ltmp2, $4  }
0x2e: {  	_ =	swait.ge [sflag:s14], $0x800  }
0x2f: {  	[sflag:s14] =	ssyncset.done $0x0  }
0x30: {  	s21 =	sshra.s32 s20, $0x2;
	[sflag:s14] =	ssyncadd.s32 $0xFFFFF800  }
0x31: {  	s20 =	sadd.s32 $0x40, s20;
	v0 =	vld [tilespmem:s21+$0x0]  }
0x32: {  	_ =	sdelay $0x7  }
0x33: {  	[spmem:s2] =	stream.indirect_vreg.scatter.add.f32 [tilespmem:s13], [sflag:$0x1], $0x80, v0, vm0, $0xb8;
	[tilespmem:$0x15680] =	vst v63  }
.Ltmp3:
0x34: {  	_ =	swait.ge [sflag:s14], $0x800;
	(pc) =	sbr.rel @!p0 .LBB2_4-.Ltmp3, $3  }
0x35: {  	[sflag:s14] =	ssyncset.done $0x0  }
0x36: {  	[sflag:s14] =	ssyncadd.s32 $0xFFFFF800  }
0x37: {  	[bflag:$0x0] =	sbarrier.arrive $0xFFFF;
	_ =	sdelay $0x1  }
0x38: {  	[hbm:s11], [sflag:s15] =	dma.local [spmem:s16], $0x2700  }
.Ltmp4:
0x39: {  	_ = 	snop;
	(pc) =	sbr.rel @p1 .LBB2_7-.Ltmp4, $4  }
.Ltmp5:
0x3a: {  	_ = 	snop;
	(pc) =	sbr.rel @!p1 .LBB2_6-.Ltmp5, $4  }
0x3b: {  	_ =	swait.ge [sflag:s14], $0x2700  }
0x3c: {  	[sflag:s14] =	ssyncset.done $0x0  }
0x3d: {  	s20 =	smov.u32 s6;
	[sflag:s14] =	ssyncadd.s32 $0xFFFFD900  }
0x3e: {  	_ = 	snop  }
.LBB2_4:
0x3f: {  	[hbm:s10], [sflag:s15] =	dma.local [spmem:s16], $0x2700  }
.Ltmp6:
0x40: {  	_ = 	snop;
	(pc) =	sbr.rel @p2 .LBB2_6-.Ltmp6, $4  }
.Ltmp7:
0x41: {  	_ = 	snop;
	(pc) =	sbr.rel @!p2 .LBB2_7-.Ltmp7, $4  }
0x42: {  	_ =	swait.ge [sflag:s14], $0x2700  }
0x43: {  	[sflag:s14] =	ssyncset.done $0x0  }
0x44: {  	s20 =	smov.u32 s5;
	[sflag:s14] =	ssyncadd.s32 $0xFFFFD900  }
0x45: {  	_ = 	snop  }
.LBB2_8:
0x46: {  	_ =	sfence.sel $0x180000  }
0x47: {  	[bflag:$0x0] =	sbarrier.arrive $0xFFFF  }
0x48: {  	p0 =	sne.s32 s0, $0x0;
	_ =	strace $0x90000047  }
0x49: {  	s0 =	sadd.s32 @!p0 $0x100000, s1;
	[bflag:$0x2] =	sbarrier.arrive $0xFFFF  }
0x4a: {  	[sflag:s0] =	ssyncadd.tile.s32 @!p0 $0x1;
	_ =	shalt  }
.Lfunc_end2:
_tile_overlayer_lowered:
.L_overlay_start_2:
0x4b: {  	(tag) =	ssettag $0x2  }
0x4c: {  	s0 =	rddreg [dreg:$0x0];
	s2 =	stileid.u32  }
0x4d: {  	s1 =	rddreg [dreg:$0x1];
	p0 =	sne.s32 s2, $0x0  }
0x4e: {  	s3 =	rddreg [dreg:$0x2];
	[bflag:$0x3] =	sbarrier.arrive $0xFFFF;
	s2 =	simm.s32 @!p0 $0x1C01  }
0x4f: {  	[timem:s3], [sflag:s2] =	dma.local @!p0 [hbm:s0], s1  }
0x50: {  	s0 =	simm.s32 @!p0 $0x1  }
0x51: {  	_ =	swait.ge @!p0 [sflag:s0], s1  }
0x52: {  	s1 =	ssub.s32 @!p0 $0x0, s1;
	[sflag:s0] =	ssyncset.done @!p0 $0x0  }
0x53: {  	[sflag:s0] =	ssyncadd.s32 @!p0 s1  }
0x54: {  	[bflag:$0x3] =	sbarrier.arrive $0xFFFF  }
0x55: {  	_ =	shalt  }

</sc_bundles>
